<compile_context>
chip_gen: v7x
topology: tpu7x:2x2x1
jax: 0.10.2.dev20260603
libtpu: 0.0.44.dev20260713+nightly
codegen_flags: <defaults>
</compile_context>

<pallas_src>
import functools

import jax
import jax.numpy as jnp
from jax import lax
from jax.experimental import pallas as pl
from jax.experimental.pallas import tpu as pltpu
from jax.experimental.pallas import tpu_sc as plsc

CUT0, CUT1 = 20000, 200000
D0, D1, D2 = 128, 32, 8
ED = 128
LANES = 16
CH = 640
M0, M1, M2 = 16383, 131071, 524287


def _sc_gather(xf, t0, t1, t2):
    n = xf.shape[0]
    info = plsc.get_sparse_core_info()
    nw = info.num_cores * info.num_subcores
    per_w = n // nw
    n_chunks = per_w // CH
    assert per_w % CH == 0 and n % nw == 0
    n4, n16 = n // 4, n // 16
    w_per_q, w_per_g = nw // 4, nw // 16

    mesh = plsc.VectorSubcoreMesh(core_axis_name="c", subcore_axis_name="s")

    @functools.partial(
        pl.kernel,
        out_type=(
            jax.ShapeDtypeStruct((n, D0), jnp.float32),
            jax.ShapeDtypeStruct((n4, 128), jnp.float32),
            jax.ShapeDtypeStruct((n16, 128), jnp.float32),
        ),
        mesh=mesh,
        compiler_params=pltpu.CompilerParams(use_tc_tiling_on_sc=False),
        scratch_types=[
            pltpu.VMEM((CH,), jnp.int32),
            pltpu.VMEM((CH,), jnp.int32),
            pltpu.VMEM((CH,), jnp.int32),
            pltpu.VMEM((CH,), jnp.int32),
            pltpu.VMEM((CH, D0), jnp.float32),
            pltpu.VMEM((CH, D1), jnp.float32),
            pltpu.VMEM((CH, D2), jnp.float32),
            pltpu.SemaphoreType.DMA,
            pltpu.SemaphoreType.DMA,
            pltpu.SemaphoreType.DMA,
        ],
    )
    def sc_kernel(x_hbm, t0_hbm, t1_hbm, t2_hbm, r0_hbm, r1p_hbm, r2p_hbm,
                  x_v, i0_v, i1_v, i2_v, r0_v, r1_v, r2_v, sem0, sem1, sem2):
        wid = lax.axis_index("s") * info.num_cores + lax.axis_index("c")
        w_base = wid * per_w
        q, g = wid // w_per_q, wid // w_per_g
        r1_row0 = (wid % w_per_q) * per_w
        r2_row0 = (wid % w_per_g) * per_w
        c1_off, c2_off = 32 * q, 8 * g

        def body(j, carry):
            base = w_base + j * CH
            pltpu.sync_copy(x_hbm.at[pl.ds(base, CH)], x_v)
            for i in range(CH // LANES):
                sl = pl.ds(i * LANES, LANES)
                xv = x_v[sl]
                zeros = jnp.zeros_like(xv)
                pv = base + i * LANES + lax.iota(jnp.int32, 16)
                i0_v[sl] = jnp.where(xv < CUT0, xv, pv & M0)
                d1 = pv & M1
                i1_v[sl] = jnp.where(
                    xv >= CUT0, jnp.where(xv < CUT1, xv - CUT0, d1), d1)
                i2_v[sl] = jnp.where(xv >= CUT1, xv - CUT1, pv & M2)
            c0 = pltpu.async_copy(t0_hbm.at[i0_v], r0_v, sem0)
            c1 = pltpu.async_copy(t1_hbm.at[i1_v], r1_v, sem1)
            c2 = pltpu.async_copy(t2_hbm.at[i2_v], r2_v, sem2)
            c0.wait()
            c1.wait()
            c2.wait()
            pltpu.sync_copy(r0_v, r0_hbm.at[pl.ds(base, CH)])
            pltpu.sync_copy(
                r1_v, r1p_hbm.at[pl.ds(r1_row0 + j * CH, CH), pl.ds(c1_off, D1)])
            pltpu.sync_copy(
                r2_v, r2p_hbm.at[pl.ds(r2_row0 + j * CH, CH), pl.ds(c2_off, D2)])
            return carry

        lax.fori_loop(0, n_chunks, body, 0)

    return sc_kernel(xf, t0, t1, t2)


def _tc_project(cid, r0, r1p, r2p, w0, w1t, w2t):
    n = r0.shape[0]
    bm = 6400
    nb1 = (n // 4) // bm
    nb2 = (n // 16) // bm

    def body(cb, r0b, r1b, r2b, w0b, w1b, w2b, ob):
        q = pl.program_id(1)
        g = 4 * q + pl.program_id(0) // nb2
        riota = lax.broadcasted_iota(jnp.int32, (128, 1), 0)
        w1sel = jnp.where((riota >= D1 * q) & (riota < D1 * q + D1),
                          w1b[...], 0.0)
        w2sel = jnp.where((riota >= D2 * g) & (riota < D2 * g + D2),
                          w2b[...], 0.0)
        e0 = jnp.dot(r0b[...], w0b[...], preferred_element_type=jnp.float32)
        e1 = jnp.dot(r1b[...], w1sel, preferred_element_type=jnp.float32)
        e2 = jnp.dot(r2b[...], w2sel, preferred_element_type=jnp.float32)
        cv = cb[...].astype(jnp.int32)
        ob[...] = jnp.where(cv == 0, e0, jnp.where(cv == 1, e1, e2))

    return pl.pallas_call(
        body,
        grid=(nb1, 4),
        in_specs=[
            pl.BlockSpec((bm, 1), lambda i, j: (j * nb1 + i, 0)),
            pl.BlockSpec((bm, D0), lambda i, j: (j * nb1 + i, 0)),
            pl.BlockSpec((bm, 128), lambda i, j: (i, 0)),
            pl.BlockSpec((bm, 128), lambda i, j: (i % nb2, 0)),
            pl.BlockSpec((D0, ED), lambda i, j: (0, 0)),
            pl.BlockSpec((D0, ED), lambda i, j: (0, 0)),
            pl.BlockSpec((D0, ED), lambda i, j: (0, 0)),
        ],
        out_specs=pl.BlockSpec((bm, ED), lambda i, j: (j * nb1 + i, 0)),
        out_shape=jax.ShapeDtypeStruct((n, ED), jnp.float32),
    )(cid, r0, r1p, r2p, w0, w1t, w2t)


def kernel(x, t0, t1, t2, w0, w1, w2):
    b, s = x.shape
    n = b * s
    xf = x.reshape(n)
    cid = ((xf >= CUT0).astype(jnp.int8) + (xf >= CUT1).astype(jnp.int8))
    r0, r1p, r2p = _sc_gather(xf, t0, t1, t2)
    w1t = jnp.tile(w1, (4, 1))
    w2t = jnp.tile(w2, (16, 1))
    out = _tc_project(cid.reshape(n, 1), r0, r1p, r2p, w0, w1t, w2t)
    return out.reshape(b, s, ED)

# --- scband reference (transcript-rebuilt; emitter-appended) ---
"""Pipeline reference for scband-adaptive-input-58360015618210 (READ-ONLY COPY).

The authoritative reference and input builder live on the scoring server;
editing this copy changes nothing except your own understanding.
"""

import jax, jax.numpy as jnp
import numpy as np

CUTS = (20000, 200000, 1000000)
SIZES = (20000, 180000, 800000)
DIMS = (128, 32, 8)
EMBED_DIM = 128
BATCH, SEQ = 1024, 200


def setup_inputs(seed: int = 0):
    key = jax.random.key(seed)
    ks = jax.random.split(key, 7)
    # token ids in [0, vocab_size)
    x = jax.random.randint(ks[0], (BATCH, SEQ), 0, CUTS[-1], dtype=jnp.int32)
    # per-cluster embedding tables (padding_idx=0 -> row 0 zeroed, as in nn.Embedding(padding_idx=0))
    t0 = (jax.random.normal(ks[1], (SIZES[0], DIMS[0]), dtype=jnp.float32) * 0.02).at[0].set(0.0)
    t1 = (jax.random.normal(ks[2], (SIZES[1], DIMS[1]), dtype=jnp.float32) * 0.02).at[0].set(0.0)
    t2 = (jax.random.normal(ks[3], (SIZES[2], DIMS[2]), dtype=jnp.float32) * 0.02).at[0].set(0.0)
    # per-cluster projection matrices for nn.Linear(dim_i, embed_dim, bias=False), stored as (dim_i, embed_dim)
    w0 = jax.random.normal(ks[4], (DIMS[0], EMBED_DIM), dtype=jnp.float32) * 0.02
    w1 = jax.random.normal(ks[5], (DIMS[1], EMBED_DIM), dtype=jnp.float32) * 0.02
    w2 = jax.random.normal(ks[6], (DIMS[2], EMBED_DIM), dtype=jnp.float32) * 0.02
    return {"x": x, "t0": t0, "t1": t1, "t2": t2, "w0": w0, "w1": w1, "w2": w2}


def reference(x, t0, t1, t2, w0, w1, w2):
    """Adaptive input embedding: route each token id to its vocabulary cluster,
    gather the (smaller) cluster embedding, and project up to embed_dim.
    (Implements the intended adaptive-input semantics; the original torch code's
    band mask for i>0 is a known bug that leaves output memory uninitialized.)"""
    tables = (t0, t1, t2)
    Ws = (w0, w1, w2)
    out = jnp.zeros(x.shape + (EMBED_DIM,), dtype=jnp.float32)
    prev = 0
    for i in range(len(CUTS)):
        cut = CUTS[i]
        mask = (x >= prev) & (x < cut)
        ids = jnp.clip(x - prev, 0, tables[i].shape[0] - 1)
        e = jnp.take(tables[i], ids, axis=0) @ Ws[i]  # gather then up-project
        out = jnp.where(mask[..., None], e, out)
        prev = cut
    return out

if __name__ == "__main__":
    import jax
    _d = setup_inputs()
    print(jax.jit(kernel)(*tuple(_d.values())))

</pallas_src>

<mosaic_0001>
#map = affine_map<(d0, d1) -> (0)>
#map1 = affine_map<(d0, d1) -> (0, 0)>
module attributes {stable_mosaic.version = 14 : i64} {
  func.func @sc_kernel(%arg0: i32, %arg1: i32, %arg2: memref<204800xi32, #tpu.memory_space<hbm>>, %arg3: memref<20000x128xf32, #tpu.memory_space<hbm>>, %arg4: memref<180000x32xf32, #tpu.memory_space<hbm>>, %arg5: memref<800000x8xf32, #tpu.memory_space<hbm>>, %arg6: memref<204800x128xf32, #tpu.memory_space<hbm>>, %arg7: memref<51200x128xf32, #tpu.memory_space<hbm>>, %arg8: memref<12800x128xf32, #tpu.memory_space<hbm>>, %arg9: memref<640xi32, #tpu.memory_space<vmem>>, %arg10: memref<640xi32, #tpu.memory_space<vmem>>, %arg11: memref<640xi32, #tpu.memory_space<vmem>>, %arg12: memref<640xi32, #tpu.memory_space<vmem>>, %arg13: memref<640x128xf32, #tpu.memory_space<vmem>>, %arg14: memref<640x32xf32, #tpu.memory_space<vmem>>, %arg15: memref<640x8xf32, #tpu.memory_space<vmem>>, %arg16: memref<!tpu.dma_semaphore, #tpu.memory_space<semaphore_mem>>, %arg17: memref<!tpu.dma_semaphore, #tpu.memory_space<semaphore_mem>>, %arg18: memref<!tpu.dma_semaphore, #tpu.memory_space<semaphore_mem>>) attributes {dimension_semantics = [#tpu.dimension_semantics<core_parallel>, #tpu.dimension_semantics<subcore_parallel>], iteration_bounds = array<i64: 2, 16>, scalar_prefetch = 0 : i64, scratch_operands = 10 : i64, tpu.core_type = #tpu.core_type<sc_vector_subcore>, window_params = [{transform_indices = #map}, {transform_indices = #map1}, {transform_indices = #map1}, {transform_indices = #map1}, {transform_indices = #map1}, {transform_indices = #map1}, {transform_indices = #map1}]} {
    %mul3A = arith.constant 2 : i32
    %mul3A_0 = arith.muli %arg1, %mul3A : i32
    %add3A = arith.addi %mul3A_0, %arg0 : i32
    %mul3A_1 = arith.constant 6400 : i32
    %mul3A_2 = arith.muli %add3A, %mul3A_1 : i32
    %jit3A = arith.constant 8 : i32
    %div3A = arith.divsi %add3A, %jit3A : i32
    %sign3A = arith.constant 0 : i32
    %sign3A_3 = arith.cmpi sgt, %add3A, %sign3A : i32
    %sign3A_4 = arith.extui %sign3A_3 : i1 to i32
    %sign3A_5 = arith.constant 0 : i32
    %sign3A_6 = arith.cmpi slt, %add3A, %sign3A_5 : i32
    %sign3A_7 = arith.extui %sign3A_6 : i1 to i32
    %sign3A_8 = arith.subi %sign3A_4, %sign3A_7 : i32
    %sign3A_9 = arith.constant 0 : i32
    %sign3A_10 = arith.cmpi sgt, %jit3A, %sign3A_9 : i32
    %sign3A_11 = arith.extui %sign3A_10 : i1 to i32
    %sign3A_12 = arith.constant 0 : i32
    %sign3A_13 = arith.cmpi slt, %jit3A, %sign3A_12 : i32
    %sign3A_14 = arith.extui %sign3A_13 : i1 to i32
    %sign3A_15 = arith.subi %sign3A_11, %sign3A_14 : i32
    %ne3A = arith.cmpi ne, %sign3A_8, %sign3A_15 : i32
    %rem3A = arith.remsi %add3A, %jit3A : i32
    %ne3A_16 = arith.constant 0 : i32
    %ne3A_17 = arith.cmpi ne, %rem3A, %ne3A_16 : i32
    %and3A = arith.andi %ne3A, %ne3A_17 : i1
    %sub3A = arith.constant 1 : i32
    %sub3A_18 = arith.subi %div3A, %sub3A : i32
    %select_n3A = arith.select %and3A, %sub3A_18, %div3A : i32
    %jit3A_19 = arith.constant 2 : i32
    %div3A_20 = arith.divsi %add3A, %jit3A_19 : i32
    %sign3A_21 = arith.constant 0 : i32
    %sign3A_22 = arith.cmpi sgt, %add3A, %sign3A_21 : i32
    %sign3A_23 = arith.extui %sign3A_22 : i1 to i32
    %sign3A_24 = arith.constant 0 : i32
    %sign3A_25 = arith.cmpi slt, %add3A, %sign3A_24 : i32
    %sign3A_26 = arith.extui %sign3A_25 : i1 to i32
    %sign3A_27 = arith.subi %sign3A_23, %sign3A_26 : i32
    %sign3A_28 = arith.constant 0 : i32
    %sign3A_29 = arith.cmpi sgt, %jit3A_19, %sign3A_28 : i32
    %sign3A_30 = arith.extui %sign3A_29 : i1 to i32
    %sign3A_31 = arith.constant 0 : i32
    %sign3A_32 = arith.cmpi slt, %jit3A_19, %sign3A_31 : i32
    %sign3A_33 = arith.extui %sign3A_32 : i1 to i32
    %sign3A_34 = arith.subi %sign3A_30, %sign3A_33 : i32
    %ne3A_35 = arith.cmpi ne, %sign3A_27, %sign3A_34 : i32
    %rem3A_36 = arith.remsi %add3A, %jit3A_19 : i32
    %ne3A_37 = arith.constant 0 : i32
    %ne3A_38 = arith.cmpi ne, %rem3A_36, %ne3A_37 : i32
    %and3A_39 = arith.andi %ne3A_35, %ne3A_38 : i1
    %sub3A_40 = arith.constant 1 : i32
    %sub3A_41 = arith.subi %div3A_20, %sub3A_40 : i32
    %select_n3A_42 = arith.select %and3A_39, %sub3A_41, %div3A_20 : i32
    %jit3A_43 = arith.constant 8 : i32
    %eq3A = arith.constant 0 : i32
    %eq3A_44 = arith.cmpi eq, %jit3A_43, %eq3A : i32
    %jit3A_45 = arith.constant 1 : i32
    %select_n3A_46 = arith.select %eq3A_44, %jit3A_45, %jit3A_43 : i32
    %rem3A_47 = arith.remsi %add3A, %select_n3A_46 : i32
    %ne3A_48 = arith.constant 0 : i32
    %ne3A_49 = arith.cmpi ne, %rem3A_47, %ne3A_48 : i32
    %lt3A = arith.constant 0 : i32
    %lt3A_50 = arith.cmpi slt, %rem3A_47, %lt3A : i32
    %lt3A_51 = arith.constant 0 : i32
    %lt3A_52 = arith.cmpi slt, %select_n3A_46, %lt3A_51 : i32
    %ne3A_53 = arith.xori %lt3A_50, %lt3A_52 : i1
    %and3A_54 = arith.andi %ne3A_53, %ne3A_49 : i1
    %add3A_55 = arith.addi %rem3A_47, %select_n3A_46 : i32
    %select_n3A_56 = arith.select %and3A_54, %add3A_55, %rem3A_47 : i32
    %mul3A_57 = arith.constant 6400 : i32
    %mul3A_58 = arith.muli %select_n3A_56, %mul3A_57 : i32
    %jit3A_59 = arith.constant 2 : i32
    %eq3A_60 = arith.constant 0 : i32
    %eq3A_61 = arith.cmpi eq, %jit3A_59, %eq3A_60 : i32
    %jit3A_62 = arith.constant 1 : i32
    %select_n3A_63 = arith.select %eq3A_61, %jit3A_62, %jit3A_59 : i32
    %rem3A_64 = arith.remsi %add3A, %select_n3A_63 : i32
    %ne3A_65 = arith.constant 0 : i32
    %ne3A_66 = arith.cmpi ne, %rem3A_64, %ne3A_65 : i32
    %lt3A_67 = arith.constant 0 : i32
    %lt3A_68 = arith.cmpi slt, %rem3A_64, %lt3A_67 : i32
    %lt3A_69 = arith.constant 0 : i32
    %lt3A_70 = arith.cmpi slt, %select_n3A_63, %lt3A_69 : i32
    %ne3A_71 = arith.xori %lt3A_68, %lt3A_70 : i1
    %and3A_72 = arith.andi %ne3A_71, %ne3A_66 : i1
    %add3A_73 = arith.addi %rem3A_64, %select_n3A_63 : i32
    %select_n3A_74 = arith.select %and3A_72, %add3A_73, %rem3A_64 : i32
    %mul3A_75 = arith.constant 6400 : i32
    %mul3A_76 = arith.muli %select_n3A_74, %mul3A_75 : i32
    %mul3A_77 = arith.constant 32 : i32
    %mul3A_78 = arith.muli %mul3A_77, %select_n3A : i32
    %mul3A_79 = arith.constant 8 : i32
    %mul3A_80 = arith.muli %mul3A_79, %select_n3A_42 : i32
    %scan3A = arith.constant 0 : i32
    %scan3A_81 = arith.constant 0 : i32
    %scan3A_82 = arith.constant 10 : i32
    %scan3A_83 = arith.addi %scan3A_81, %scan3A_82 : i32
    %scan3A_84 = arith.constant 1 : i32
    scf.for %scan3A_86 = %scan3A_81 to %scan3A_83 step %scan3A_84  : i32 {
      %mul3A_87 = arith.constant 640 : i32
      %mul3A_88 = arith.muli %scan3A_86, %mul3A_87 : i32
      %add3A_89 = arith.addi %mul3A_2, %mul3A_88 : i32
      "tpu.region"() ({
        %run_scoped3A = tpu.sem_alloc : memref<!tpu.dma_semaphore, #tpu.memory_space<semaphore_mem>>
        %dma_start3A_2227 = tpu.memref_slice %arg2[%add3A_89] : memref<204800xi32, #tpu.memory_space<hbm>> -> memref<640xi32, #tpu.memory_space<hbm>>
        %dma_start3A_2228 = tpu.memref_slice %arg2[%add3A_89] : memref<204800xi32, #tpu.memory_space<hbm>> -> memref<640xi32, #tpu.memory_space<hbm>>
        tpu.enqueue_dma source(%dma_start3A_2228 : memref<640xi32, #tpu.memory_space<hbm>>) target(%arg9 : memref<640xi32, #tpu.memory_space<vmem>>) target_semaphore(%run_scoped3A : memref<!tpu.dma_semaphore, #tpu.memory_space<semaphore_mem>>)
        %dma_wait3A_2229 = tpu.memref_slice %arg2[%add3A_89] : memref<204800xi32, #tpu.memory_space<hbm>> -> memref<640xi32, #tpu.memory_space<hbm>>
        %dma_wait3A_2230 = tpu.memref_slice %arg2[%add3A_89] : memref<204800xi32, #tpu.memory_space<hbm>> -> memref<640xi32, #tpu.memory_space<hbm>>
        tpu.wait_dma2 semaphore(%run_scoped3A : memref<!tpu.dma_semaphore, #tpu.memory_space<semaphore_mem>>) src(%dma_wait3A_2230 : memref<640xi32, #tpu.memory_space<hbm>>) dst(%arg9 : memref<640xi32, #tpu.memory_space<vmem>>)
        tpu.yield
      }) : () -> ()
      %get3A = arith.constant 0 : index
      %get3A_90 = tpu.vector_load %arg9[%get3A] {strides = array<i32>} : memref<640xi32, #tpu.memory_space<vmem>>, vector<16xi32>,
      %get3A_91 = vector.shape_cast %get3A_90 : vector<16xi32> to vector<16xi32>
      %broadcast_in_dim3A = arith.constant 0 : i32
      %broadcast_in_dim3A_92 = vector.broadcast %broadcast_in_dim3A : i32 to vector<16xi32>
      %add3A_93 = arith.constant 0 : i32
      %add3A_94 = arith.addi %add3A_89, %add3A_93 : i32
      %iota3A = tpu.iota {dimensions = array<i32: 0>} : vector<16xi32>
      %add3A_95 = vector.broadcast %add3A_94 : i32 to vector<16xi32>
      %add3A_96 = arith.addi %add3A_95, %iota3A : vector<16xi32>
      %lt3A_97 = arith.constant 20000 : i32
      %lt3A_98 = vector.broadcast %lt3A_97 : i32 to vector<16xi32>
      %lt3A_99 = arith.cmpi slt, %get3A_91, %lt3A_98 : vector<16xi32>
      %and3A_100 = arith.constant 16383 : i32
      %and3A_101 = vector.broadcast %and3A_100 : i32 to vector<16xi32>
      %and3A_102 = arith.andi %add3A_96, %and3A_101 : vector<16xi32>
      %select_n3A_103 = arith.select %lt3A_99, %get3A_91, %and3A_102 : vector<16xi1>, vector<16xi32>
      %swap3A = arith.constant 0 : index
      %swap3A_104 = tpu.vector_load %arg10[%swap3A] {strides = array<i32>} : memref<640xi32, #tpu.memory_space<vmem>>, vector<16xi32>,
      %swap3A_105 = vector.shape_cast %swap3A_104 : vector<16xi32> to vector<16xi32>
      %swap3A_106 = vector.shape_cast %select_n3A_103 : vector<16xi32> to vector<16xi32>
      tpu.vector_store %arg10[%swap3A], %swap3A_106 {strides = array<i32>} : memref<640xi32, #tpu.memory_space<vmem>>, vector<16xi32>,
      %and3A_107 = arith.constant 131071 : i32
      %and3A_108 = vector.broadcast %and3A_107 : i32 to vector<16xi32>
      %and3A_109 = arith.andi %add3A_96, %and3A_108 : vector<16xi32>
      %ge3A = arith.constant 20000 : i32
      %ge3A_110 = vector.broadcast %ge3A : i32 to vector<16xi32>
      %ge3A_111 = arith.cmpi sge, %get3A_91, %ge3A_110 : vector<16xi32>
      %lt3A_112 = arith.constant 200000 : i32
      %lt3A_113 = vector.broadcast %lt3A_112 : i32 to vector<16xi32>
      %lt3A_114 = arith.cmpi slt, %get3A_91, %lt3A_113 : vector<16xi32>
      %sub3A_115 = arith.constant 20000 : i32
      %sub3A_116 = vector.broadcast %sub3A_115 : i32 to vector<16xi32>
      %sub3A_117 = arith.subi %get3A_91, %sub3A_116 : vector<16xi32>
      %select_n3A_118 = arith.select %lt3A_114, %sub3A_117, %and3A_109 : vector<16xi1>, vector<16xi32>
      %select_n3A_119 = arith.select %ge3A_111, %select_n3A_118, %and3A_109 : vector<16xi1>, vector<16xi32>
      %swap3A_120 = arith.constant 0 : index
      %swap3A_121 = tpu.vector_load %arg11[%swap3A_120] {strides = array<i32>} : memref<640xi32, #tpu.memory_space<vmem>>, vector<16xi32>,
      %swap3A_122 = vector.shape_cast %swap3A_121 : vector<16xi32> to vector<16xi32>
      %swap3A_123 = vector.shape_cast %select_n3A_119 : vector<16xi32> to vector<16xi32>
      tpu.vector_store %arg11[%swap3A_120], %swap3A_123 {strides = array<i32>} : memref<640xi32, #tpu.memory_space<vmem>>, vector<16xi32>,
      %ge3A_124 = arith.constant 200000 : i32
      %ge3A_125 = vector.broadcast %ge3A_124 : i32 to vector<16xi32>
      %ge3A_126 = arith.cmpi sge, %get3A_91, %ge3A_125 : vector<16xi32>
      %sub3A_127 = arith.constant 200000 : i32
      %sub3A_128 = vector.broadcast %sub3A_127 : i32 to vector<16xi32>
      %sub3A_129 = arith.subi %get3A_91, %sub3A_128 : vector<16xi32>
      %and3A_130 = arith.constant 524287 : i32
      %and3A_131 = vector.broadcast %and3A_130 : i32 to vector<16xi32>
      %and3A_132 = arith.andi %add3A_96, %and3A_131 : vector<16xi32>
      %select_n3A_133 = arith.select %ge3A_126, %sub3A_129, %and3A_132 : vector<16xi1>, vector<16xi32>
      %swap3A_134 = arith.constant 0 : index
      %swap3A_135 = tpu.vector_load %arg12[%swap3A_134] {strides = array<i32>} : memref<640xi32, #tpu.memory_space<vmem>>, vector<16xi32>,
      %swap3A_136 = vector.shape_cast %swap3A_135 : vector<16xi32> to vector<16xi32>
      %swap3A_137 = vector.shape_cast %select_n3A_133 : vector<16xi32> to vector<16xi32>
      tpu.vector_store %arg12[%swap3A_134], %swap3A_137 {strides = array<i32>} : memref<640xi32, #tpu.memory_space<vmem>>, vector<16xi32>,
      %get3A_138 = arith.constant 16 : index
      %get3A_139 = tpu.vector_load %arg9[%get3A_138] {strides = array<i32>} : memref<640xi32, #tpu.memory_space<vmem>>, vector<16xi32>,
      %get3A_140 = vector.shape_cast %get3A_139 : vector<16xi32> to vector<16xi32>
      %broadcast_in_dim3A_141 = arith.constant 0 : i32
      %broadcast_in_dim3A_142 = vector.broadcast %broadcast_in_dim3A_141 : i32 to vector<16xi32>
      %add3A_143 = arith.constant 16 : i32
      %add3A_144 = arith.addi %add3A_89, %add3A_143 : i32
      %iota3A_145 = tpu.iota {dimensions = array<i32: 0>} : vector<16xi32>
      %add3A_146 = vector.broadcast %add3A_144 : i32 to vector<16xi32>
      %add3A_147 = arith.addi %add3A_146, %iota3A_145 : vector<16xi32>
      %lt3A_148 = arith.constant 20000 : i32
      %lt3A_149 = vector.broadcast %lt3A_148 : i32 to vector<16xi32>
      %lt3A_150 = arith.cmpi slt, %get3A_140, %lt3A_149 : vector<16xi32>
      %and3A_151 = arith.constant 16383 : i32
      %and3A_152 = vector.broadcast %and3A_151 : i32 to vector<16xi32>
      %and3A_153 = arith.andi %add3A_147, %and3A_152 : vector<16xi32>
      %select_n3A_154 = arith.select %lt3A_150, %get3A_140, %and3A_153 : vector<16xi1>, vector<16xi32>
      %swap3A_155 = arith.constant 16 : index
      %swap3A_156 = tpu.vector_load %arg10[%swap3A_155] {strides = array<i32>} : memref<640xi32, #tpu.memory_space<vmem>>, vector<16xi32>,
      %swap3A_157 = vector.shape_cast %swap3A_156 : vector<16xi32> to vector<16xi32>
      %swap3A_158 = vector.shape_cast %select_n3A_154 : vector<16xi32> to vector<16xi32>
      tpu.vector_store %arg10[%swap3A_155], %swap3A_158 {strides = array<i32>} : memref<640xi32, #tpu.memory_space<vmem>>, vector<16xi32>,
      %and3A_159 = arith.constant 131071 : i32
      %and3A_160 = vector.broadcast %and3A_159 : i32 to vector<16xi32>
      %and3A_161 = arith.andi %add3A_147, %and3A_160 : vector<16xi32>
      %ge3A_162 = arith.constant 20000 : i32
      %ge3A_163 = vector.broadcast %ge3A_162 : i32 to vector<16xi32>
      %ge3A_164 = arith.cmpi sge, %get3A_140, %ge3A_163 : vector<16xi32>
      %lt3A_165 = arith.constant 200000 : i32
      %lt3A_166 = vector.broadcast %lt3A_165 : i32 to vector<16xi32>
      %lt3A_167 = arith.cmpi slt, %get3A_140, %lt3A_166 : vector<16xi32>
      %sub3A_168 = arith.constant 20000 : i32
      %sub3A_169 = vector.broadcast %sub3A_168 : i32 to vector<16xi32>
      %sub3A_170 = arith.subi %get3A_140, %sub3A_169 : vector<16xi32>
      %select_n3A_171 = arith.select %lt3A_167, %sub3A_170, %and3A_161 : vector<16xi1>, vector<16xi32>
      %select_n3A_172 = arith.select %ge3A_164, %select_n3A_171, %and3A_161 : vector<16xi1>, vector<16xi32>
      %swap3A_173 = arith.constant 16 : index
      %swap3A_174 = tpu.vector_load %arg11[%swap3A_173] {strides = array<i32>} : memref<640xi32, #tpu.memory_space<vmem>>, vector<16xi32>,
      %swap3A_175 = vector.shape_cast %swap3A_174 : vector<16xi32> to vector<16xi32>
      %swap3A_176 = vector.shape_cast %select_n3A_172 : vector<16xi32> to vector<16xi32>
      tpu.vector_store %arg11[%swap3A_173], %swap3A_176 {strides = array<i32>} : memref<640xi32, #tpu.memory_space<vmem>>, vector<16xi32>,
      %ge3A_177 = arith.constant 200000 : i32
      %ge3A_178 = vector.broadcast %ge3A_177 : i32 to vector<16xi32>
      %ge3A_179 = arith.cmpi sge, %get3A_140, %ge3A_178 : vector<16xi32>
      %sub3A_180 = arith.constant 200000 : i32
      %sub3A_181 = vector.broadcast %sub3A_180 : i32 to vector<16xi32>
      %sub3A_182 = arith.subi %get3A_140, %sub3A_181 : vector<16xi32>
      %and3A_183 = arith.constant 524287 : i32
      %and3A_184 = vector.broadcast %and3A_183 : i32 to vector<16xi32>
      %and3A_185 = arith.andi %add3A_147, %and3A_184 : vector<16xi32>
      %select_n3A_186 = arith.select %ge3A_179, %sub3A_182, %and3A_185 : vector<16xi1>, vector<16xi32>
      %swap3A_187 = arith.constant 16 : index
      %swap3A_188 = tpu.vector_load %arg12[%swap3A_187] {strides = array<i32>} : memref<640xi32, #tpu.memory_space<vmem>>, vector<16xi32>,
      %swap3A_189 = vector.shape_cast %swap3A_188 : vector<16xi32> to vector<16xi32>
      %swap3A_190 = vector.shape_cast %select_n3A_186 : vector<16xi32> to vector<16xi32>
      tpu.vector_store %arg12[%swap3A_187], %swap3A_190 {strides = array<i32>} : memref<640xi32, #tpu.memory_space<vmem>>, vector<16xi32>,
      %get3A_191 = arith.constant 32 : index
      %get3A_192 = tpu.vector_load %arg9[%get3A_191] {strides = array<i32>} : memref<640xi32, #tpu.memory_space<vmem>>, vector<16xi32>,
      %get3A_193 = vector.shape_cast %get3A_192 : vector<16xi32> to vector<16xi32>
      %broadcast_in_dim3A_194 = arith.constant 0 : i32
      %broadcast_in_dim3A_195 = vector.broadcast %broadcast_in_dim3A_194 : i32 to vector<16xi32>
      %add3A_196 = arith.constant 32 : i32
      %add3A_197 = arith.addi %add3A_89, %add3A_196 : i32
      %iota3A_198 = tpu.iota {dimensions = array<i32: 0>} : vector<16xi32>
      %add3A_199 = vector.broadcast %add3A_197 : i32 to vector<16xi32>
      %add3A_200 = arith.addi %add3A_199, %iota3A_198 : vector<16xi32>
      %lt3A_201 = arith.constant 20000 : i32
      %lt3A_202 = vector.broadcast %lt3A_201 : i32 to vector<16xi32>
      %lt3A_203 = arith.cmpi slt, %get3A_193, %lt3A_202 : vector<16xi32>
      %and3A_204 = arith.constant 16383 : i32
      %and3A_205 = vector.broadcast %and3A_204 : i32 to vector<16xi32>
      %and3A_206 = arith.andi %add3A_200, %and3A_205 : vector<16xi32>
      %select_n3A_207 = arith.select %lt3A_203, %get3A_193, %and3A_206 : vector<16xi1>, vector<16xi32>
      %swap3A_208 = arith.constant 32 : index
      %swap3A_209 = tpu.vector_load %arg10[%swap3A_208] {strides = array<i32>} : memref<640xi32, #tpu.memory_space<vmem>>, vector<16xi32>,
      %swap3A_210 = vector.shape_cast %swap3A_209 : vector<16xi32> to vector<16xi32>
      %swap3A_211 = vector.shape_cast %select_n3A_207 : vector<16xi32> to vector<16xi32>
      tpu.vector_store %arg10[%swap3A_208], %swap3A_211 {strides = array<i32>} : memref<640xi32, #tpu.memory_space<vmem>>, vector<16xi32>,
      %and3A_212 = arith.constant 131071 : i32
      %and3A_213 = vector.broadcast %and3A_212 : i32 to vector<16xi32>
      %and3A_214 = arith.andi %add3A_200, %and3A_213 : vector<16xi32>
      %ge3A_215 = arith.constant 20000 : i32
      %ge3A_216 = vector.broadcast %ge3A_215 : i32 to vector<16xi32>
      %ge3A_217 = arith.cmpi sge, %get3A_193, %ge3A_216 : vector<16xi32>
      %lt3A_218 = arith.constant 200000 : i32
      %lt3A_219 = vector.broadcast %lt3A_218 : i32 to vector<16xi32>
      %lt3A_220 = arith.cmpi slt, %get3A_193, %lt3A_219 : vector<16xi32>
      %sub3A_221 = arith.constant 20000 : i32
      %sub3A_222 = vector.broadcast %sub3A_221 : i32 to vector<16xi32>
      %sub3A_223 = arith.subi %get3A_193, %sub3A_222 : vector<16xi32>
      %select_n3A_224 = arith.select %lt3A_220, %sub3A_223, %and3A_214 : vector<16xi1>, vector<16xi32>
      %select_n3A_225 = arith.select %ge3A_217, %select_n3A_224, %and3A_214 : vector<16xi1>, vector<16xi32>
      %swap3A_226 = arith.constant 32 : index
      %swap3A_227 = tpu.vector_load %arg11[%swap3A_226] {strides = array<i32>} : memref<640xi32, #tpu.memory_space<vmem>>, vector<16xi32>,
      %swap3A_228 = vector.shape_cast %swap3A_227 : vector<16xi32> to vector<16xi32>
      %swap3A_229 = vector.shape_cast %select_n3A_225 : vector<16xi32> to vector<16xi32>
      tpu.vector_store %arg11[%swap3A_226], %swap3A_229 {strides = array<i32>} : memref<640xi32, #tpu.memory_space<vmem>>, vector<16xi32>,
      %ge3A_230 = arith.constant 200000 : i32
      %ge3A_231 = vector.broadcast %ge3A_230 : i32 to vector<16xi32>
      %ge3A_232 = arith.cmpi sge, %get3A_193, %ge3A_231 : vector<16xi32>
      %sub3A_233 = arith.constant 200000 : i32
      %sub3A_234 = vector.broadcast %sub3A_233 : i32 to vector<16xi32>
      %sub3A_235 = arith.subi %get3A_193, %sub3A_234 : vector<16xi32>
      %and3A_236 = arith.constant 524287 : i32
      %and3A_237 = vector.broadcast %and3A_236 : i32 to vector<16xi32>
      %and3A_238 = arith.andi %add3A_200, %and3A_237 : vector<16xi32>
      %select_n3A_239 = arith.select %ge3A_232, %sub3A_235, %and3A_238 : vector<16xi1>, vector<16xi32>
      %swap3A_240 = arith.constant 32 : index
      %swap3A_241 = tpu.vector_load %arg12[%swap3A_240] {strides = array<i32>} : memref<640xi32, #tpu.memory_space<vmem>>, vector<16xi32>,
      %swap3A_242 = vector.shape_cast %swap3A_241 : vector<16xi32> to vector<16xi32>
      %swap3A_243 = vector.shape_cast %select_n3A_239 : vector<16xi32> to vector<16xi32>
      tpu.vector_store %arg12[%swap3A_240], %swap3A_243 {strides = array<i32>} : memref<640xi32, #tpu.memory_space<vmem>>, vector<16xi32>,
      %get3A_244 = arith.constant 48 : index
      %get3A_245 = tpu.vector_load %arg9[%get3A_244] {strides = array<i32>} : memref<640xi32, #tpu.memory_space<vmem>>, vector<16xi32>,
      %get3A_246 = vector.shape_cast %get3A_245 : vector<16xi32> to vector<16xi32>
      %broadcast_in_dim3A_247 = arith.constant 0 : i32
      %broadcast_in_dim3A_248 = vector.broadcast %broadcast_in_dim3A_247 : i32 to vector<16xi32>
      %add3A_249 = arith.constant 48 : i32
      %add3A_250 = arith.addi %add3A_89, %add3A_249 : i32
      %iota3A_251 = tpu.iota {dimensions = array<i32: 0>} : vector<16xi32>
      %add3A_252 = vector.broadcast %add3A_250 : i32 to vector<16xi32>
      %add3A_253 = arith.addi %add3A_252, %iota3A_251 : vector<16xi32>
      %lt3A_254 = arith.constant 20000 : i32
      %lt3A_255 = vector.broadcast %lt3A_254 : i32 to vector<16xi32>
      %lt3A_256 = arith.cmpi slt, %get3A_246, %lt3A_255 : vector<16xi32>
      %and3A_257 = arith.constant 16383 : i32
      %and3A_258 = vector.broadcast %and3A_257 : i32 to vector<16xi32>
      %and3A_259 = arith.andi %add3A_253, %and3A_258 : vector<16xi32>
      %select_n3A_260 = arith.select %lt3A_256, %get3A_246, %and3A_259 : vector<16xi1>, vector<16xi32>
      %swap3A_261 = arith.constant 48 : index
      %swap3A_262 = tpu.vector_load %arg10[%swap3A_261] {strides = array<i32>} : memref<640xi32, #tpu.memory_space<vmem>>, vector<16xi32>,
      %swap3A_263 = vector.shape_cast %swap3A_262 : vector<16xi32> to vector<16xi32>
      %swap3A_264 = vector.shape_cast %select_n3A_260 : vector<16xi32> to vector<16xi32>
      tpu.vector_store %arg10[%swap3A_261], %swap3A_264 {strides = array<i32>} : memref<640xi32, #tpu.memory_space<vmem>>, vector<16xi32>,
      %and3A_265 = arith.constant 131071 : i32
      %and3A_266 = vector.broadcast %and3A_265 : i32 to vector<16xi32>
      %and3A_267 = arith.andi %add3A_253, %and3A_266 : vector<16xi32>
      %ge3A_268 = arith.constant 20000 : i32
      %ge3A_269 = vector.broadcast %ge3A_268 : i32 to vector<16xi32>
      %ge3A_270 = arith.cmpi sge, %get3A_246, %ge3A_269 : vector<16xi32>
      %lt3A_271 = arith.constant 200000 : i32
      %lt3A_272 = vector.broadcast %lt3A_271 : i32 to vector<16xi32>
      %lt3A_273 = arith.cmpi slt, %get3A_246, %lt3A_272 : vector<16xi32>
      %sub3A_274 = arith.constant 20000 : i32
      %sub3A_275 = vector.broadcast %sub3A_274 : i32 to vector<16xi32>
      %sub3A_276 = arith.subi %get3A_246, %sub3A_275 : vector<16xi32>
      %select_n3A_277 = arith.select %lt3A_273, %sub3A_276, %and3A_267 : vector<16xi1>, vector<16xi32>
      %select_n3A_278 = arith.select %ge3A_270, %select_n3A_277, %and3A_267 : vector<16xi1>, vector<16xi32>
      %swap3A_279 = arith.constant 48 : index
      %swap3A_280 = tpu.vector_load %arg11[%swap3A_279] {strides = array<i32>} : memref<640xi32, #tpu.memory_space<vmem>>, vector<16xi32>,
      %swap3A_281 = vector.shape_cast %swap3A_280 : vector<16xi32> to vector<16xi32>
      %swap3A_282 = vector.shape_cast %select_n3A_278 : vector<16xi32> to vector<16xi32>
      tpu.vector_store %arg11[%swap3A_279], %swap3A_282 {strides = array<i32>} : memref<640xi32, #tpu.memory_space<vmem>>, vector<16xi32>,
      %ge3A_283 = arith.constant 200000 : i32
      %ge3A_284 = vector.broadcast %ge3A_283 : i32 to vector<16xi32>
      %ge3A_285 = arith.cmpi sge, %get3A_246, %ge3A_284 : vector<16xi32>
      %sub3A_286 = arith.constant 200000 : i32
      %sub3A_287 = vector.broadcast %sub3A_286 : i32 to vector<16xi32>
      %sub3A_288 = arith.subi %get3A_246, %sub3A_287 : vector<16xi32>
      %and3A_289 = arith.constant 524287 : i32
      %and3A_290 = vector.broadcast %and3A_289 : i32 to vector<16xi32>
      %and3A_291 = arith.andi %add3A_253, %and3A_290 : vector<16xi32>
      %select_n3A_292 = arith.select %ge3A_285, %sub3A_288, %and3A_291 : vector<16xi1>, vector<16xi32>
      %swap3A_293 = arith.constant 48 : index
      %swap3A_294 = tpu.vector_load %arg12[%swap3A_293] {strides = array<i32>} : memref<640xi32, #tpu.memory_space<vmem>>, vector<16xi32>,
      %swap3A_295 = vector.shape_cast %swap3A_294 : vector<16xi32> to vector<16xi32>
      %swap3A_296 = vector.shape_cast %select_n3A_292 : vector<16xi32> to vector<16xi32>
      tpu.vector_store %arg12[%swap3A_293], %swap3A_296 {strides = array<i32>} : memref<640xi32, #tpu.memory_space<vmem>>, vector<16xi32>,
      %get3A_297 = arith.constant 64 : index
      %get3A_298 = tpu.vector_load %arg9[%get3A_297] {strides = array<i32>} : memref<640xi32, #tpu.memory_space<vmem>>, vector<16xi32>,
      %get3A_299 = vector.shape_cast %get3A_298 : vector<16xi32> to vector<16xi32>
      %broadcast_in_dim3A_300 = arith.constant 0 : i32
      %broadcast_in_dim3A_301 = vector.broadcast %broadcast_in_dim3A_300 : i32 to vector<16xi32>
      %add3A_302 = arith.constant 64 : i32
      %add3A_303 = arith.addi %add3A_89, %add3A_302 : i32
      %iota3A_304 = tpu.iota {dimensions = array<i32: 0>} : vector<16xi32>
      %add3A_305 = vector.broadcast %add3A_303 : i32 to vector<16xi32>
      %add3A_306 = arith.addi %add3A_305, %iota3A_304 : vector<16xi32>
      %lt3A_307 = arith.constant 20000 : i32
      %lt3A_308 = vector.broadcast %lt3A_307 : i32 to vector<16xi32>
      %lt3A_309 = arith.cmpi slt, %get3A_299, %lt3A_308 : vector<16xi32>
      %and3A_310 = arith.constant 16383 : i32
      %and3A_311 = vector.broadcast %and3A_310 : i32 to vector<16xi32>
      %and3A_312 = arith.andi %add3A_306, %and3A_311 : vector<16xi32>
      %select_n3A_313 = arith.select %lt3A_309, %get3A_299, %and3A_312 : vector<16xi1>, vector<16xi32>
      %swap3A_314 = arith.constant 64 : index
      %swap3A_315 = tpu.vector_load %arg10[%swap3A_314] {strides = array<i32>} : memref<640xi32, #tpu.memory_space<vmem>>, vector<16xi32>,
      %swap3A_316 = vector.shape_cast %swap3A_315 : vector<16xi32> to vector<16xi32>
      %swap3A_317 = vector.shape_cast %select_n3A_313 : vector<16xi32> to vector<16xi32>
      tpu.vector_store %arg10[%swap3A_314], %swap3A_317 {strides = array<i32>} : memref<640xi32, #tpu.memory_space<vmem>>, vector<16xi32>,
      %and3A_318 = arith.constant 131071 : i32
      %and3A_319 = vector.broadcast %and3A_318 : i32 to vector<16xi32>
      %and3A_320 = arith.andi %add3A_306, %and3A_319 : vector<16xi32>
      %ge3A_321 = arith.constant 20000 : i32
      %ge3A_322 = vector.broadcast %ge3A_321 : i32 to vector<16xi32>
      %ge3A_323 = arith.cmpi sge, %get3A_299, %ge3A_322 : vector<16xi32>
      %lt3A_324 = arith.constant 200000 : i32
      %lt3A_325 = vector.broadcast %lt3A_324 : i32 to vector<16xi32>
      %lt3A_326 = arith.cmpi slt, %get3A_299, %lt3A_325 : vector<16xi32>
      %sub3A_327 = arith.constant 20000 : i32
      %sub3A_328 = vector.broadcast %sub3A_327 : i32 to vector<16xi32>
      %sub3A_329 = arith.subi %get3A_299, %sub3A_328 : vector<16xi32>
      %select_n3A_330 = arith.select %lt3A_326, %sub3A_329, %and3A_320 : vector<16xi1>, vector<16xi32>
      %select_n3A_331 = arith.select %ge3A_323, %select_n3A_330, %and3A_320 : vector<16xi1>, vector<16xi32>
      %swap3A_332 = arith.constant 64 : index
      %swap3A_333 = tpu.vector_load %arg11[%swap3A_332] {strides = array<i32>} : memref<640xi32, #tpu.memory_space<vmem>>, vector<16xi32>,
      %swap3A_334 = vector.shape_cast %swap3A_333 : vector<16xi32> to vector<16xi32>
      %swap3A_335 = vector.shape_cast %select_n3A_331 : vector<16xi32> to vector<16xi32>
      tpu.vector_store %arg11[%swap3A_332], %swap3A_335 {strides = array<i32>} : memref<640xi32, #tpu.memory_space<vmem>>, vector<16xi32>,
      %ge3A_336 = arith.constant 200000 : i32
      %ge3A_337 = vector.broadcast %ge3A_336 : i32 to vector<16xi32>
      %ge3A_338 = arith.cmpi sge, %get3A_299, %ge3A_337 : vector<16xi32>
      %sub3A_339 = arith.constant 200000 : i32
      %sub3A_340 = vector.broadcast %sub3A_339 : i32 to vector<16xi32>
      %sub3A_341 = arith.subi %get3A_299, %sub3A_340 : vector<16xi32>
      %and3A_342 = arith.constant 524287 : i32
      %and3A_343 = vector.broadcast %and3A_342 : i32 to vector<16xi32>
      %and3A_344 = arith.andi %add3A_306, %and3A_343 : vector<16xi32>
      %select_n3A_345 = arith.select %ge3A_338, %sub3A_341, %and3A_344 : vector<16xi1>, vector<16xi32>
      %swap3A_346 = arith.constant 64 : index
      %swap3A_347 = tpu.vector_load %arg12[%swap3A_346] {strides = array<i32>} : memref<640xi32, #tpu.memory_space<vmem>>, vector<16xi32>,
      %swap3A_348 = vector.shape_cast %swap3A_347 : vector<16xi32> to vector<16xi32>
      %swap3A_349 = vector.shape_cast %select_n3A_345 : vector<16xi32> to vector<16xi32>
      tpu.vector_store %arg12[%swap3A_346], %swap3A_349 {strides = array<i32>} : memref<640xi32, #tpu.memory_space<vmem>>, vector<16xi32>,
      %get3A_350 = arith.constant 80 : index
      %get3A_351 = tpu.vector_load %arg9[%get3A_350] {strides = array<i32>} : memref<640xi32, #tpu.memory_space<vmem>>, vector<16xi32>,
      %get3A_352 = vector.shape_cast %get3A_351 : vector<16xi32> to vector<16xi32>
      %broadcast_in_dim3A_353 = arith.constant 0 : i32
      %broadcast_in_dim3A_354 = vector.broadcast %broadcast_in_dim3A_353 : i32 to vector<16xi32>
      %add3A_355 = arith.constant 80 : i32
      %add3A_356 = arith.addi %add3A_89, %add3A_355 : i32
      %iota3A_357 = tpu.iota {dimensions = array<i32: 0>} : vector<16xi32>
      %add3A_358 = vector.broadcast %add3A_356 : i32 to vector<16xi32>
      %add3A_359 = arith.addi %add3A_358, %iota3A_357 : vector<16xi32>
      %lt3A_360 = arith.constant 20000 : i32
      %lt3A_361 = vector.broadcast %lt3A_360 : i32 to vector<16xi32>
      %lt3A_362 = arith.cmpi slt, %get3A_352, %lt3A_361 : vector<16xi32>
      %and3A_363 = arith.constant 16383 : i32
      %and3A_364 = vector.broadcast %and3A_363 : i32 to vector<16xi32>
      %and3A_365 = arith.andi %add3A_359, %and3A_364 : vector<16xi32>
      %select_n3A_366 = arith.select %lt3A_362, %get3A_352, %and3A_365 : vector<16xi1>, vector<16xi32>
      %swap3A_367 = arith.constant 80 : index
      %swap3A_368 = tpu.vector_load %arg10[%swap3A_367] {strides = array<i32>} : memref<640xi32, #tpu.memory_space<vmem>>, vector<16xi32>,
      %swap3A_369 = vector.shape_cast %swap3A_368 : vector<16xi32> to vector<16xi32>
      %swap3A_370 = vector.shape_cast %select_n3A_366 : vector<16xi32> to vector<16xi32>
      tpu.vector_store %arg10[%swap3A_367], %swap3A_370 {strides = array<i32>} : memref<640xi32, #tpu.memory_space<vmem>>, vector<16xi32>,
      %and3A_371 = arith.constant 131071 : i32
      %and3A_372 = vector.broadcast %and3A_371 : i32 to vector<16xi32>
      %and3A_373 = arith.andi %add3A_359, %and3A_372 : vector<16xi32>
      %ge3A_374 = arith.constant 20000 : i32
      %ge3A_375 = vector.broadcast %ge3A_374 : i32 to vector<16xi32>
      %ge3A_376 = arith.cmpi sge, %get3A_352, %ge3A_375 : vector<16xi32>
      %lt3A_377 = arith.constant 200000 : i32
      %lt3A_378 = vector.broadcast %lt3A_377 : i32 to vector<16xi32>
      %lt3A_379 = arith.cmpi slt, %get3A_352, %lt3A_378 : vector<16xi32>
      %sub3A_380 = arith.constant 20000 : i32
      %sub3A_381 = vector.broadcast %sub3A_380 : i32 to vector<16xi32>
      %sub3A_382 = arith.subi %get3A_352, %sub3A_381 : vector<16xi32>
      %select_n3A_383 = arith.select %lt3A_379, %sub3A_382, %and3A_373 : vector<16xi1>, vector<16xi32>
      %select_n3A_384 = arith.select %ge3A_376, %select_n3A_383, %and3A_373 : vector<16xi1>, vector<16xi32>
      %swap3A_385 = arith.constant 80 : index
      %swap3A_386 = tpu.vector_load %arg11[%swap3A_385] {strides = array<i32>} : memref<640xi32, #tpu.memory_space<vmem>>, vector<16xi32>,
      %swap3A_387 = vector.shape_cast %swap3A_386 : vector<16xi32> to vector<16xi32>
      %swap3A_388 = vector.shape_cast %select_n3A_384 : vector<16xi32> to vector<16xi32>
      tpu.vector_store %arg11[%swap3A_385], %swap3A_388 {strides = array<i32>} : memref<640xi32, #tpu.memory_space<vmem>>, vector<16xi32>,
      %ge3A_389 = arith.constant 200000 : i32
      %ge3A_390 = vector.broadcast %ge3A_389 : i32 to vector<16xi32>
      %ge3A_391 = arith.cmpi sge, %get3A_352, %ge3A_390 : vector<16xi32>
      %sub3A_392 = arith.constant 200000 : i32
      %sub3A_393 = vector.broadcast %sub3A_392 : i32 to vector<16xi32>
      %sub3A_394 = arith.subi %get3A_352, %sub3A_393 : vector<16xi32>
      %and3A_395 = arith.constant 524287 : i32
      %and3A_396 = vector.broadcast %and3A_395 : i32 to vector<16xi32>
      %and3A_397 = arith.andi %add3A_359, %and3A_396 : vector<16xi32>
      %select_n3A_398 = arith.select %ge3A_391, %sub3A_394, %and3A_397 : vector<16xi1>, vector<16xi32>
      %swap3A_399 = arith.constant 80 : index
      %swap3A_400 = tpu.vector_load %arg12[%swap3A_399] {strides = array<i32>} : memref<640xi32, #tpu.memory_space<vmem>>, vector<16xi32>,
      %swap3A_401 = vector.shape_cast %swap3A_400 : vector<16xi32> to vector<16xi32>
      %swap3A_402 = vector.shape_cast %select_n3A_398 : vector<16xi32> to vector<16xi32>
      tpu.vector_store %arg12[%swap3A_399], %swap3A_402 {strides = array<i32>} : memref<640xi32, #tpu.memory_space<vmem>>, vector<16xi32>,
      %get3A_403 = arith.constant 96 : index
      %get3A_404 = tpu.vector_load %arg9[%get3A_403] {strides = array<i32>} : memref<640xi32, #tpu.memory_space<vmem>>, vector<16xi32>,
      %get3A_405 = vector.shape_cast %get3A_404 : vector<16xi32> to vector<16xi32>
      %broadcast_in_dim3A_406 = arith.constant 0 : i32
      %broadcast_in_dim3A_407 = vector.broadcast %broadcast_in_dim3A_406 : i32 to vector<16xi32>
      %add3A_408 = arith.constant 96 : i32
      %add3A_409 = arith.addi %add3A_89, %add3A_408 : i32
      %iota3A_410 = tpu.iota {dimensions = array<i32: 0>} : vector<16xi32>
      %add3A_411 = vector.broadcast %add3A_409 : i32 to vector<16xi32>
      %add3A_412 = arith.addi %add3A_411, %iota3A_410 : vector<16xi32>
      %lt3A_413 = arith.constant 20000 : i32
      %lt3A_414 = vector.broadcast %lt3A_413 : i32 to vector<16xi32>
      %lt3A_415 = arith.cmpi slt, %get3A_405, %lt3A_414 : vector<16xi32>
      %and3A_416 = arith.constant 16383 : i32
      %and3A_417 = vector.broadcast %and3A_416 : i32 to vector<16xi32>
      %and3A_418 = arith.andi %add3A_412, %and3A_417 : vector<16xi32>
      %select_n3A_419 = arith.select %lt3A_415, %get3A_405, %and3A_418 : vector<16xi1>, vector<16xi32>
      %swap3A_420 = arith.constant 96 : index
      %swap3A_421 = tpu.vector_load %arg10[%swap3A_420] {strides = array<i32>} : memref<640xi32, #tpu.memory_space<vmem>>, vector<16xi32>,
      %swap3A_422 = vector.shape_cast %swap3A_421 : vector<16xi32> to vector<16xi32>
      %swap3A_423 = vector.shape_cast %select_n3A_419 : vector<16xi32> to vector<16xi32>
      tpu.vector_store %arg10[%swap3A_420], %swap3A_423 {strides = array<i32>} : memref<640xi32, #tpu.memory_space<vmem>>, vector<16xi32>,
      %and3A_424 = arith.constant 131071 : i32
      %and3A_425 = vector.broadcast %and3A_424 : i32 to vector<16xi32>
      %and3A_426 = arith.andi %add3A_412, %and3A_425 : vector<16xi32>
      %ge3A_427 = arith.constant 20000 : i32
      %ge3A_428 = vector.broadcast %ge3A_427 : i32 to vector<16xi32>
      %ge3A_429 = arith.cmpi sge, %get3A_405, %ge3A_428 : vector<16xi32>
      %lt3A_430 = arith.constant 200000 : i32
      %lt3A_431 = vector.broadcast %lt3A_430 : i32 to vector<16xi32>
      %lt3A_432 = arith.cmpi slt, %get3A_405, %lt3A_431 : vector<16xi32>
      %sub3A_433 = arith.constant 20000 : i32
      %sub3A_434 = vector.broadcast %sub3A_433 : i32 to vector<16xi32>
      %sub3A_435 = arith.subi %get3A_405, %sub3A_434 : vector<16xi32>
      %select_n3A_436 = arith.select %lt3A_432, %sub3A_435, %and3A_426 : vector<16xi1>, vector<16xi32>
      %select_n3A_437 = arith.select %ge3A_429, %select_n3A_436, %and3A_426 : vector<16xi1>, vector<16xi32>
      %swap3A_438 = arith.constant 96 : index
      %swap3A_439 = tpu.vector_load %arg11[%swap3A_438] {strides = array<i32>} : memref<640xi32, #tpu.memory_space<vmem>>, vector<16xi32>,
      %swap3A_440 = vector.shape_cast %swap3A_439 : vector<16xi32> to vector<16xi32>
      %swap3A_441 = vector.shape_cast %select_n3A_437 : vector<16xi32> to vector<16xi32>
      tpu.vector_store %arg11[%swap3A_438], %swap3A_441 {strides = array<i32>} : memref<640xi32, #tpu.memory_space<vmem>>, vector<16xi32>,
      %ge3A_442 = arith.constant 200000 : i32
      %ge3A_443 = vector.broadcast %ge3A_442 : i32 to vector<16xi32>
      %ge3A_444 = arith.cmpi sge, %get3A_405, %ge3A_443 : vector<16xi32>
      %sub3A_445 = arith.constant 200000 : i32
      %sub3A_446 = vector.broadcast %sub3A_445 : i32 to vector<16xi32>
      %sub3A_447 = arith.subi %get3A_405, %sub3A_446 : vector<16xi32>
      %and3A_448 = arith.constant 524287 : i32
      %and3A_449 = vector.broadcast %and3A_448 : i32 to vector<16xi32>
      %and3A_450 = arith.andi %add3A_412, %and3A_449 : vector<16xi32>
      %select_n3A_451 = arith.select %ge3A_444, %sub3A_447, %and3A_450 : vector<16xi1>, vector<16xi32>
      %swap3A_452 = arith.constant 96 : index
      %swap3A_453 = tpu.vector_load %arg12[%swap3A_452] {strides = array<i32>} : memref<640xi32, #tpu.memory_space<vmem>>, vector<16xi32>,
      %swap3A_454 = vector.shape_cast %swap3A_453 : vector<16xi32> to vector<16xi32>
      %swap3A_455 = vector.shape_cast %select_n3A_451 : vector<16xi32> to vector<16xi32>
      tpu.vector_store %arg12[%swap3A_452], %swap3A_455 {strides = array<i32>} : memref<640xi32, #tpu.memory_space<vmem>>, vector<16xi32>,
      %get3A_456 = arith.constant 112 : index
      %get3A_457 = tpu.vector_load %arg9[%get3A_456] {strides = array<i32>} : memref<640xi32, #tpu.memory_space<vmem>>, vector<16xi32>,
      %get3A_458 = vector.shape_cast %get3A_457 : vector<16xi32> to vector<16xi32>
      %broadcast_in_dim3A_459 = arith.constant 0 : i32
      %broadcast_in_dim3A_460 = vector.broadcast %broadcast_in_dim3A_459 : i32 to vector<16xi32>
      %add3A_461 = arith.constant 112 : i32
      %add3A_462 = arith.addi %add3A_89, %add3A_461 : i32
      %iota3A_463 = tpu.iota {dimensions = array<i32: 0>} : vector<16xi32>
      %add3A_464 = vector.broadcast %add3A_462 : i32 to vector<16xi32>
      %add3A_465 = arith.addi %add3A_464, %iota3A_463 : vector<16xi32>
      %lt3A_466 = arith.constant 20000 : i32
      %lt3A_467 = vector.broadcast %lt3A_466 : i32 to vector<16xi32>
      %lt3A_468 = arith.cmpi slt, %get3A_458, %lt3A_467 : vector<16xi32>
      %and3A_469 = arith.constant 16383 : i32
      %and3A_470 = vector.broadcast %and3A_469 : i32 to vector<16xi32>
      %and3A_471 = arith.andi %add3A_465, %and3A_470 : vector<16xi32>
      %select_n3A_472 = arith.select %lt3A_468, %get3A_458, %and3A_471 : vector<16xi1>, vector<16xi32>
      %swap3A_473 = arith.constant 112 : index
      %swap3A_474 = tpu.vector_load %arg10[%swap3A_473] {strides = array<i32>} : memref<640xi32, #tpu.memory_space<vmem>>, vector<16xi32>,
      %swap3A_475 = vector.shape_cast %swap3A_474 : vector<16xi32> to vector<16xi32>
      %swap3A_476 = vector.shape_cast %select_n3A_472 : vector<16xi32> to vector<16xi32>
      tpu.vector_store %arg10[%swap3A_473], %swap3A_476 {strides = array<i32>} : memref<640xi32, #tpu.memory_space<vmem>>, vector<16xi32>,
      %and3A_477 = arith.constant 131071 : i32
      %and3A_478 = vector.broadcast %and3A_477 : i32 to vector<16xi32>
      %and3A_479 = arith.andi %add3A_465, %and3A_478 : vector<16xi32>
      %ge3A_480 = arith.constant 20000 : i32
      %ge3A_481 = vector.broadcast %ge3A_480 : i32 to vector<16xi32>
      %ge3A_482 = arith.cmpi sge, %get3A_458, %ge3A_481 : vector<16xi32>
      %lt3A_483 = arith.constant 200000 : i32
      %lt3A_484 = vector.broadcast %lt3A_483 : i32 to vector<16xi32>
      %lt3A_485 = arith.cmpi slt, %get3A_458, %lt3A_484 : vector<16xi32>
      %sub3A_486 = arith.constant 20000 : i32
      %sub3A_487 = vector.broadcast %sub3A_486 : i32 to vector<16xi32>
      %sub3A_488 = arith.subi %get3A_458, %sub3A_487 : vector<16xi32>
      %select_n3A_489 = arith.select %lt3A_485, %sub3A_488, %and3A_479 : vector<16xi1>, vector<16xi32>
      %select_n3A_490 = arith.select %ge3A_482, %select_n3A_489, %and3A_479 : vector<16xi1>, vector<16xi32>
      %swap3A_491 = arith.constant 112 : index
      %swap3A_492 = tpu.vector_load %arg11[%swap3A_491] {strides = array<i32>} : memref<640xi32, #tpu.memory_space<vmem>>, vector<16xi32>,
      %swap3A_493 = vector.shape_cast %swap3A_492 : vector<16xi32> to vector<16xi32>
      %swap3A_494 = vector.shape_cast %select_n3A_490 : vector<16xi32> to vector<16xi32>
      tpu.vector_store %arg11[%swap3A_491], %swap3A_494 {strides = array<i32>} : memref<640xi32, #tpu.memory_space<vmem>>, vector<16xi32>,
      %ge3A_495 = arith.constant 200000 : i32
      %ge3A_496 = vector.broadcast %ge3A_495 : i32 to vector<16xi32>
      %ge3A_497 = arith.cmpi sge, %get3A_458, %ge3A_496 : vector<16xi32>
      %sub3A_498 = arith.constant 200000 : i32
      %sub3A_499 = vector.broadcast %sub3A_498 : i32 to vector<16xi32>
      %sub3A_500 = arith.subi %get3A_458, %sub3A_499 : vector<16xi32>
      %and3A_501 = arith.constant 524287 : i32
      %and3A_502 = vector.broadcast %and3A_501 : i32 to vector<16xi32>
      %and3A_503 = arith.andi %add3A_465, %and3A_502 : vector<16xi32>
      %select_n3A_504 = arith.select %ge3A_497, %sub3A_500, %and3A_503 : vector<16xi1>, vector<16xi32>
      %swap3A_505 = arith.constant 112 : index
      %swap3A_506 = tpu.vector_load %arg12[%swap3A_505] {strides = array<i32>} : memref<640xi32, #tpu.memory_space<vmem>>, vector<16xi32>,
      %swap3A_507 = vector.shape_cast %swap3A_506 : vector<16xi32> to vector<16xi32>
      %swap3A_508 = vector.shape_cast %select_n3A_504 : vector<16xi32> to vector<16xi32>
      tpu.vector_store %arg12[%swap3A_505], %swap3A_508 {strides = array<i32>} : memref<640xi32, #tpu.memory_space<vmem>>, vector<16xi32>,
      %get3A_509 = arith.constant 128 : index
      %get3A_510 = tpu.vector_load %arg9[%get3A_509] {strides = array<i32>} : memref<640xi32, #tpu.memory_space<vmem>>, vector<16xi32>,
      %get3A_511 = vector.shape_cast %get3A_510 : vector<16xi32> to vector<16xi32>
      %broadcast_in_dim3A_512 = arith.constant 0 : i32
      %broadcast_in_dim3A_513 = vector.broadcast %broadcast_in_dim3A_512 : i32 to vector<16xi32>
      %add3A_514 = arith.constant 128 : i32
      %add3A_515 = arith.addi %add3A_89, %add3A_514 : i32
      %iota3A_516 = tpu.iota {dimensions = array<i32: 0>} : vector<16xi32>
      %add3A_517 = vector.broadcast %add3A_515 : i32 to vector<16xi32>
      %add3A_518 = arith.addi %add3A_517, %iota3A_516 : vector<16xi32>
      %lt3A_519 = arith.constant 20000 : i32
      %lt3A_520 = vector.broadcast %lt3A_519 : i32 to vector<16xi32>
      %lt3A_521 = arith.cmpi slt, %get3A_511, %lt3A_520 : vector<16xi32>
      %and3A_522 = arith.constant 16383 : i32
      %and3A_523 = vector.broadcast %and3A_522 : i32 to vector<16xi32>
      %and3A_524 = arith.andi %add3A_518, %and3A_523 : vector<16xi32>
      %select_n3A_525 = arith.select %lt3A_521, %get3A_511, %and3A_524 : vector<16xi1>, vector<16xi32>
      %swap3A_526 = arith.constant 128 : index
      %swap3A_527 = tpu.vector_load %arg10[%swap3A_526] {strides = array<i32>} : memref<640xi32, #tpu.memory_space<vmem>>, vector<16xi32>,
      %swap3A_528 = vector.shape_cast %swap3A_527 : vector<16xi32> to vector<16xi32>
      %swap3A_529 = vector.shape_cast %select_n3A_525 : vector<16xi32> to vector<16xi32>
      tpu.vector_store %arg10[%swap3A_526], %swap3A_529 {strides = array<i32>} : memref<640xi32, #tpu.memory_space<vmem>>, vector<16xi32>,
      %and3A_530 = arith.constant 131071 : i32
      %and3A_531 = vector.broadcast %and3A_530 : i32 to vector<16xi32>
      %and3A_532 = arith.andi %add3A_518, %and3A_531 : vector<16xi32>
      %ge3A_533 = arith.constant 20000 : i32
      %ge3A_534 = vector.broadcast %ge3A_533 : i32 to vector<16xi32>
      %ge3A_535 = arith.cmpi sge, %get3A_511, %ge3A_534 : vector<16xi32>
      %lt3A_536 = arith.constant 200000 : i32
      %lt3A_537 = vector.broadcast %lt3A_536 : i32 to vector<16xi32>
      %lt3A_538 = arith.cmpi slt, %get3A_511, %lt3A_537 : vector<16xi32>
      %sub3A_539 = arith.constant 20000 : i32
      %sub3A_540 = vector.broadcast %sub3A_539 : i32 to vector<16xi32>
      %sub3A_541 = arith.subi %get3A_511, %sub3A_540 : vector<16xi32>
      %select_n3A_542 = arith.select %lt3A_538, %sub3A_541, %and3A_532 : vector<16xi1>, vector<16xi32>
      %select_n3A_543 = arith.select %ge3A_535, %select_n3A_542, %and3A_532 : vector<16xi1>, vector<16xi32>
      %swap3A_544 = arith.constant 128 : index
      %swap3A_545 = tpu.vector_load %arg11[%swap3A_544] {strides = array<i32>} : memref<640xi32, #tpu.memory_space<vmem>>, vector<16xi32>,
      %swap3A_546 = vector.shape_cast %swap3A_545 : vector<16xi32> to vector<16xi32>
      %swap3A_547 = vector.shape_cast %select_n3A_543 : vector<16xi32> to vector<16xi32>
      tpu.vector_store %arg11[%swap3A_544], %swap3A_547 {strides = array<i32>} : memref<640xi32, #tpu.memory_space<vmem>>, vector<16xi32>,
      %ge3A_548 = arith.constant 200000 : i32
      %ge3A_549 = vector.broadcast %ge3A_548 : i32 to vector<16xi32>
      %ge3A_550 = arith.cmpi sge, %get3A_511, %ge3A_549 : vector<16xi32>
      %sub3A_551 = arith.constant 200000 : i32
      %sub3A_552 = vector.broadcast %sub3A_551 : i32 to vector<16xi32>
      %sub3A_553 = arith.subi %get3A_511, %sub3A_552 : vector<16xi32>
      %and3A_554 = arith.constant 524287 : i32
      %and3A_555 = vector.broadcast %and3A_554 : i32 to vector<16xi32>
      %and3A_556 = arith.andi %add3A_518, %and3A_555 : vector<16xi32>
      %select_n3A_557 = arith.select %ge3A_550, %sub3A_553, %and3A_556 : vector<16xi1>, vector<16xi32>
      %swap3A_558 = arith.constant 128 : index
      %swap3A_559 = tpu.vector_load %arg12[%swap3A_558] {strides = array<i32>} : memref<640xi32, #tpu.memory_space<vmem>>, vector<16xi32>,
      %swap3A_560 = vector.shape_cast %swap3A_559 : vector<16xi32> to vector<16xi32>
      %swap3A_561 = vector.shape_cast %select_n3A_557 : vector<16xi32> to vector<16xi32>
      tpu.vector_store %arg12[%swap3A_558], %swap3A_561 {strides = array<i32>} : memref<640xi32, #tpu.memory_space<vmem>>, vector<16xi32>,
      %get3A_562 = arith.constant 144 : index
      %get3A_563 = tpu.vector_load %arg9[%get3A_562] {strides = array<i32>} : memref<640xi32, #tpu.memory_space<vmem>>, vector<16xi32>,
      %get3A_564 = vector.shape_cast %get3A_563 : vector<16xi32> to vector<16xi32>
      %broadcast_in_dim3A_565 = arith.constant 0 : i32
      %broadcast_in_dim3A_566 = vector.broadcast %broadcast_in_dim3A_565 : i32 to vector<16xi32>
      %add3A_567 = arith.constant 144 : i32
      %add3A_568 = arith.addi %add3A_89, %add3A_567 : i32
      %iota3A_569 = tpu.iota {dimensions = array<i32: 0>} : vector<16xi32>
      %add3A_570 = vector.broadcast %add3A_568 : i32 to vector<16xi32>
      %add3A_571 = arith.addi %add3A_570, %iota3A_569 : vector<16xi32>
      %lt3A_572 = arith.constant 20000 : i32
      %lt3A_573 = vector.broadcast %lt3A_572 : i32 to vector<16xi32>
      %lt3A_574 = arith.cmpi slt, %get3A_564, %lt3A_573 : vector<16xi32>
      %and3A_575 = arith.constant 16383 : i32
      %and3A_576 = vector.broadcast %and3A_575 : i32 to vector<16xi32>
      %and3A_577 = arith.andi %add3A_571, %and3A_576 : vector<16xi32>
      %select_n3A_578 = arith.select %lt3A_574, %get3A_564, %and3A_577 : vector<16xi1>, vector<16xi32>
      %swap3A_579 = arith.constant 144 : index
      %swap3A_580 = tpu.vector_load %arg10[%swap3A_579] {strides = array<i32>} : memref<640xi32, #tpu.memory_space<vmem>>, vector<16xi32>,
      %swap3A_581 = vector.shape_cast %swap3A_580 : vector<16xi32> to vector<16xi32>
      %swap3A_582 = vector.shape_cast %select_n3A_578 : vector<16xi32> to vector<16xi32>
      tpu.vector_store %arg10[%swap3A_579], %swap3A_582 {strides = array<i32>} : memref<640xi32, #tpu.memory_space<vmem>>, vector<16xi32>,
      %and3A_583 = arith.constant 131071 : i32
      %and3A_584 = vector.broadcast %and3A_583 : i32 to vector<16xi32>
      %and3A_585 = arith.andi %add3A_571, %and3A_584 : vector<16xi32>
      %ge3A_586 = arith.constant 20000 : i32
      %ge3A_587 = vector.broadcast %ge3A_586 : i32 to vector<16xi32>
      %ge3A_588 = arith.cmpi sge, %get3A_564, %ge3A_587 : vector<16xi32>
      %lt3A_589 = arith.constant 200000 : i32
      %lt3A_590 = vector.broadcast %lt3A_589 : i32 to vector<16xi32>
      %lt3A_591 = arith.cmpi slt, %get3A_564, %lt3A_590 : vector<16xi32>
      %sub3A_592 = arith.constant 20000 : i32
      %sub3A_593 = vector.broadcast %sub3A_592 : i32 to vector<16xi32>
      %sub3A_594 = arith.subi %get3A_564, %sub3A_593 : vector<16xi32>
      %select_n3A_595 = arith.select %lt3A_591, %sub3A_594, %and3A_585 : vector<16xi1>, vector<16xi32>
      %select_n3A_596 = arith.select %ge3A_588, %select_n3A_595, %and3A_585 : vector<16xi1>, vector<16xi32>
      %swap3A_597 = arith.constant 144 : index
      %swap3A_598 = tpu.vector_load %arg11[%swap3A_597] {strides = array<i32>} : memref<640xi32, #tpu.memory_space<vmem>>, vector<16xi32>,
      %swap3A_599 = vector.shape_cast %swap3A_598 : vector<16xi32> to vector<16xi32>
      %swap3A_600 = vector.shape_cast %select_n3A_596 : vector<16xi32> to vector<16xi32>
      tpu.vector_store %arg11[%swap3A_597], %swap3A_600 {strides = array<i32>} : memref<640xi32, #tpu.memory_space<vmem>>, vector<16xi32>,
      %ge3A_601 = arith.constant 200000 : i32
      %ge3A_602 = vector.broadcast %ge3A_601 : i32 to vector<16xi32>
      %ge3A_603 = arith.cmpi sge, %get3A_564, %ge3A_602 : vector<16xi32>
      %sub3A_604 = arith.constant 200000 : i32
      %sub3A_605 = vector.broadcast %sub3A_604 : i32 to vector<16xi32>
      %sub3A_606 = arith.subi %get3A_564, %sub3A_605 : vector<16xi32>
      %and3A_607 = arith.constant 524287 : i32
      %and3A_608 = vector.broadcast %and3A_607 : i32 to vector<16xi32>
      %and3A_609 = arith.andi %add3A_571, %and3A_608 : vector<16xi32>
      %select_n3A_610 = arith.select %ge3A_603, %sub3A_606, %and3A_609 : vector<16xi1>, vector<16xi32>
      %swap3A_611 = arith.constant 144 : index
      %swap3A_612 = tpu.vector_load %arg12[%swap3A_611] {strides = array<i32>} : memref<640xi32, #tpu.memory_space<vmem>>, vector<16xi32>,
      %swap3A_613 = vector.shape_cast %swap3A_612 : vector<16xi32> to vector<16xi32>
      %swap3A_614 = vector.shape_cast %select_n3A_610 : vector<16xi32> to vector<16xi32>
      tpu.vector_store %arg12[%swap3A_611], %swap3A_614 {strides = array<i32>} : memref<640xi32, #tpu.memory_space<vmem>>, vector<16xi32>,
      %get3A_615 = arith.constant 160 : index
      %get3A_616 = tpu.vector_load %arg9[%get3A_615] {strides = array<i32>} : memref<640xi32, #tpu.memory_space<vmem>>, vector<16xi32>,
      %get3A_617 = vector.shape_cast %get3A_616 : vector<16xi32> to vector<16xi32>
      %broadcast_in_dim3A_618 = arith.constant 0 : i32
      %broadcast_in_dim3A_619 = vector.broadcast %broadcast_in_dim3A_618 : i32 to vector<16xi32>
      %add3A_620 = arith.constant 160 : i32
      %add3A_621 = arith.addi %add3A_89, %add3A_620 : i32
      %iota3A_622 = tpu.iota {dimensions = array<i32: 0>} : vector<16xi32>
      %add3A_623 = vector.broadcast %add3A_621 : i32 to vector<16xi32>
      %add3A_624 = arith.addi %add3A_623, %iota3A_622 : vector<16xi32>
      %lt3A_625 = arith.constant 20000 : i32
      %lt3A_626 = vector.broadcast %lt3A_625 : i32 to vector<16xi32>
      %lt3A_627 = arith.cmpi slt, %get3A_617, %lt3A_626 : vector<16xi32>
      %and3A_628 = arith.constant 16383 : i32
      %and3A_629 = vector.broadcast %and3A_628 : i32 to vector<16xi32>
      %and3A_630 = arith.andi %add3A_624, %and3A_629 : vector<16xi32>
      %select_n3A_631 = arith.select %lt3A_627, %get3A_617, %and3A_630 : vector<16xi1>, vector<16xi32>
      %swap3A_632 = arith.constant 160 : index
      %swap3A_633 = tpu.vector_load %arg10[%swap3A_632] {strides = array<i32>} : memref<640xi32, #tpu.memory_space<vmem>>, vector<16xi32>,
      %swap3A_634 = vector.shape_cast %swap3A_633 : vector<16xi32> to vector<16xi32>
      %swap3A_635 = vector.shape_cast %select_n3A_631 : vector<16xi32> to vector<16xi32>
      tpu.vector_store %arg10[%swap3A_632], %swap3A_635 {strides = array<i32>} : memref<640xi32, #tpu.memory_space<vmem>>, vector<16xi32>,
      %and3A_636 = arith.constant 131071 : i32
      %and3A_637 = vector.broadcast %and3A_636 : i32 to vector<16xi32>
      %and3A_638 = arith.andi %add3A_624, %and3A_637 : vector<16xi32>
      %ge3A_639 = arith.constant 20000 : i32
      %ge3A_640 = vector.broadcast %ge3A_639 : i32 to vector<16xi32>
      %ge3A_641 = arith.cmpi sge, %get3A_617, %ge3A_640 : vector<16xi32>
      %lt3A_642 = arith.constant 200000 : i32
      %lt3A_643 = vector.broadcast %lt3A_642 : i32 to vector<16xi32>
      %lt3A_644 = arith.cmpi slt, %get3A_617, %lt3A_643 : vector<16xi32>
      %sub3A_645 = arith.constant 20000 : i32
      %sub3A_646 = vector.broadcast %sub3A_645 : i32 to vector<16xi32>
      %sub3A_647 = arith.subi %get3A_617, %sub3A_646 : vector<16xi32>
      %select_n3A_648 = arith.select %lt3A_644, %sub3A_647, %and3A_638 : vector<16xi1>, vector<16xi32>
      %select_n3A_649 = arith.select %ge3A_641, %select_n3A_648, %and3A_638 : vector<16xi1>, vector<16xi32>
      %swap3A_650 = arith.constant 160 : index
      %swap3A_651 = tpu.vector_load %arg11[%swap3A_650] {strides = array<i32>} : memref<640xi32, #tpu.memory_space<vmem>>, vector<16xi32>,
      %swap3A_652 = vector.shape_cast %swap3A_651 : vector<16xi32> to vector<16xi32>
      %swap3A_653 = vector.shape_cast %select_n3A_649 : vector<16xi32> to vector<16xi32>
      tpu.vector_store %arg11[%swap3A_650], %swap3A_653 {strides = array<i32>} : memref<640xi32, #tpu.memory_space<vmem>>, vector<16xi32>,
      %ge3A_654 = arith.constant 200000 : i32
      %ge3A_655 = vector.broadcast %ge3A_654 : i32 to vector<16xi32>
      %ge3A_656 = arith.cmpi sge, %get3A_617, %ge3A_655 : vector<16xi32>
      %sub3A_657 = arith.constant 200000 : i32
      %sub3A_658 = vector.broadcast %sub3A_657 : i32 to vector<16xi32>
      %sub3A_659 = arith.subi %get3A_617, %sub3A_658 : vector<16xi32>
      %and3A_660 = arith.constant 524287 : i32
      %and3A_661 = vector.broadcast %and3A_660 : i32 to vector<16xi32>
      %and3A_662 = arith.andi %add3A_624, %and3A_661 : vector<16xi32>
      %select_n3A_663 = arith.select %ge3A_656, %sub3A_659, %and3A_662 : vector<16xi1>, vector<16xi32>
      %swap3A_664 = arith.constant 160 : index
      %swap3A_665 = tpu.vector_load %arg12[%swap3A_664] {strides = array<i32>} : memref<640xi32, #tpu.memory_space<vmem>>, vector<16xi32>,
      %swap3A_666 = vector.shape_cast %swap3A_665 : vector<16xi32> to vector<16xi32>
      %swap3A_667 = vector.shape_cast %select_n3A_663 : vector<16xi32> to vector<16xi32>
      tpu.vector_store %arg12[%swap3A_664], %swap3A_667 {strides = array<i32>} : memref<640xi32, #tpu.memory_space<vmem>>, vector<16xi32>,
      %get3A_668 = arith.constant 176 : index
      %get3A_669 = tpu.vector_load %arg9[%get3A_668] {strides = array<i32>} : memref<640xi32, #tpu.memory_space<vmem>>, vector<16xi32>,
      %get3A_670 = vector.shape_cast %get3A_669 : vector<16xi32> to vector<16xi32>
      %broadcast_in_dim3A_671 = arith.constant 0 : i32
      %broadcast_in_dim3A_672 = vector.broadcast %broadcast_in_dim3A_671 : i32 to vector<16xi32>
      %add3A_673 = arith.constant 176 : i32
      %add3A_674 = arith.addi %add3A_89, %add3A_673 : i32
      %iota3A_675 = tpu.iota {dimensions = array<i32: 0>} : vector<16xi32>
      %add3A_676 = vector.broadcast %add3A_674 : i32 to vector<16xi32>
      %add3A_677 = arith.addi %add3A_676, %iota3A_675 : vector<16xi32>
      %lt3A_678 = arith.constant 20000 : i32
      %lt3A_679 = vector.broadcast %lt3A_678 : i32 to vector<16xi32>
      %lt3A_680 = arith.cmpi slt, %get3A_670, %lt3A_679 : vector<16xi32>
      %and3A_681 = arith.constant 16383 : i32
      %and3A_682 = vector.broadcast %and3A_681 : i32 to vector<16xi32>
      %and3A_683 = arith.andi %add3A_677, %and3A_682 : vector<16xi32>
      %select_n3A_684 = arith.select %lt3A_680, %get3A_670, %and3A_683 : vector<16xi1>, vector<16xi32>
      %swap3A_685 = arith.constant 176 : index
      %swap3A_686 = tpu.vector_load %arg10[%swap3A_685] {strides = array<i32>} : memref<640xi32, #tpu.memory_space<vmem>>, vector<16xi32>,
      %swap3A_687 = vector.shape_cast %swap3A_686 : vector<16xi32> to vector<16xi32>
      %swap3A_688 = vector.shape_cast %select_n3A_684 : vector<16xi32> to vector<16xi32>
      tpu.vector_store %arg10[%swap3A_685], %swap3A_688 {strides = array<i32>} : memref<640xi32, #tpu.memory_space<vmem>>, vector<16xi32>,
      %and3A_689 = arith.constant 131071 : i32
      %and3A_690 = vector.broadcast %and3A_689 : i32 to vector<16xi32>
      %and3A_691 = arith.andi %add3A_677, %and3A_690 : vector<16xi32>
      %ge3A_692 = arith.constant 20000 : i32
      %ge3A_693 = vector.broadcast %ge3A_692 : i32 to vector<16xi32>
      %ge3A_694 = arith.cmpi sge, %get3A_670, %ge3A_693 : vector<16xi32>
      %lt3A_695 = arith.constant 200000 : i32
      %lt3A_696 = vector.broadcast %lt3A_695 : i32 to vector<16xi32>
      %lt3A_697 = arith.cmpi slt, %get3A_670, %lt3A_696 : vector<16xi32>
      %sub3A_698 = arith.constant 20000 : i32
      %sub3A_699 = vector.broadcast %sub3A_698 : i32 to vector<16xi32>
      %sub3A_700 = arith.subi %get3A_670, %sub3A_699 : vector<16xi32>
      %select_n3A_701 = arith.select %lt3A_697, %sub3A_700, %and3A_691 : vector<16xi1>, vector<16xi32>
      %select_n3A_702 = arith.select %ge3A_694, %select_n3A_701, %and3A_691 : vector<16xi1>, vector<16xi32>
      %swap3A_703 = arith.constant 176 : index
      %swap3A_704 = tpu.vector_load %arg11[%swap3A_703] {strides = array<i32>} : memref<640xi32, #tpu.memory_space<vmem>>, vector<16xi32>,
      %swap3A_705 = vector.shape_cast %swap3A_704 : vector<16xi32> to vector<16xi32>
      %swap3A_706 = vector.shape_cast %select_n3A_702 : vector<16xi32> to vector<16xi32>
      tpu.vector_store %arg11[%swap3A_703], %swap3A_706 {strides = array<i32>} : memref<640xi32, #tpu.memory_space<vmem>>, vector<16xi32>,
      %ge3A_707 = arith.constant 200000 : i32
      %ge3A_708 = vector.broadcast %ge3A_707 : i32 to vector<16xi32>
      %ge3A_709 = arith.cmpi sge, %get3A_670, %ge3A_708 : vector<16xi32>
      %sub3A_710 = arith.constant 200000 : i32
      %sub3A_711 = vector.broadcast %sub3A_710 : i32 to vector<16xi32>
      %sub3A_712 = arith.subi %get3A_670, %sub3A_711 : vector<16xi32>
      %and3A_713 = arith.constant 524287 : i32
      %and3A_714 = vector.broadcast %and3A_713 : i32 to vector<16xi32>
      %and3A_715 = arith.andi %add3A_677, %and3A_714 : vector<16xi32>
      %select_n3A_716 = arith.select %ge3A_709, %sub3A_712, %and3A_715 : vector<16xi1>, vector<16xi32>
      %swap3A_717 = arith.constant 176 : index
      %swap3A_718 = tpu.vector_load %arg12[%swap3A_717] {strides = array<i32>} : memref<640xi32, #tpu.memory_space<vmem>>, vector<16xi32>,
      %swap3A_719 = vector.shape_cast %swap3A_718 : vector<16xi32> to vector<16xi32>
      %swap3A_720 = vector.shape_cast %select_n3A_716 : vector<16xi32> to vector<16xi32>
      tpu.vector_store %arg12[%swap3A_717], %swap3A_720 {strides = array<i32>} : memref<640xi32, #tpu.memory_space<vmem>>, vector<16xi32>,
      %get3A_721 = arith.constant 192 : index
      %get3A_722 = tpu.vector_load %arg9[%get3A_721] {strides = array<i32>} : memref<640xi32, #tpu.memory_space<vmem>>, vector<16xi32>,
      %get3A_723 = vector.shape_cast %get3A_722 : vector<16xi32> to vector<16xi32>
      %broadcast_in_dim3A_724 = arith.constant 0 : i32
      %broadcast_in_dim3A_725 = vector.broadcast %broadcast_in_dim3A_724 : i32 to vector<16xi32>
      %add3A_726 = arith.constant 192 : i32
      %add3A_727 = arith.addi %add3A_89, %add3A_726 : i32
      %iota3A_728 = tpu.iota {dimensions = array<i32: 0>} : vector<16xi32>
      %add3A_729 = vector.broadcast %add3A_727 : i32 to vector<16xi32>
      %add3A_730 = arith.addi %add3A_729, %iota3A_728 : vector<16xi32>
      %lt3A_731 = arith.constant 20000 : i32
      %lt3A_732 = vector.broadcast %lt3A_731 : i32 to vector<16xi32>
      %lt3A_733 = arith.cmpi slt, %get3A_723, %lt3A_732 : vector<16xi32>
      %and3A_734 = arith.constant 16383 : i32
      %and3A_735 = vector.broadcast %and3A_734 : i32 to vector<16xi32>
      %and3A_736 = arith.andi %add3A_730, %and3A_735 : vector<16xi32>
      %select_n3A_737 = arith.select %lt3A_733, %get3A_723, %and3A_736 : vector<16xi1>, vector<16xi32>
      %swap3A_738 = arith.constant 192 : index
      %swap3A_739 = tpu.vector_load %arg10[%swap3A_738] {strides = array<i32>} : memref<640xi32, #tpu.memory_space<vmem>>, vector<16xi32>,
      %swap3A_740 = vector.shape_cast %swap3A_739 : vector<16xi32> to vector<16xi32>
      %swap3A_741 = vector.shape_cast %select_n3A_737 : vector<16xi32> to vector<16xi32>
      tpu.vector_store %arg10[%swap3A_738], %swap3A_741 {strides = array<i32>} : memref<640xi32, #tpu.memory_space<vmem>>, vector<16xi32>,
      %and3A_742 = arith.constant 131071 : i32
      %and3A_743 = vector.broadcast %and3A_742 : i32 to vector<16xi32>
      %and3A_744 = arith.andi %add3A_730, %and3A_743 : vector<16xi32>
      %ge3A_745 = arith.constant 20000 : i32
      %ge3A_746 = vector.broadcast %ge3A_745 : i32 to vector<16xi32>
      %ge3A_747 = arith.cmpi sge, %get3A_723, %ge3A_746 : vector<16xi32>
      %lt3A_748 = arith.constant 200000 : i32
      %lt3A_749 = vector.broadcast %lt3A_748 : i32 to vector<16xi32>
      %lt3A_750 = arith.cmpi slt, %get3A_723, %lt3A_749 : vector<16xi32>
      %sub3A_751 = arith.constant 20000 : i32
      %sub3A_752 = vector.broadcast %sub3A_751 : i32 to vector<16xi32>
      %sub3A_753 = arith.subi %get3A_723, %sub3A_752 : vector<16xi32>
      %select_n3A_754 = arith.select %lt3A_750, %sub3A_753, %and3A_744 : vector<16xi1>, vector<16xi32>
      %select_n3A_755 = arith.select %ge3A_747, %select_n3A_754, %and3A_744 : vector<16xi1>, vector<16xi32>
      %swap3A_756 = arith.constant 192 : index
      %swap3A_757 = tpu.vector_load %arg11[%swap3A_756] {strides = array<i32>} : memref<640xi32, #tpu.memory_space<vmem>>, vector<16xi32>,
      %swap3A_758 = vector.shape_cast %swap3A_757 : vector<16xi32> to vector<16xi32>
      %swap3A_759 = vector.shape_cast %select_n3A_755 : vector<16xi32> to vector<16xi32>
      tpu.vector_store %arg11[%swap3A_756], %swap3A_759 {strides = array<i32>} : memref<640xi32, #tpu.memory_space<vmem>>, vector<16xi32>,
      %ge3A_760 = arith.constant 200000 : i32
      %ge3A_761 = vector.broadcast %ge3A_760 : i32 to vector<16xi32>
      %ge3A_762 = arith.cmpi sge, %get3A_723, %ge3A_761 : vector<16xi32>
      %sub3A_763 = arith.constant 200000 : i32
      %sub3A_764 = vector.broadcast %sub3A_763 : i32 to vector<16xi32>
      %sub3A_765 = arith.subi %get3A_723, %sub3A_764 : vector<16xi32>
      %and3A_766 = arith.constant 524287 : i32
      %and3A_767 = vector.broadcast %and3A_766 : i32 to vector<16xi32>
      %and3A_768 = arith.andi %add3A_730, %and3A_767 : vector<16xi32>
      %select_n3A_769 = arith.select %ge3A_762, %sub3A_765, %and3A_768 : vector<16xi1>, vector<16xi32>
      %swap3A_770 = arith.constant 192 : index
      %swap3A_771 = tpu.vector_load %arg12[%swap3A_770] {strides = array<i32>} : memref<640xi32, #tpu.memory_space<vmem>>, vector<16xi32>,
      %swap3A_772 = vector.shape_cast %swap3A_771 : vector<16xi32> to vector<16xi32>
      %swap3A_773 = vector.shape_cast %select_n3A_769 : vector<16xi32> to vector<16xi32>
      tpu.vector_store %arg12[%swap3A_770], %swap3A_773 {strides = array<i32>} : memref<640xi32, #tpu.memory_space<vmem>>, vector<16xi32>,
      %get3A_774 = arith.constant 208 : index
      %get3A_775 = tpu.vector_load %arg9[%get3A_774] {strides = array<i32>} : memref<640xi32, #tpu.memory_space<vmem>>, vector<16xi32>,
      %get3A_776 = vector.shape_cast %get3A_775 : vector<16xi32> to vector<16xi32>
      %broadcast_in_dim3A_777 = arith.constant 0 : i32
      %broadcast_in_dim3A_778 = vector.broadcast %broadcast_in_dim3A_777 : i32 to vector<16xi32>
      %add3A_779 = arith.constant 208 : i32
      %add3A_780 = arith.addi %add3A_89, %add3A_779 : i32
      %iota3A_781 = tpu.iota {dimensions = array<i32: 0>} : vector<16xi32>
      %add3A_782 = vector.broadcast %add3A_780 : i32 to vector<16xi32>
      %add3A_783 = arith.addi %add3A_782, %iota3A_781 : vector<16xi32>
      %lt3A_784 = arith.constant 20000 : i32
      %lt3A_785 = vector.broadcast %lt3A_784 : i32 to vector<16xi32>
      %lt3A_786 = arith.cmpi slt, %get3A_776, %lt3A_785 : vector<16xi32>
      %and3A_787 = arith.constant 16383 : i32
      %and3A_788 = vector.broadcast %and3A_787 : i32 to vector<16xi32>
      %and3A_789 = arith.andi %add3A_783, %and3A_788 : vector<16xi32>
      %select_n3A_790 = arith.select %lt3A_786, %get3A_776, %and3A_789 : vector<16xi1>, vector<16xi32>
      %swap3A_791 = arith.constant 208 : index
      %swap3A_792 = tpu.vector_load %arg10[%swap3A_791] {strides = array<i32>} : memref<640xi32, #tpu.memory_space<vmem>>, vector<16xi32>,
      %swap3A_793 = vector.shape_cast %swap3A_792 : vector<16xi32> to vector<16xi32>
      %swap3A_794 = vector.shape_cast %select_n3A_790 : vector<16xi32> to vector<16xi32>
      tpu.vector_store %arg10[%swap3A_791], %swap3A_794 {strides = array<i32>} : memref<640xi32, #tpu.memory_space<vmem>>, vector<16xi32>,
      %and3A_795 = arith.constant 131071 : i32
      %and3A_796 = vector.broadcast %and3A_795 : i32 to vector<16xi32>
      %and3A_797 = arith.andi %add3A_783, %and3A_796 : vector<16xi32>
      %ge3A_798 = arith.constant 20000 : i32
      %ge3A_799 = vector.broadcast %ge3A_798 : i32 to vector<16xi32>
      %ge3A_800 = arith.cmpi sge, %get3A_776, %ge3A_799 : vector<16xi32>
      %lt3A_801 = arith.constant 200000 : i32
      %lt3A_802 = vector.broadcast %lt3A_801 : i32 to vector<16xi32>
      %lt3A_803 = arith.cmpi slt, %get3A_776, %lt3A_802 : vector<16xi32>
      %sub3A_804 = arith.constant 20000 : i32
      %sub3A_805 = vector.broadcast %sub3A_804 : i32 to vector<16xi32>
      %sub3A_806 = arith.subi %get3A_776, %sub3A_805 : vector<16xi32>
      %select_n3A_807 = arith.select %lt3A_803, %sub3A_806, %and3A_797 : vector<16xi1>, vector<16xi32>
      %select_n3A_808 = arith.select %ge3A_800, %select_n3A_807, %and3A_797 : vector<16xi1>, vector<16xi32>
      %swap3A_809 = arith.constant 208 : index
      %swap3A_810 = tpu.vector_load %arg11[%swap3A_809] {strides = array<i32>} : memref<640xi32, #tpu.memory_space<vmem>>, vector<16xi32>,
      %swap3A_811 = vector.shape_cast %swap3A_810 : vector<16xi32> to vector<16xi32>
      %swap3A_812 = vector.shape_cast %select_n3A_808 : vector<16xi32> to vector<16xi32>
      tpu.vector_store %arg11[%swap3A_809], %swap3A_812 {strides = array<i32>} : memref<640xi32, #tpu.memory_space<vmem>>, vector<16xi32>,
      %ge3A_813 = arith.constant 200000 : i32
      %ge3A_814 = vector.broadcast %ge3A_813 : i32 to vector<16xi32>
      %ge3A_815 = arith.cmpi sge, %get3A_776, %ge3A_814 : vector<16xi32>
      %sub3A_816 = arith.constant 200000 : i32
      %sub3A_817 = vector.broadcast %sub3A_816 : i32 to vector<16xi32>
      %sub3A_818 = arith.subi %get3A_776, %sub3A_817 : vector<16xi32>
      %and3A_819 = arith.constant 524287 : i32
      %and3A_820 = vector.broadcast %and3A_819 : i32 to vector<16xi32>
      %and3A_821 = arith.andi %add3A_783, %and3A_820 : vector<16xi32>
      %select_n3A_822 = arith.select %ge3A_815, %sub3A_818, %and3A_821 : vector<16xi1>, vector<16xi32>
      %swap3A_823 = arith.constant 208 : index
      %swap3A_824 = tpu.vector_load %arg12[%swap3A_823] {strides = array<i32>} : memref<640xi32, #tpu.memory_space<vmem>>, vector<16xi32>,
      %swap3A_825 = vector.shape_cast %swap3A_824 : vector<16xi32> to vector<16xi32>
      %swap3A_826 = vector.shape_cast %select_n3A_822 : vector<16xi32> to vector<16xi32>
      tpu.vector_store %arg12[%swap3A_823], %swap3A_826 {strides = array<i32>} : memref<640xi32, #tpu.memory_space<vmem>>, vector<16xi32>,
      %get3A_827 = arith.constant 224 : index
      %get3A_828 = tpu.vector_load %arg9[%get3A_827] {strides = array<i32>} : memref<640xi32, #tpu.memory_space<vmem>>, vector<16xi32>,
      %get3A_829 = vector.shape_cast %get3A_828 : vector<16xi32> to vector<16xi32>
      %broadcast_in_dim3A_830 = arith.constant 0 : i32
      %broadcast_in_dim3A_831 = vector.broadcast %broadcast_in_dim3A_830 : i32 to vector<16xi32>
      %add3A_832 = arith.constant 224 : i32
      %add3A_833 = arith.addi %add3A_89, %add3A_832 : i32
      %iota3A_834 = tpu.iota {dimensions = array<i32: 0>} : vector<16xi32>
      %add3A_835 = vector.broadcast %add3A_833 : i32 to vector<16xi32>
      %add3A_836 = arith.addi %add3A_835, %iota3A_834 : vector<16xi32>
      %lt3A_837 = arith.constant 20000 : i32
      %lt3A_838 = vector.broadcast %lt3A_837 : i32 to vector<16xi32>
      %lt3A_839 = arith.cmpi slt, %get3A_829, %lt3A_838 : vector<16xi32>
      %and3A_840 = arith.constant 16383 : i32
      %and3A_841 = vector.broadcast %and3A_840 : i32 to vector<16xi32>
      %and3A_842 = arith.andi %add3A_836, %and3A_841 : vector<16xi32>
      %select_n3A_843 = arith.select %lt3A_839, %get3A_829, %and3A_842 : vector<16xi1>, vector<16xi32>
      %swap3A_844 = arith.constant 224 : index
      %swap3A_845 = tpu.vector_load %arg10[%swap3A_844] {strides = array<i32>} : memref<640xi32, #tpu.memory_space<vmem>>, vector<16xi32>,
      %swap3A_846 = vector.shape_cast %swap3A_845 : vector<16xi32> to vector<16xi32>
      %swap3A_847 = vector.shape_cast %select_n3A_843 : vector<16xi32> to vector<16xi32>
      tpu.vector_store %arg10[%swap3A_844], %swap3A_847 {strides = array<i32>} : memref<640xi32, #tpu.memory_space<vmem>>, vector<16xi32>,
      %and3A_848 = arith.constant 131071 : i32
      %and3A_849 = vector.broadcast %and3A_848 : i32 to vector<16xi32>
      %and3A_850 = arith.andi %add3A_836, %and3A_849 : vector<16xi32>
      %ge3A_851 = arith.constant 20000 : i32
      %ge3A_852 = vector.broadcast %ge3A_851 : i32 to vector<16xi32>
      %ge3A_853 = arith.cmpi sge, %get3A_829, %ge3A_852 : vector<16xi32>
      %lt3A_854 = arith.constant 200000 : i32
      %lt3A_855 = vector.broadcast %lt3A_854 : i32 to vector<16xi32>
      %lt3A_856 = arith.cmpi slt, %get3A_829, %lt3A_855 : vector<16xi32>
      %sub3A_857 = arith.constant 20000 : i32
      %sub3A_858 = vector.broadcast %sub3A_857 : i32 to vector<16xi32>
      %sub3A_859 = arith.subi %get3A_829, %sub3A_858 : vector<16xi32>
      %select_n3A_860 = arith.select %lt3A_856, %sub3A_859, %and3A_850 : vector<16xi1>, vector<16xi32>
      %select_n3A_861 = arith.select %ge3A_853, %select_n3A_860, %and3A_850 : vector<16xi1>, vector<16xi32>
      %swap3A_862 = arith.constant 224 : index
      %swap3A_863 = tpu.vector_load %arg11[%swap3A_862] {strides = array<i32>} : memref<640xi32, #tpu.memory_space<vmem>>, vector<16xi32>,
      %swap3A_864 = vector.shape_cast %swap3A_863 : vector<16xi32> to vector<16xi32>
      %swap3A_865 = vector.shape_cast %select_n3A_861 : vector<16xi32> to vector<16xi32>
      tpu.vector_store %arg11[%swap3A_862], %swap3A_865 {strides = array<i32>} : memref<640xi32, #tpu.memory_space<vmem>>, vector<16xi32>,
      %ge3A_866 = arith.constant 200000 : i32
      %ge3A_867 = vector.broadcast %ge3A_866 : i32 to vector<16xi32>
      %ge3A_868 = arith.cmpi sge, %get3A_829, %ge3A_867 : vector<16xi32>
      %sub3A_869 = arith.constant 200000 : i32
      %sub3A_870 = vector.broadcast %sub3A_869 : i32 to vector<16xi32>
      %sub3A_871 = arith.subi %get3A_829, %sub3A_870 : vector<16xi32>
      %and3A_872 = arith.constant 524287 : i32
      %and3A_873 = vector.broadcast %and3A_872 : i32 to vector<16xi32>
      %and3A_874 = arith.andi %add3A_836, %and3A_873 : vector<16xi32>
      %select_n3A_875 = arith.select %ge3A_868, %sub3A_871, %and3A_874 : vector<16xi1>, vector<16xi32>
      %swap3A_876 = arith.constant 224 : index
      %swap3A_877 = tpu.vector_load %arg12[%swap3A_876] {strides = array<i32>} : memref<640xi32, #tpu.memory_space<vmem>>, vector<16xi32>,
      %swap3A_878 = vector.shape_cast %swap3A_877 : vector<16xi32> to vector<16xi32>
      %swap3A_879 = vector.shape_cast %select_n3A_875 : vector<16xi32> to vector<16xi32>
      tpu.vector_store %arg12[%swap3A_876], %swap3A_879 {strides = array<i32>} : memref<640xi32, #tpu.memory_space<vmem>>, vector<16xi32>,
      %get3A_880 = arith.constant 240 : index
      %get3A_881 = tpu.vector_load %arg9[%get3A_880] {strides = array<i32>} : memref<640xi32, #tpu.memory_space<vmem>>, vector<16xi32>,
      %get3A_882 = vector.shape_cast %get3A_881 : vector<16xi32> to vector<16xi32>
      %broadcast_in_dim3A_883 = arith.constant 0 : i32
      %broadcast_in_dim3A_884 = vector.broadcast %broadcast_in_dim3A_883 : i32 to vector<16xi32>
      %add3A_885 = arith.constant 240 : i32
      %add3A_886 = arith.addi %add3A_89, %add3A_885 : i32
      %iota3A_887 = tpu.iota {dimensions = array<i32: 0>} : vector<16xi32>
      %add3A_888 = vector.broadcast %add3A_886 : i32 to vector<16xi32>
      %add3A_889 = arith.addi %add3A_888, %iota3A_887 : vector<16xi32>
      %lt3A_890 = arith.constant 20000 : i32
      %lt3A_891 = vector.broadcast %lt3A_890 : i32 to vector<16xi32>
      %lt3A_892 = arith.cmpi slt, %get3A_882, %lt3A_891 : vector<16xi32>
      %and3A_893 = arith.constant 16383 : i32
      %and3A_894 = vector.broadcast %and3A_893 : i32 to vector<16xi32>
      %and3A_895 = arith.andi %add3A_889, %and3A_894 : vector<16xi32>
      %select_n3A_896 = arith.select %lt3A_892, %get3A_882, %and3A_895 : vector<16xi1>, vector<16xi32>
      %swap3A_897 = arith.constant 240 : index
      %swap3A_898 = tpu.vector_load %arg10[%swap3A_897] {strides = array<i32>} : memref<640xi32, #tpu.memory_space<vmem>>, vector<16xi32>,
      %swap3A_899 = vector.shape_cast %swap3A_898 : vector<16xi32> to vector<16xi32>
      %swap3A_900 = vector.shape_cast %select_n3A_896 : vector<16xi32> to vector<16xi32>
      tpu.vector_store %arg10[%swap3A_897], %swap3A_900 {strides = array<i32>} : memref<640xi32, #tpu.memory_space<vmem>>, vector<16xi32>,
      %and3A_901 = arith.constant 131071 : i32
      %and3A_902 = vector.broadcast %and3A_901 : i32 to vector<16xi32>
      %and3A_903 = arith.andi %add3A_889, %and3A_902 : vector<16xi32>
      %ge3A_904 = arith.constant 20000 : i32
      %ge3A_905 = vector.broadcast %ge3A_904 : i32 to vector<16xi32>
      %ge3A_906 = arith.cmpi sge, %get3A_882, %ge3A_905 : vector<16xi32>
      %lt3A_907 = arith.constant 200000 : i32
      %lt3A_908 = vector.broadcast %lt3A_907 : i32 to vector<16xi32>
      %lt3A_909 = arith.cmpi slt, %get3A_882, %lt3A_908 : vector<16xi32>
      %sub3A_910 = arith.constant 20000 : i32
      %sub3A_911 = vector.broadcast %sub3A_910 : i32 to vector<16xi32>
      %sub3A_912 = arith.subi %get3A_882, %sub3A_911 : vector<16xi32>
      %select_n3A_913 = arith.select %lt3A_909, %sub3A_912, %and3A_903 : vector<16xi1>, vector<16xi32>
      %select_n3A_914 = arith.select %ge3A_906, %select_n3A_913, %and3A_903 : vector<16xi1>, vector<16xi32>
      %swap3A_915 = arith.constant 240 : index
      %swap3A_916 = tpu.vector_load %arg11[%swap3A_915] {strides = array<i32>} : memref<640xi32, #tpu.memory_space<vmem>>, vector<16xi32>,
      %swap3A_917 = vector.shape_cast %swap3A_916 : vector<16xi32> to vector<16xi32>
      %swap3A_918 = vector.shape_cast %select_n3A_914 : vector<16xi32> to vector<16xi32>
      tpu.vector_store %arg11[%swap3A_915], %swap3A_918 {strides = array<i32>} : memref<640xi32, #tpu.memory_space<vmem>>, vector<16xi32>,
      %ge3A_919 = arith.constant 200000 : i32
      %ge3A_920 = vector.broadcast %ge3A_919 : i32 to vector<16xi32>
      %ge3A_921 = arith.cmpi sge, %get3A_882, %ge3A_920 : vector<16xi32>
      %sub3A_922 = arith.constant 200000 : i32
      %sub3A_923 = vector.broadcast %sub3A_922 : i32 to vector<16xi32>
      %sub3A_924 = arith.subi %get3A_882, %sub3A_923 : vector<16xi32>
      %and3A_925 = arith.constant 524287 : i32
      %and3A_926 = vector.broadcast %and3A_925 : i32 to vector<16xi32>
      %and3A_927 = arith.andi %add3A_889, %and3A_926 : vector<16xi32>
      %select_n3A_928 = arith.select %ge3A_921, %sub3A_924, %and3A_927 : vector<16xi1>, vector<16xi32>
      %swap3A_929 = arith.constant 240 : index
      %swap3A_930 = tpu.vector_load %arg12[%swap3A_929] {strides = array<i32>} : memref<640xi32, #tpu.memory_space<vmem>>, vector<16xi32>,
      %swap3A_931 = vector.shape_cast %swap3A_930 : vector<16xi32> to vector<16xi32>
      %swap3A_932 = vector.shape_cast %select_n3A_928 : vector<16xi32> to vector<16xi32>
      tpu.vector_store %arg12[%swap3A_929], %swap3A_932 {strides = array<i32>} : memref<640xi32, #tpu.memory_space<vmem>>, vector<16xi32>,
      %get3A_933 = arith.constant 256 : index
      %get3A_934 = tpu.vector_load %arg9[%get3A_933] {strides = array<i32>} : memref<640xi32, #tpu.memory_space<vmem>>, vector<16xi32>,
      %get3A_935 = vector.shape_cast %get3A_934 : vector<16xi32> to vector<16xi32>
      %broadcast_in_dim3A_936 = arith.constant 0 : i32
      %broadcast_in_dim3A_937 = vector.broadcast %broadcast_in_dim3A_936 : i32 to vector<16xi32>
      %add3A_938 = arith.constant 256 : i32
      %add3A_939 = arith.addi %add3A_89, %add3A_938 : i32
      %iota3A_940 = tpu.iota {dimensions = array<i32: 0>} : vector<16xi32>
      %add3A_941 = vector.broadcast %add3A_939 : i32 to vector<16xi32>
      %add3A_942 = arith.addi %add3A_941, %iota3A_940 : vector<16xi32>
      %lt3A_943 = arith.constant 20000 : i32
      %lt3A_944 = vector.broadcast %lt3A_943 : i32 to vector<16xi32>
      %lt3A_945 = arith.cmpi slt, %get3A_935, %lt3A_944 : vector<16xi32>
      %and3A_946 = arith.constant 16383 : i32
      %and3A_947 = vector.broadcast %and3A_946 : i32 to vector<16xi32>
      %and3A_948 = arith.andi %add3A_942, %and3A_947 : vector<16xi32>
      %select_n3A_949 = arith.select %lt3A_945, %get3A_935, %and3A_948 : vector<16xi1>, vector<16xi32>
      %swap3A_950 = arith.constant 256 : index
      %swap3A_951 = tpu.vector_load %arg10[%swap3A_950] {strides = array<i32>} : memref<640xi32, #tpu.memory_space<vmem>>, vector<16xi32>,
      %swap3A_952 = vector.shape_cast %swap3A_951 : vector<16xi32> to vector<16xi32>
      %swap3A_953 = vector.shape_cast %select_n3A_949 : vector<16xi32> to vector<16xi32>
      tpu.vector_store %arg10[%swap3A_950], %swap3A_953 {strides = array<i32>} : memref<640xi32, #tpu.memory_space<vmem>>, vector<16xi32>,
      %and3A_954 = arith.constant 131071 : i32
      %and3A_955 = vector.broadcast %and3A_954 : i32 to vector<16xi32>
      %and3A_956 = arith.andi %add3A_942, %and3A_955 : vector<16xi32>
      %ge3A_957 = arith.constant 20000 : i32
      %ge3A_958 = vector.broadcast %ge3A_957 : i32 to vector<16xi32>
      %ge3A_959 = arith.cmpi sge, %get3A_935, %ge3A_958 : vector<16xi32>
      %lt3A_960 = arith.constant 200000 : i32
      %lt3A_961 = vector.broadcast %lt3A_960 : i32 to vector<16xi32>
      %lt3A_962 = arith.cmpi slt, %get3A_935, %lt3A_961 : vector<16xi32>
      %sub3A_963 = arith.constant 20000 : i32
      %sub3A_964 = vector.broadcast %sub3A_963 : i32 to vector<16xi32>
      %sub3A_965 = arith.subi %get3A_935, %sub3A_964 : vector<16xi32>
      %select_n3A_966 = arith.select %lt3A_962, %sub3A_965, %and3A_956 : vector<16xi1>, vector<16xi32>
      %select_n3A_967 = arith.select %ge3A_959, %select_n3A_966, %and3A_956 : vector<16xi1>, vector<16xi32>
      %swap3A_968 = arith.constant 256 : index
      %swap3A_969 = tpu.vector_load %arg11[%swap3A_968] {strides = array<i32>} : memref<640xi32, #tpu.memory_space<vmem>>, vector<16xi32>,
      %swap3A_970 = vector.shape_cast %swap3A_969 : vector<16xi32> to vector<16xi32>
      %swap3A_971 = vector.shape_cast %select_n3A_967 : vector<16xi32> to vector<16xi32>
      tpu.vector_store %arg11[%swap3A_968], %swap3A_971 {strides = array<i32>} : memref<640xi32, #tpu.memory_space<vmem>>, vector<16xi32>,
      %ge3A_972 = arith.constant 200000 : i32
      %ge3A_973 = vector.broadcast %ge3A_972 : i32 to vector<16xi32>
      %ge3A_974 = arith.cmpi sge, %get3A_935, %ge3A_973 : vector<16xi32>
      %sub3A_975 = arith.constant 200000 : i32
      %sub3A_976 = vector.broadcast %sub3A_975 : i32 to vector<16xi32>
      %sub3A_977 = arith.subi %get3A_935, %sub3A_976 : vector<16xi32>
      %and3A_978 = arith.constant 524287 : i32
      %and3A_979 = vector.broadcast %and3A_978 : i32 to vector<16xi32>
      %and3A_980 = arith.andi %add3A_942, %and3A_979 : vector<16xi32>
      %select_n3A_981 = arith.select %ge3A_974, %sub3A_977, %and3A_980 : vector<16xi1>, vector<16xi32>
      %swap3A_982 = arith.constant 256 : index
      %swap3A_983 = tpu.vector_load %arg12[%swap3A_982] {strides = array<i32>} : memref<640xi32, #tpu.memory_space<vmem>>, vector<16xi32>,
      %swap3A_984 = vector.shape_cast %swap3A_983 : vector<16xi32> to vector<16xi32>
      %swap3A_985 = vector.shape_cast %select_n3A_981 : vector<16xi32> to vector<16xi32>
      tpu.vector_store %arg12[%swap3A_982], %swap3A_985 {strides = array<i32>} : memref<640xi32, #tpu.memory_space<vmem>>, vector<16xi32>,
      %get3A_986 = arith.constant 272 : index
      %get3A_987 = tpu.vector_load %arg9[%get3A_986] {strides = array<i32>} : memref<640xi32, #tpu.memory_space<vmem>>, vector<16xi32>,
      %get3A_988 = vector.shape_cast %get3A_987 : vector<16xi32> to vector<16xi32>
      %broadcast_in_dim3A_989 = arith.constant 0 : i32
      %broadcast_in_dim3A_990 = vector.broadcast %broadcast_in_dim3A_989 : i32 to vector<16xi32>
      %add3A_991 = arith.constant 272 : i32
      %add3A_992 = arith.addi %add3A_89, %add3A_991 : i32
      %iota3A_993 = tpu.iota {dimensions = array<i32: 0>} : vector<16xi32>
      %add3A_994 = vector.broadcast %add3A_992 : i32 to vector<16xi32>
      %add3A_995 = arith.addi %add3A_994, %iota3A_993 : vector<16xi32>
      %lt3A_996 = arith.constant 20000 : i32
      %lt3A_997 = vector.broadcast %lt3A_996 : i32 to vector<16xi32>
      %lt3A_998 = arith.cmpi slt, %get3A_988, %lt3A_997 : vector<16xi32>
      %and3A_999 = arith.constant 16383 : i32
      %and3A_1000 = vector.broadcast %and3A_999 : i32 to vector<16xi32>
      %and3A_1001 = arith.andi %add3A_995, %and3A_1000 : vector<16xi32>
      %select_n3A_1002 = arith.select %lt3A_998, %get3A_988, %and3A_1001 : vector<16xi1>, vector<16xi32>
      %swap3A_1003 = arith.constant 272 : index
      %swap3A_1004 = tpu.vector_load %arg10[%swap3A_1003] {strides = array<i32>} : memref<640xi32, #tpu.memory_space<vmem>>, vector<16xi32>,
      %swap3A_1005 = vector.shape_cast %swap3A_1004 : vector<16xi32> to vector<16xi32>
      %swap3A_1006 = vector.shape_cast %select_n3A_1002 : vector<16xi32> to vector<16xi32>
      tpu.vector_store %arg10[%swap3A_1003], %swap3A_1006 {strides = array<i32>} : memref<640xi32, #tpu.memory_space<vmem>>, vector<16xi32>,
      %and3A_1007 = arith.constant 131071 : i32
      %and3A_1008 = vector.broadcast %and3A_1007 : i32 to vector<16xi32>
      %and3A_1009 = arith.andi %add3A_995, %and3A_1008 : vector<16xi32>
      %ge3A_1010 = arith.constant 20000 : i32
      %ge3A_1011 = vector.broadcast %ge3A_1010 : i32 to vector<16xi32>
      %ge3A_1012 = arith.cmpi sge, %get3A_988, %ge3A_1011 : vector<16xi32>
      %lt3A_1013 = arith.constant 200000 : i32
      %lt3A_1014 = vector.broadcast %lt3A_1013 : i32 to vector<16xi32>
      %lt3A_1015 = arith.cmpi slt, %get3A_988, %lt3A_1014 : vector<16xi32>
      %sub3A_1016 = arith.constant 20000 : i32
      %sub3A_1017 = vector.broadcast %sub3A_1016 : i32 to vector<16xi32>
      %sub3A_1018 = arith.subi %get3A_988, %sub3A_1017 : vector<16xi32>
      %select_n3A_1019 = arith.select %lt3A_1015, %sub3A_1018, %and3A_1009 : vector<16xi1>, vector<16xi32>
      %select_n3A_1020 = arith.select %ge3A_1012, %select_n3A_1019, %and3A_1009 : vector<16xi1>, vector<16xi32>
      %swap3A_1021 = arith.constant 272 : index
      %swap3A_1022 = tpu.vector_load %arg11[%swap3A_1021] {strides = array<i32>} : memref<640xi32, #tpu.memory_space<vmem>>, vector<16xi32>,
      %swap3A_1023 = vector.shape_cast %swap3A_1022 : vector<16xi32> to vector<16xi32>
      %swap3A_1024 = vector.shape_cast %select_n3A_1020 : vector<16xi32> to vector<16xi32>
      tpu.vector_store %arg11[%swap3A_1021], %swap3A_1024 {strides = array<i32>} : memref<640xi32, #tpu.memory_space<vmem>>, vector<16xi32>,
      %ge3A_1025 = arith.constant 200000 : i32
      %ge3A_1026 = vector.broadcast %ge3A_1025 : i32 to vector<16xi32>
      %ge3A_1027 = arith.cmpi sge, %get3A_988, %ge3A_1026 : vector<16xi32>
      %sub3A_1028 = arith.constant 200000 : i32
      %sub3A_1029 = vector.broadcast %sub3A_1028 : i32 to vector<16xi32>
      %sub3A_1030 = arith.subi %get3A_988, %sub3A_1029 : vector<16xi32>
      %and3A_1031 = arith.constant 524287 : i32
      %and3A_1032 = vector.broadcast %and3A_1031 : i32 to vector<16xi32>
      %and3A_1033 = arith.andi %add3A_995, %and3A_1032 : vector<16xi32>
      %select_n3A_1034 = arith.select %ge3A_1027, %sub3A_1030, %and3A_1033 : vector<16xi1>, vector<16xi32>
      %swap3A_1035 = arith.constant 272 : index
      %swap3A_1036 = tpu.vector_load %arg12[%swap3A_1035] {strides = array<i32>} : memref<640xi32, #tpu.memory_space<vmem>>, vector<16xi32>,
      %swap3A_1037 = vector.shape_cast %swap3A_1036 : vector<16xi32> to vector<16xi32>
      %swap3A_1038 = vector.shape_cast %select_n3A_1034 : vector<16xi32> to vector<16xi32>
      tpu.vector_store %arg12[%swap3A_1035], %swap3A_1038 {strides = array<i32>} : memref<640xi32, #tpu.memory_space<vmem>>, vector<16xi32>,
      %get3A_1039 = arith.constant 288 : index
      %get3A_1040 = tpu.vector_load %arg9[%get3A_1039] {strides = array<i32>} : memref<640xi32, #tpu.memory_space<vmem>>, vector<16xi32>,
      %get3A_1041 = vector.shape_cast %get3A_1040 : vector<16xi32> to vector<16xi32>
      %broadcast_in_dim3A_1042 = arith.constant 0 : i32
      %broadcast_in_dim3A_1043 = vector.broadcast %broadcast_in_dim3A_1042 : i32 to vector<16xi32>
      %add3A_1044 = arith.constant 288 : i32
      %add3A_1045 = arith.addi %add3A_89, %add3A_1044 : i32
      %iota3A_1046 = tpu.iota {dimensions = array<i32: 0>} : vector<16xi32>
      %add3A_1047 = vector.broadcast %add3A_1045 : i32 to vector<16xi32>
      %add3A_1048 = arith.addi %add3A_1047, %iota3A_1046 : vector<16xi32>
      %lt3A_1049 = arith.constant 20000 : i32
      %lt3A_1050 = vector.broadcast %lt3A_1049 : i32 to vector<16xi32>
      %lt3A_1051 = arith.cmpi slt, %get3A_1041, %lt3A_1050 : vector<16xi32>
      %and3A_1052 = arith.constant 16383 : i32
      %and3A_1053 = vector.broadcast %and3A_1052 : i32 to vector<16xi32>
      %and3A_1054 = arith.andi %add3A_1048, %and3A_1053 : vector<16xi32>
      %select_n3A_1055 = arith.select %lt3A_1051, %get3A_1041, %and3A_1054 : vector<16xi1>, vector<16xi32>
      %swap3A_1056 = arith.constant 288 : index
      %swap3A_1057 = tpu.vector_load %arg10[%swap3A_1056] {strides = array<i32>} : memref<640xi32, #tpu.memory_space<vmem>>, vector<16xi32>,
      %swap3A_1058 = vector.shape_cast %swap3A_1057 : vector<16xi32> to vector<16xi32>
      %swap3A_1059 = vector.shape_cast %select_n3A_1055 : vector<16xi32> to vector<16xi32>
      tpu.vector_store %arg10[%swap3A_1056], %swap3A_1059 {strides = array<i32>} : memref<640xi32, #tpu.memory_space<vmem>>, vector<16xi32>,
      %and3A_1060 = arith.constant 131071 : i32
      %and3A_1061 = vector.broadcast %and3A_1060 : i32 to vector<16xi32>
      %and3A_1062 = arith.andi %add3A_1048, %and3A_1061 : vector<16xi32>
      %ge3A_1063 = arith.constant 20000 : i32
      %ge3A_1064 = vector.broadcast %ge3A_1063 : i32 to vector<16xi32>
      %ge3A_1065 = arith.cmpi sge, %get3A_1041, %ge3A_1064 : vector<16xi32>
      %lt3A_1066 = arith.constant 200000 : i32
      %lt3A_1067 = vector.broadcast %lt3A_1066 : i32 to vector<16xi32>
      %lt3A_1068 = arith.cmpi slt, %get3A_1041, %lt3A_1067 : vector<16xi32>
      %sub3A_1069 = arith.constant 20000 : i32
      %sub3A_1070 = vector.broadcast %sub3A_1069 : i32 to vector<16xi32>
      %sub3A_1071 = arith.subi %get3A_1041, %sub3A_1070 : vector<16xi32>
      %select_n3A_1072 = arith.select %lt3A_1068, %sub3A_1071, %and3A_1062 : vector<16xi1>, vector<16xi32>
      %select_n3A_1073 = arith.select %ge3A_1065, %select_n3A_1072, %and3A_1062 : vector<16xi1>, vector<16xi32>
      %swap3A_1074 = arith.constant 288 : index
      %swap3A_1075 = tpu.vector_load %arg11[%swap3A_1074] {strides = array<i32>} : memref<640xi32, #tpu.memory_space<vmem>>, vector<16xi32>,
      %swap3A_1076 = vector.shape_cast %swap3A_1075 : vector<16xi32> to vector<16xi32>
      %swap3A_1077 = vector.shape_cast %select_n3A_1073 : vector<16xi32> to vector<16xi32>
      tpu.vector_store %arg11[%swap3A_1074], %swap3A_1077 {strides = array<i32>} : memref<640xi32, #tpu.memory_space<vmem>>, vector<16xi32>,
      %ge3A_1078 = arith.constant 200000 : i32
      %ge3A_1079 = vector.broadcast %ge3A_1078 : i32 to vector<16xi32>
      %ge3A_1080 = arith.cmpi sge, %get3A_1041, %ge3A_1079 : vector<16xi32>
      %sub3A_1081 = arith.constant 200000 : i32
      %sub3A_1082 = vector.broadcast %sub3A_1081 : i32 to vector<16xi32>
      %sub3A_1083 = arith.subi %get3A_1041, %sub3A_1082 : vector<16xi32>
      %and3A_1084 = arith.constant 524287 : i32
      %and3A_1085 = vector.broadcast %and3A_1084 : i32 to vector<16xi32>
      %and3A_1086 = arith.andi %add3A_1048, %and3A_1085 : vector<16xi32>
      %select_n3A_1087 = arith.select %ge3A_1080, %sub3A_1083, %and3A_1086 : vector<16xi1>, vector<16xi32>
      %swap3A_1088 = arith.constant 288 : index
      %swap3A_1089 = tpu.vector_load %arg12[%swap3A_1088] {strides = array<i32>} : memref<640xi32, #tpu.memory_space<vmem>>, vector<16xi32>,
      %swap3A_1090 = vector.shape_cast %swap3A_1089 : vector<16xi32> to vector<16xi32>
      %swap3A_1091 = vector.shape_cast %select_n3A_1087 : vector<16xi32> to vector<16xi32>
      tpu.vector_store %arg12[%swap3A_1088], %swap3A_1091 {strides = array<i32>} : memref<640xi32, #tpu.memory_space<vmem>>, vector<16xi32>,
      %get3A_1092 = arith.constant 304 : index
      %get3A_1093 = tpu.vector_load %arg9[%get3A_1092] {strides = array<i32>} : memref<640xi32, #tpu.memory_space<vmem>>, vector<16xi32>,
      %get3A_1094 = vector.shape_cast %get3A_1093 : vector<16xi32> to vector<16xi32>
      %broadcast_in_dim3A_1095 = arith.constant 0 : i32
      %broadcast_in_dim3A_1096 = vector.broadcast %broadcast_in_dim3A_1095 : i32 to vector<16xi32>
      %add3A_1097 = arith.constant 304 : i32
      %add3A_1098 = arith.addi %add3A_89, %add3A_1097 : i32
      %iota3A_1099 = tpu.iota {dimensions = array<i32: 0>} : vector<16xi32>
      %add3A_1100 = vector.broadcast %add3A_1098 : i32 to vector<16xi32>
      %add3A_1101 = arith.addi %add3A_1100, %iota3A_1099 : vector<16xi32>
      %lt3A_1102 = arith.constant 20000 : i32
      %lt3A_1103 = vector.broadcast %lt3A_1102 : i32 to vector<16xi32>
      %lt3A_1104 = arith.cmpi slt, %get3A_1094, %lt3A_1103 : vector<16xi32>
      %and3A_1105 = arith.constant 16383 : i32
      %and3A_1106 = vector.broadcast %and3A_1105 : i32 to vector<16xi32>
      %and3A_1107 = arith.andi %add3A_1101, %and3A_1106 : vector<16xi32>
      %select_n3A_1108 = arith.select %lt3A_1104, %get3A_1094, %and3A_1107 : vector<16xi1>, vector<16xi32>
      %swap3A_1109 = arith.constant 304 : index
      %swap3A_1110 = tpu.vector_load %arg10[%swap3A_1109] {strides = array<i32>} : memref<640xi32, #tpu.memory_space<vmem>>, vector<16xi32>,
      %swap3A_1111 = vector.shape_cast %swap3A_1110 : vector<16xi32> to vector<16xi32>
      %swap3A_1112 = vector.shape_cast %select_n3A_1108 : vector<16xi32> to vector<16xi32>
      tpu.vector_store %arg10[%swap3A_1109], %swap3A_1112 {strides = array<i32>} : memref<640xi32, #tpu.memory_space<vmem>>, vector<16xi32>,
      %and3A_1113 = arith.constant 131071 : i32
      %and3A_1114 = vector.broadcast %and3A_1113 : i32 to vector<16xi32>
      %and3A_1115 = arith.andi %add3A_1101, %and3A_1114 : vector<16xi32>
      %ge3A_1116 = arith.constant 20000 : i32
      %ge3A_1117 = vector.broadcast %ge3A_1116 : i32 to vector<16xi32>
      %ge3A_1118 = arith.cmpi sge, %get3A_1094, %ge3A_1117 : vector<16xi32>
      %lt3A_1119 = arith.constant 200000 : i32
      %lt3A_1120 = vector.broadcast %lt3A_1119 : i32 to vector<16xi32>
      %lt3A_1121 = arith.cmpi slt, %get3A_1094, %lt3A_1120 : vector<16xi32>
      %sub3A_1122 = arith.constant 20000 : i32
      %sub3A_1123 = vector.broadcast %sub3A_1122 : i32 to vector<16xi32>
      %sub3A_1124 = arith.subi %get3A_1094, %sub3A_1123 : vector<16xi32>
      %select_n3A_1125 = arith.select %lt3A_1121, %sub3A_1124, %and3A_1115 : vector<16xi1>, vector<16xi32>
      %select_n3A_1126 = arith.select %ge3A_1118, %select_n3A_1125, %and3A_1115 : vector<16xi1>, vector<16xi32>
      %swap3A_1127 = arith.constant 304 : index
      %swap3A_1128 = tpu.vector_load %arg11[%swap3A_1127] {strides = array<i32>} : memref<640xi32, #tpu.memory_space<vmem>>, vector<16xi32>,
      %swap3A_1129 = vector.shape_cast %swap3A_1128 : vector<16xi32> to vector<16xi32>
      %swap3A_1130 = vector.shape_cast %select_n3A_1126 : vector<16xi32> to vector<16xi32>
      tpu.vector_store %arg11[%swap3A_1127], %swap3A_1130 {strides = array<i32>} : memref<640xi32, #tpu.memory_space<vmem>>, vector<16xi32>,
      %ge3A_1131 = arith.constant 200000 : i32
      %ge3A_1132 = vector.broadcast %ge3A_1131 : i32 to vector<16xi32>
      %ge3A_1133 = arith.cmpi sge, %get3A_1094, %ge3A_1132 : vector<16xi32>
      %sub3A_1134 = arith.constant 200000 : i32
      %sub3A_1135 = vector.broadcast %sub3A_1134 : i32 to vector<16xi32>
      %sub3A_1136 = arith.subi %get3A_1094, %sub3A_1135 : vector<16xi32>
      %and3A_1137 = arith.constant 524287 : i32
      %and3A_1138 = vector.broadcast %and3A_1137 : i32 to vector<16xi32>
      %and3A_1139 = arith.andi %add3A_1101, %and3A_1138 : vector<16xi32>
      %select_n3A_1140 = arith.select %ge3A_1133, %sub3A_1136, %and3A_1139 : vector<16xi1>, vector<16xi32>
      %swap3A_1141 = arith.constant 304 : index
      %swap3A_1142 = tpu.vector_load %arg12[%swap3A_1141] {strides = array<i32>} : memref<640xi32, #tpu.memory_space<vmem>>, vector<16xi32>,
      %swap3A_1143 = vector.shape_cast %swap3A_1142 : vector<16xi32> to vector<16xi32>
      %swap3A_1144 = vector.shape_cast %select_n3A_1140 : vector<16xi32> to vector<16xi32>
      tpu.vector_store %arg12[%swap3A_1141], %swap3A_1144 {strides = array<i32>} : memref<640xi32, #tpu.memory_space<vmem>>, vector<16xi32>,
      %get3A_1145 = arith.constant 320 : index
      %get3A_1146 = tpu.vector_load %arg9[%get3A_1145] {strides = array<i32>} : memref<640xi32, #tpu.memory_space<vmem>>, vector<16xi32>,
      %get3A_1147 = vector.shape_cast %get3A_1146 : vector<16xi32> to vector<16xi32>
      %broadcast_in_dim3A_1148 = arith.constant 0 : i32
      %broadcast_in_dim3A_1149 = vector.broadcast %broadcast_in_dim3A_1148 : i32 to vector<16xi32>
      %add3A_1150 = arith.constant 320 : i32
      %add3A_1151 = arith.addi %add3A_89, %add3A_1150 : i32
      %iota3A_1152 = tpu.iota {dimensions = array<i32: 0>} : vector<16xi32>
      %add3A_1153 = vector.broadcast %add3A_1151 : i32 to vector<16xi32>
      %add3A_1154 = arith.addi %add3A_1153, %iota3A_1152 : vector<16xi32>
      %lt3A_1155 = arith.constant 20000 : i32
      %lt3A_1156 = vector.broadcast %lt3A_1155 : i32 to vector<16xi32>
      %lt3A_1157 = arith.cmpi slt, %get3A_1147, %lt3A_1156 : vector<16xi32>
      %and3A_1158 = arith.constant 16383 : i32
      %and3A_1159 = vector.broadcast %and3A_1158 : i32 to vector<16xi32>
      %and3A_1160 = arith.andi %add3A_1154, %and3A_1159 : vector<16xi32>
      %select_n3A_1161 = arith.select %lt3A_1157, %get3A_1147, %and3A_1160 : vector<16xi1>, vector<16xi32>
      %swap3A_1162 = arith.constant 320 : index
      %swap3A_1163 = tpu.vector_load %arg10[%swap3A_1162] {strides = array<i32>} : memref<640xi32, #tpu.memory_space<vmem>>, vector<16xi32>,
      %swap3A_1164 = vector.shape_cast %swap3A_1163 : vector<16xi32> to vector<16xi32>
      %swap3A_1165 = vector.shape_cast %select_n3A_1161 : vector<16xi32> to vector<16xi32>
      tpu.vector_store %arg10[%swap3A_1162], %swap3A_1165 {strides = array<i32>} : memref<640xi32, #tpu.memory_space<vmem>>, vector<16xi32>,
      %and3A_1166 = arith.constant 131071 : i32
      %and3A_1167 = vector.broadcast %and3A_1166 : i32 to vector<16xi32>
      %and3A_1168 = arith.andi %add3A_1154, %and3A_1167 : vector<16xi32>
      %ge3A_1169 = arith.constant 20000 : i32
      %ge3A_1170 = vector.broadcast %ge3A_1169 : i32 to vector<16xi32>
      %ge3A_1171 = arith.cmpi sge, %get3A_1147, %ge3A_1170 : vector<16xi32>
      %lt3A_1172 = arith.constant 200000 : i32
      %lt3A_1173 = vector.broadcast %lt3A_1172 : i32 to vector<16xi32>
      %lt3A_1174 = arith.cmpi slt, %get3A_1147, %lt3A_1173 : vector<16xi32>
      %sub3A_1175 = arith.constant 20000 : i32
      %sub3A_1176 = vector.broadcast %sub3A_1175 : i32 to vector<16xi32>
      %sub3A_1177 = arith.subi %get3A_1147, %sub3A_1176 : vector<16xi32>
      %select_n3A_1178 = arith.select %lt3A_1174, %sub3A_1177, %and3A_1168 : vector<16xi1>, vector<16xi32>
      %select_n3A_1179 = arith.select %ge3A_1171, %select_n3A_1178, %and3A_1168 : vector<16xi1>, vector<16xi32>
      %swap3A_1180 = arith.constant 320 : index
      %swap3A_1181 = tpu.vector_load %arg11[%swap3A_1180] {strides = array<i32>} : memref<640xi32, #tpu.memory_space<vmem>>, vector<16xi32>,
      %swap3A_1182 = vector.shape_cast %swap3A_1181 : vector<16xi32> to vector<16xi32>
      %swap3A_1183 = vector.shape_cast %select_n3A_1179 : vector<16xi32> to vector<16xi32>
      tpu.vector_store %arg11[%swap3A_1180], %swap3A_1183 {strides = array<i32>} : memref<640xi32, #tpu.memory_space<vmem>>, vector<16xi32>,
      %ge3A_1184 = arith.constant 200000 : i32
      %ge3A_1185 = vector.broadcast %ge3A_1184 : i32 to vector<16xi32>
      %ge3A_1186 = arith.cmpi sge, %get3A_1147, %ge3A_1185 : vector<16xi32>
      %sub3A_1187 = arith.constant 200000 : i32
      %sub3A_1188 = vector.broadcast %sub3A_1187 : i32 to vector<16xi32>
      %sub3A_1189 = arith.subi %get3A_1147, %sub3A_1188 : vector<16xi32>
      %and3A_1190 = arith.constant 524287 : i32
      %and3A_1191 = vector.broadcast %and3A_1190 : i32 to vector<16xi32>
      %and3A_1192 = arith.andi %add3A_1154, %and3A_1191 : vector<16xi32>
      %select_n3A_1193 = arith.select %ge3A_1186, %sub3A_1189, %and3A_1192 : vector<16xi1>, vector<16xi32>
      %swap3A_1194 = arith.constant 320 : index
      %swap3A_1195 = tpu.vector_load %arg12[%swap3A_1194] {strides = array<i32>} : memref<640xi32, #tpu.memory_space<vmem>>, vector<16xi32>,
      %swap3A_1196 = vector.shape_cast %swap3A_1195 : vector<16xi32> to vector<16xi32>
      %swap3A_1197 = vector.shape_cast %select_n3A_1193 : vector<16xi32> to vector<16xi32>
      tpu.vector_store %arg12[%swap3A_1194], %swap3A_1197 {strides = array<i32>} : memref<640xi32, #tpu.memory_space<vmem>>, vector<16xi32>,
      %get3A_1198 = arith.constant 336 : index
      %get3A_1199 = tpu.vector_load %arg9[%get3A_1198] {strides = array<i32>} : memref<640xi32, #tpu.memory_space<vmem>>, vector<16xi32>,
      %get3A_1200 = vector.shape_cast %get3A_1199 : vector<16xi32> to vector<16xi32>
      %broadcast_in_dim3A_1201 = arith.constant 0 : i32
      %broadcast_in_dim3A_1202 = vector.broadcast %broadcast_in_dim3A_1201 : i32 to vector<16xi32>
      %add3A_1203 = arith.constant 336 : i32
      %add3A_1204 = arith.addi %add3A_89, %add3A_1203 : i32
      %iota3A_1205 = tpu.iota {dimensions = array<i32: 0>} : vector<16xi32>
      %add3A_1206 = vector.broadcast %add3A_1204 : i32 to vector<16xi32>
      %add3A_1207 = arith.addi %add3A_1206, %iota3A_1205 : vector<16xi32>
      %lt3A_1208 = arith.constant 20000 : i32
      %lt3A_1209 = vector.broadcast %lt3A_1208 : i32 to vector<16xi32>
      %lt3A_1210 = arith.cmpi slt, %get3A_1200, %lt3A_1209 : vector<16xi32>
      %and3A_1211 = arith.constant 16383 : i32
      %and3A_1212 = vector.broadcast %and3A_1211 : i32 to vector<16xi32>
      %and3A_1213 = arith.andi %add3A_1207, %and3A_1212 : vector<16xi32>
      %select_n3A_1214 = arith.select %lt3A_1210, %get3A_1200, %and3A_1213 : vector<16xi1>, vector<16xi32>
      %swap3A_1215 = arith.constant 336 : index
      %swap3A_1216 = tpu.vector_load %arg10[%swap3A_1215] {strides = array<i32>} : memref<640xi32, #tpu.memory_space<vmem>>, vector<16xi32>,
      %swap3A_1217 = vector.shape_cast %swap3A_1216 : vector<16xi32> to vector<16xi32>
      %swap3A_1218 = vector.shape_cast %select_n3A_1214 : vector<16xi32> to vector<16xi32>
      tpu.vector_store %arg10[%swap3A_1215], %swap3A_1218 {strides = array<i32>} : memref<640xi32, #tpu.memory_space<vmem>>, vector<16xi32>,
      %and3A_1219 = arith.constant 131071 : i32
      %and3A_1220 = vector.broadcast %and3A_1219 : i32 to vector<16xi32>
      %and3A_1221 = arith.andi %add3A_1207, %and3A_1220 : vector<16xi32>
      %ge3A_1222 = arith.constant 20000 : i32
      %ge3A_1223 = vector.broadcast %ge3A_1222 : i32 to vector<16xi32>
      %ge3A_1224 = arith.cmpi sge, %get3A_1200, %ge3A_1223 : vector<16xi32>
      %lt3A_1225 = arith.constant 200000 : i32
      %lt3A_1226 = vector.broadcast %lt3A_1225 : i32 to vector<16xi32>
      %lt3A_1227 = arith.cmpi slt, %get3A_1200, %lt3A_1226 : vector<16xi32>
      %sub3A_1228 = arith.constant 20000 : i32
      %sub3A_1229 = vector.broadcast %sub3A_1228 : i32 to vector<16xi32>
      %sub3A_1230 = arith.subi %get3A_1200, %sub3A_1229 : vector<16xi32>
      %select_n3A_1231 = arith.select %lt3A_1227, %sub3A_1230, %and3A_1221 : vector<16xi1>, vector<16xi32>
      %select_n3A_1232 = arith.select %ge3A_1224, %select_n3A_1231, %and3A_1221 : vector<16xi1>, vector<16xi32>
      %swap3A_1233 = arith.constant 336 : index
      %swap3A_1234 = tpu.vector_load %arg11[%swap3A_1233] {strides = array<i32>} : memref<640xi32, #tpu.memory_space<vmem>>, vector<16xi32>,
      %swap3A_1235 = vector.shape_cast %swap3A_1234 : vector<16xi32> to vector<16xi32>
      %swap3A_1236 = vector.shape_cast %select_n3A_1232 : vector<16xi32> to vector<16xi32>
      tpu.vector_store %arg11[%swap3A_1233], %swap3A_1236 {strides = array<i32>} : memref<640xi32, #tpu.memory_space<vmem>>, vector<16xi32>,
      %ge3A_1237 = arith.constant 200000 : i32
      %ge3A_1238 = vector.broadcast %ge3A_1237 : i32 to vector<16xi32>
      %ge3A_1239 = arith.cmpi sge, %get3A_1200, %ge3A_1238 : vector<16xi32>
      %sub3A_1240 = arith.constant 200000 : i32
      %sub3A_1241 = vector.broadcast %sub3A_1240 : i32 to vector<16xi32>
      %sub3A_1242 = arith.subi %get3A_1200, %sub3A_1241 : vector<16xi32>
      %and3A_1243 = arith.constant 524287 : i32
      %and3A_1244 = vector.broadcast %and3A_1243 : i32 to vector<16xi32>
      %and3A_1245 = arith.andi %add3A_1207, %and3A_1244 : vector<16xi32>
      %select_n3A_1246 = arith.select %ge3A_1239, %sub3A_1242, %and3A_1245 : vector<16xi1>, vector<16xi32>
      %swap3A_1247 = arith.constant 336 : index
      %swap3A_1248 = tpu.vector_load %arg12[%swap3A_1247] {strides = array<i32>} : memref<640xi32, #tpu.memory_space<vmem>>, vector<16xi32>,
      %swap3A_1249 = vector.shape_cast %swap3A_1248 : vector<16xi32> to vector<16xi32>
      %swap3A_1250 = vector.shape_cast %select_n3A_1246 : vector<16xi32> to vector<16xi32>
      tpu.vector_store %arg12[%swap3A_1247], %swap3A_1250 {strides = array<i32>} : memref<640xi32, #tpu.memory_space<vmem>>, vector<16xi32>,
      %get3A_1251 = arith.constant 352 : index
      %get3A_1252 = tpu.vector_load %arg9[%get3A_1251] {strides = array<i32>} : memref<640xi32, #tpu.memory_space<vmem>>, vector<16xi32>,
      %get3A_1253 = vector.shape_cast %get3A_1252 : vector<16xi32> to vector<16xi32>
      %broadcast_in_dim3A_1254 = arith.constant 0 : i32
      %broadcast_in_dim3A_1255 = vector.broadcast %broadcast_in_dim3A_1254 : i32 to vector<16xi32>
      %add3A_1256 = arith.constant 352 : i32
      %add3A_1257 = arith.addi %add3A_89, %add3A_1256 : i32
      %iota3A_1258 = tpu.iota {dimensions = array<i32: 0>} : vector<16xi32>
      %add3A_1259 = vector.broadcast %add3A_1257 : i32 to vector<16xi32>
      %add3A_1260 = arith.addi %add3A_1259, %iota3A_1258 : vector<16xi32>
      %lt3A_1261 = arith.constant 20000 : i32
      %lt3A_1262 = vector.broadcast %lt3A_1261 : i32 to vector<16xi32>
      %lt3A_1263 = arith.cmpi slt, %get3A_1253, %lt3A_1262 : vector<16xi32>
      %and3A_1264 = arith.constant 16383 : i32
      %and3A_1265 = vector.broadcast %and3A_1264 : i32 to vector<16xi32>
      %and3A_1266 = arith.andi %add3A_1260, %and3A_1265 : vector<16xi32>
      %select_n3A_1267 = arith.select %lt3A_1263, %get3A_1253, %and3A_1266 : vector<16xi1>, vector<16xi32>
      %swap3A_1268 = arith.constant 352 : index
      %swap3A_1269 = tpu.vector_load %arg10[%swap3A_1268] {strides = array<i32>} : memref<640xi32, #tpu.memory_space<vmem>>, vector<16xi32>,
      %swap3A_1270 = vector.shape_cast %swap3A_1269 : vector<16xi32> to vector<16xi32>
      %swap3A_1271 = vector.shape_cast %select_n3A_1267 : vector<16xi32> to vector<16xi32>
      tpu.vector_store %arg10[%swap3A_1268], %swap3A_1271 {strides = array<i32>} : memref<640xi32, #tpu.memory_space<vmem>>, vector<16xi32>,
      %and3A_1272 = arith.constant 131071 : i32
      %and3A_1273 = vector.broadcast %and3A_1272 : i32 to vector<16xi32>
      %and3A_1274 = arith.andi %add3A_1260, %and3A_1273 : vector<16xi32>
      %ge3A_1275 = arith.constant 20000 : i32
      %ge3A_1276 = vector.broadcast %ge3A_1275 : i32 to vector<16xi32>
      %ge3A_1277 = arith.cmpi sge, %get3A_1253, %ge3A_1276 : vector<16xi32>
      %lt3A_1278 = arith.constant 200000 : i32
      %lt3A_1279 = vector.broadcast %lt3A_1278 : i32 to vector<16xi32>
      %lt3A_1280 = arith.cmpi slt, %get3A_1253, %lt3A_1279 : vector<16xi32>
      %sub3A_1281 = arith.constant 20000 : i32
      %sub3A_1282 = vector.broadcast %sub3A_1281 : i32 to vector<16xi32>
      %sub3A_1283 = arith.subi %get3A_1253, %sub3A_1282 : vector<16xi32>
      %select_n3A_1284 = arith.select %lt3A_1280, %sub3A_1283, %and3A_1274 : vector<16xi1>, vector<16xi32>
      %select_n3A_1285 = arith.select %ge3A_1277, %select_n3A_1284, %and3A_1274 : vector<16xi1>, vector<16xi32>
      %swap3A_1286 = arith.constant 352 : index
      %swap3A_1287 = tpu.vector_load %arg11[%swap3A_1286] {strides = array<i32>} : memref<640xi32, #tpu.memory_space<vmem>>, vector<16xi32>,
      %swap3A_1288 = vector.shape_cast %swap3A_1287 : vector<16xi32> to vector<16xi32>
      %swap3A_1289 = vector.shape_cast %select_n3A_1285 : vector<16xi32> to vector<16xi32>
      tpu.vector_store %arg11[%swap3A_1286], %swap3A_1289 {strides = array<i32>} : memref<640xi32, #tpu.memory_space<vmem>>, vector<16xi32>,
      %ge3A_1290 = arith.constant 200000 : i32
      %ge3A_1291 = vector.broadcast %ge3A_1290 : i32 to vector<16xi32>
      %ge3A_1292 = arith.cmpi sge, %get3A_1253, %ge3A_1291 : vector<16xi32>
      %sub3A_1293 = arith.constant 200000 : i32
      %sub3A_1294 = vector.broadcast %sub3A_1293 : i32 to vector<16xi32>
      %sub3A_1295 = arith.subi %get3A_1253, %sub3A_1294 : vector<16xi32>
      %and3A_1296 = arith.constant 524287 : i32
      %and3A_1297 = vector.broadcast %and3A_1296 : i32 to vector<16xi32>
      %and3A_1298 = arith.andi %add3A_1260, %and3A_1297 : vector<16xi32>
      %select_n3A_1299 = arith.select %ge3A_1292, %sub3A_1295, %and3A_1298 : vector<16xi1>, vector<16xi32>
      %swap3A_1300 = arith.constant 352 : index
      %swap3A_1301 = tpu.vector_load %arg12[%swap3A_1300] {strides = array<i32>} : memref<640xi32, #tpu.memory_space<vmem>>, vector<16xi32>,
      %swap3A_1302 = vector.shape_cast %swap3A_1301 : vector<16xi32> to vector<16xi32>
      %swap3A_1303 = vector.shape_cast %select_n3A_1299 : vector<16xi32> to vector<16xi32>
      tpu.vector_store %arg12[%swap3A_1300], %swap3A_1303 {strides = array<i32>} : memref<640xi32, #tpu.memory_space<vmem>>, vector<16xi32>,
      %get3A_1304 = arith.constant 368 : index
      %get3A_1305 = tpu.vector_load %arg9[%get3A_1304] {strides = array<i32>} : memref<640xi32, #tpu.memory_space<vmem>>, vector<16xi32>,
      %get3A_1306 = vector.shape_cast %get3A_1305 : vector<16xi32> to vector<16xi32>
      %broadcast_in_dim3A_1307 = arith.constant 0 : i32
      %broadcast_in_dim3A_1308 = vector.broadcast %broadcast_in_dim3A_1307 : i32 to vector<16xi32>
      %add3A_1309 = arith.constant 368 : i32
      %add3A_1310 = arith.addi %add3A_89, %add3A_1309 : i32
      %iota3A_1311 = tpu.iota {dimensions = array<i32: 0>} : vector<16xi32>
      %add3A_1312 = vector.broadcast %add3A_1310 : i32 to vector<16xi32>
      %add3A_1313 = arith.addi %add3A_1312, %iota3A_1311 : vector<16xi32>
      %lt3A_1314 = arith.constant 20000 : i32
      %lt3A_1315 = vector.broadcast %lt3A_1314 : i32 to vector<16xi32>
      %lt3A_1316 = arith.cmpi slt, %get3A_1306, %lt3A_1315 : vector<16xi32>
      %and3A_1317 = arith.constant 16383 : i32
      %and3A_1318 = vector.broadcast %and3A_1317 : i32 to vector<16xi32>
      %and3A_1319 = arith.andi %add3A_1313, %and3A_1318 : vector<16xi32>
      %select_n3A_1320 = arith.select %lt3A_1316, %get3A_1306, %and3A_1319 : vector<16xi1>, vector<16xi32>
      %swap3A_1321 = arith.constant 368 : index
      %swap3A_1322 = tpu.vector_load %arg10[%swap3A_1321] {strides = array<i32>} : memref<640xi32, #tpu.memory_space<vmem>>, vector<16xi32>,
      %swap3A_1323 = vector.shape_cast %swap3A_1322 : vector<16xi32> to vector<16xi32>
      %swap3A_1324 = vector.shape_cast %select_n3A_1320 : vector<16xi32> to vector<16xi32>
      tpu.vector_store %arg10[%swap3A_1321], %swap3A_1324 {strides = array<i32>} : memref<640xi32, #tpu.memory_space<vmem>>, vector<16xi32>,
      %and3A_1325 = arith.constant 131071 : i32
      %and3A_1326 = vector.broadcast %and3A_1325 : i32 to vector<16xi32>
      %and3A_1327 = arith.andi %add3A_1313, %and3A_1326 : vector<16xi32>
      %ge3A_1328 = arith.constant 20000 : i32
      %ge3A_1329 = vector.broadcast %ge3A_1328 : i32 to vector<16xi32>
      %ge3A_1330 = arith.cmpi sge, %get3A_1306, %ge3A_1329 : vector<16xi32>
      %lt3A_1331 = arith.constant 200000 : i32
      %lt3A_1332 = vector.broadcast %lt3A_1331 : i32 to vector<16xi32>
      %lt3A_1333 = arith.cmpi slt, %get3A_1306, %lt3A_1332 : vector<16xi32>
      %sub3A_1334 = arith.constant 20000 : i32
      %sub3A_1335 = vector.broadcast %sub3A_1334 : i32 to vector<16xi32>
      %sub3A_1336 = arith.subi %get3A_1306, %sub3A_1335 : vector<16xi32>
      %select_n3A_1337 = arith.select %lt3A_1333, %sub3A_1336, %and3A_1327 : vector<16xi1>, vector<16xi32>
      %select_n3A_1338 = arith.select %ge3A_1330, %select_n3A_1337, %and3A_1327 : vector<16xi1>, vector<16xi32>
      %swap3A_1339 = arith.constant 368 : index
      %swap3A_1340 = tpu.vector_load %arg11[%swap3A_1339] {strides = array<i32>} : memref<640xi32, #tpu.memory_space<vmem>>, vector<16xi32>,
      %swap3A_1341 = vector.shape_cast %swap3A_1340 : vector<16xi32> to vector<16xi32>
      %swap3A_1342 = vector.shape_cast %select_n3A_1338 : vector<16xi32> to vector<16xi32>
      tpu.vector_store %arg11[%swap3A_1339], %swap3A_1342 {strides = array<i32>} : memref<640xi32, #tpu.memory_space<vmem>>, vector<16xi32>,
      %ge3A_1343 = arith.constant 200000 : i32
      %ge3A_1344 = vector.broadcast %ge3A_1343 : i32 to vector<16xi32>
      %ge3A_1345 = arith.cmpi sge, %get3A_1306, %ge3A_1344 : vector<16xi32>
      %sub3A_1346 = arith.constant 200000 : i32
      %sub3A_1347 = vector.broadcast %sub3A_1346 : i32 to vector<16xi32>
      %sub3A_1348 = arith.subi %get3A_1306, %sub3A_1347 : vector<16xi32>
      %and3A_1349 = arith.constant 524287 : i32
      %and3A_1350 = vector.broadcast %and3A_1349 : i32 to vector<16xi32>
      %and3A_1351 = arith.andi %add3A_1313, %and3A_1350 : vector<16xi32>
      %select_n3A_1352 = arith.select %ge3A_1345, %sub3A_1348, %and3A_1351 : vector<16xi1>, vector<16xi32>
      %swap3A_1353 = arith.constant 368 : index
      %swap3A_1354 = tpu.vector_load %arg12[%swap3A_1353] {strides = array<i32>} : memref<640xi32, #tpu.memory_space<vmem>>, vector<16xi32>,
      %swap3A_1355 = vector.shape_cast %swap3A_1354 : vector<16xi32> to vector<16xi32>
      %swap3A_1356 = vector.shape_cast %select_n3A_1352 : vector<16xi32> to vector<16xi32>
      tpu.vector_store %arg12[%swap3A_1353], %swap3A_1356 {strides = array<i32>} : memref<640xi32, #tpu.memory_space<vmem>>, vector<16xi32>,
      %get3A_1357 = arith.constant 384 : index
      %get3A_1358 = tpu.vector_load %arg9[%get3A_1357] {strides = array<i32>} : memref<640xi32, #tpu.memory_space<vmem>>, vector<16xi32>,
      %get3A_1359 = vector.shape_cast %get3A_1358 : vector<16xi32> to vector<16xi32>
      %broadcast_in_dim3A_1360 = arith.constant 0 : i32
      %broadcast_in_dim3A_1361 = vector.broadcast %broadcast_in_dim3A_1360 : i32 to vector<16xi32>
      %add3A_1362 = arith.constant 384 : i32
      %add3A_1363 = arith.addi %add3A_89, %add3A_1362 : i32
      %iota3A_1364 = tpu.iota {dimensions = array<i32: 0>} : vector<16xi32>
      %add3A_1365 = vector.broadcast %add3A_1363 : i32 to vector<16xi32>
      %add3A_1366 = arith.addi %add3A_1365, %iota3A_1364 : vector<16xi32>
      %lt3A_1367 = arith.constant 20000 : i32
      %lt3A_1368 = vector.broadcast %lt3A_1367 : i32 to vector<16xi32>
      %lt3A_1369 = arith.cmpi slt, %get3A_1359, %lt3A_1368 : vector<16xi32>
      %and3A_1370 = arith.constant 16383 : i32
      %and3A_1371 = vector.broadcast %and3A_1370 : i32 to vector<16xi32>
      %and3A_1372 = arith.andi %add3A_1366, %and3A_1371 : vector<16xi32>
      %select_n3A_1373 = arith.select %lt3A_1369, %get3A_1359, %and3A_1372 : vector<16xi1>, vector<16xi32>
      %swap3A_1374 = arith.constant 384 : index
      %swap3A_1375 = tpu.vector_load %arg10[%swap3A_1374] {strides = array<i32>} : memref<640xi32, #tpu.memory_space<vmem>>, vector<16xi32>,
      %swap3A_1376 = vector.shape_cast %swap3A_1375 : vector<16xi32> to vector<16xi32>
      %swap3A_1377 = vector.shape_cast %select_n3A_1373 : vector<16xi32> to vector<16xi32>
      tpu.vector_store %arg10[%swap3A_1374], %swap3A_1377 {strides = array<i32>} : memref<640xi32, #tpu.memory_space<vmem>>, vector<16xi32>,
      %and3A_1378 = arith.constant 131071 : i32
      %and3A_1379 = vector.broadcast %and3A_1378 : i32 to vector<16xi32>
      %and3A_1380 = arith.andi %add3A_1366, %and3A_1379 : vector<16xi32>
      %ge3A_1381 = arith.constant 20000 : i32
      %ge3A_1382 = vector.broadcast %ge3A_1381 : i32 to vector<16xi32>
      %ge3A_1383 = arith.cmpi sge, %get3A_1359, %ge3A_1382 : vector<16xi32>
      %lt3A_1384 = arith.constant 200000 : i32
      %lt3A_1385 = vector.broadcast %lt3A_1384 : i32 to vector<16xi32>
      %lt3A_1386 = arith.cmpi slt, %get3A_1359, %lt3A_1385 : vector<16xi32>
      %sub3A_1387 = arith.constant 20000 : i32
      %sub3A_1388 = vector.broadcast %sub3A_1387 : i32 to vector<16xi32>
      %sub3A_1389 = arith.subi %get3A_1359, %sub3A_1388 : vector<16xi32>
      %select_n3A_1390 = arith.select %lt3A_1386, %sub3A_1389, %and3A_1380 : vector<16xi1>, vector<16xi32>
      %select_n3A_1391 = arith.select %ge3A_1383, %select_n3A_1390, %and3A_1380 : vector<16xi1>, vector<16xi32>
      %swap3A_1392 = arith.constant 384 : index
      %swap3A_1393 = tpu.vector_load %arg11[%swap3A_1392] {strides = array<i32>} : memref<640xi32, #tpu.memory_space<vmem>>, vector<16xi32>,
      %swap3A_1394 = vector.shape_cast %swap3A_1393 : vector<16xi32> to vector<16xi32>
      %swap3A_1395 = vector.shape_cast %select_n3A_1391 : vector<16xi32> to vector<16xi32>
      tpu.vector_store %arg11[%swap3A_1392], %swap3A_1395 {strides = array<i32>} : memref<640xi32, #tpu.memory_space<vmem>>, vector<16xi32>,
      %ge3A_1396 = arith.constant 200000 : i32
      %ge3A_1397 = vector.broadcast %ge3A_1396 : i32 to vector<16xi32>
      %ge3A_1398 = arith.cmpi sge, %get3A_1359, %ge3A_1397 : vector<16xi32>
      %sub3A_1399 = arith.constant 200000 : i32
      %sub3A_1400 = vector.broadcast %sub3A_1399 : i32 to vector<16xi32>
      %sub3A_1401 = arith.subi %get3A_1359, %sub3A_1400 : vector<16xi32>
      %and3A_1402 = arith.constant 524287 : i32
      %and3A_1403 = vector.broadcast %and3A_1402 : i32 to vector<16xi32>
      %and3A_1404 = arith.andi %add3A_1366, %and3A_1403 : vector<16xi32>
      %select_n3A_1405 = arith.select %ge3A_1398, %sub3A_1401, %and3A_1404 : vector<16xi1>, vector<16xi32>
      %swap3A_1406 = arith.constant 384 : index
      %swap3A_1407 = tpu.vector_load %arg12[%swap3A_1406] {strides = array<i32>} : memref<640xi32, #tpu.memory_space<vmem>>, vector<16xi32>,
      %swap3A_1408 = vector.shape_cast %swap3A_1407 : vector<16xi32> to vector<16xi32>
      %swap3A_1409 = vector.shape_cast %select_n3A_1405 : vector<16xi32> to vector<16xi32>
      tpu.vector_store %arg12[%swap3A_1406], %swap3A_1409 {strides = array<i32>} : memref<640xi32, #tpu.memory_space<vmem>>, vector<16xi32>,
      %get3A_1410 = arith.constant 400 : index
      %get3A_1411 = tpu.vector_load %arg9[%get3A_1410] {strides = array<i32>} : memref<640xi32, #tpu.memory_space<vmem>>, vector<16xi32>,
      %get3A_1412 = vector.shape_cast %get3A_1411 : vector<16xi32> to vector<16xi32>
      %broadcast_in_dim3A_1413 = arith.constant 0 : i32
      %broadcast_in_dim3A_1414 = vector.broadcast %broadcast_in_dim3A_1413 : i32 to vector<16xi32>
      %add3A_1415 = arith.constant 400 : i32
      %add3A_1416 = arith.addi %add3A_89, %add3A_1415 : i32
      %iota3A_1417 = tpu.iota {dimensions = array<i32: 0>} : vector<16xi32>
      %add3A_1418 = vector.broadcast %add3A_1416 : i32 to vector<16xi32>
      %add3A_1419 = arith.addi %add3A_1418, %iota3A_1417 : vector<16xi32>
      %lt3A_1420 = arith.constant 20000 : i32
      %lt3A_1421 = vector.broadcast %lt3A_1420 : i32 to vector<16xi32>
      %lt3A_1422 = arith.cmpi slt, %get3A_1412, %lt3A_1421 : vector<16xi32>
      %and3A_1423 = arith.constant 16383 : i32
      %and3A_1424 = vector.broadcast %and3A_1423 : i32 to vector<16xi32>
      %and3A_1425 = arith.andi %add3A_1419, %and3A_1424 : vector<16xi32>
      %select_n3A_1426 = arith.select %lt3A_1422, %get3A_1412, %and3A_1425 : vector<16xi1>, vector<16xi32>
      %swap3A_1427 = arith.constant 400 : index
      %swap3A_1428 = tpu.vector_load %arg10[%swap3A_1427] {strides = array<i32>} : memref<640xi32, #tpu.memory_space<vmem>>, vector<16xi32>,
      %swap3A_1429 = vector.shape_cast %swap3A_1428 : vector<16xi32> to vector<16xi32>
      %swap3A_1430 = vector.shape_cast %select_n3A_1426 : vector<16xi32> to vector<16xi32>
      tpu.vector_store %arg10[%swap3A_1427], %swap3A_1430 {strides = array<i32>} : memref<640xi32, #tpu.memory_space<vmem>>, vector<16xi32>,
      %and3A_1431 = arith.constant 131071 : i32
      %and3A_1432 = vector.broadcast %and3A_1431 : i32 to vector<16xi32>
      %and3A_1433 = arith.andi %add3A_1419, %and3A_1432 : vector<16xi32>
      %ge3A_1434 = arith.constant 20000 : i32
      %ge3A_1435 = vector.broadcast %ge3A_1434 : i32 to vector<16xi32>
      %ge3A_1436 = arith.cmpi sge, %get3A_1412, %ge3A_1435 : vector<16xi32>
      %lt3A_1437 = arith.constant 200000 : i32
      %lt3A_1438 = vector.broadcast %lt3A_1437 : i32 to vector<16xi32>
      %lt3A_1439 = arith.cmpi slt, %get3A_1412, %lt3A_1438 : vector<16xi32>
      %sub3A_1440 = arith.constant 20000 : i32
      %sub3A_1441 = vector.broadcast %sub3A_1440 : i32 to vector<16xi32>
      %sub3A_1442 = arith.subi %get3A_1412, %sub3A_1441 : vector<16xi32>
      %select_n3A_1443 = arith.select %lt3A_1439, %sub3A_1442, %and3A_1433 : vector<16xi1>, vector<16xi32>
      %select_n3A_1444 = arith.select %ge3A_1436, %select_n3A_1443, %and3A_1433 : vector<16xi1>, vector<16xi32>
      %swap3A_1445 = arith.constant 400 : index
      %swap3A_1446 = tpu.vector_load %arg11[%swap3A_1445] {strides = array<i32>} : memref<640xi32, #tpu.memory_space<vmem>>, vector<16xi32>,
      %swap3A_1447 = vector.shape_cast %swap3A_1446 : vector<16xi32> to vector<16xi32>
      %swap3A_1448 = vector.shape_cast %select_n3A_1444 : vector<16xi32> to vector<16xi32>
      tpu.vector_store %arg11[%swap3A_1445], %swap3A_1448 {strides = array<i32>} : memref<640xi32, #tpu.memory_space<vmem>>, vector<16xi32>,
      %ge3A_1449 = arith.constant 200000 : i32
      %ge3A_1450 = vector.broadcast %ge3A_1449 : i32 to vector<16xi32>
      %ge3A_1451 = arith.cmpi sge, %get3A_1412, %ge3A_1450 : vector<16xi32>
      %sub3A_1452 = arith.constant 200000 : i32
      %sub3A_1453 = vector.broadcast %sub3A_1452 : i32 to vector<16xi32>
      %sub3A_1454 = arith.subi %get3A_1412, %sub3A_1453 : vector<16xi32>
      %and3A_1455 = arith.constant 524287 : i32
      %and3A_1456 = vector.broadcast %and3A_1455 : i32 to vector<16xi32>
      %and3A_1457 = arith.andi %add3A_1419, %and3A_1456 : vector<16xi32>
      %select_n3A_1458 = arith.select %ge3A_1451, %sub3A_1454, %and3A_1457 : vector<16xi1>, vector<16xi32>
      %swap3A_1459 = arith.constant 400 : index
      %swap3A_1460 = tpu.vector_load %arg12[%swap3A_1459] {strides = array<i32>} : memref<640xi32, #tpu.memory_space<vmem>>, vector<16xi32>,
      %swap3A_1461 = vector.shape_cast %swap3A_1460 : vector<16xi32> to vector<16xi32>
      %swap3A_1462 = vector.shape_cast %select_n3A_1458 : vector<16xi32> to vector<16xi32>
      tpu.vector_store %arg12[%swap3A_1459], %swap3A_1462 {strides = array<i32>} : memref<640xi32, #tpu.memory_space<vmem>>, vector<16xi32>,
      %get3A_1463 = arith.constant 416 : index
      %get3A_1464 = tpu.vector_load %arg9[%get3A_1463] {strides = array<i32>} : memref<640xi32, #tpu.memory_space<vmem>>, vector<16xi32>,
      %get3A_1465 = vector.shape_cast %get3A_1464 : vector<16xi32> to vector<16xi32>
      %broadcast_in_dim3A_1466 = arith.constant 0 : i32
      %broadcast_in_dim3A_1467 = vector.broadcast %broadcast_in_dim3A_1466 : i32 to vector<16xi32>
      %add3A_1468 = arith.constant 416 : i32
      %add3A_1469 = arith.addi %add3A_89, %add3A_1468 : i32
      %iota3A_1470 = tpu.iota {dimensions = array<i32: 0>} : vector<16xi32>
      %add3A_1471 = vector.broadcast %add3A_1469 : i32 to vector<16xi32>
      %add3A_1472 = arith.addi %add3A_1471, %iota3A_1470 : vector<16xi32>
      %lt3A_1473 = arith.constant 20000 : i32
      %lt3A_1474 = vector.broadcast %lt3A_1473 : i32 to vector<16xi32>
      %lt3A_1475 = arith.cmpi slt, %get3A_1465, %lt3A_1474 : vector<16xi32>
      %and3A_1476 = arith.constant 16383 : i32
      %and3A_1477 = vector.broadcast %and3A_1476 : i32 to vector<16xi32>
      %and3A_1478 = arith.andi %add3A_1472, %and3A_1477 : vector<16xi32>
      %select_n3A_1479 = arith.select %lt3A_1475, %get3A_1465, %and3A_1478 : vector<16xi1>, vector<16xi32>
      %swap3A_1480 = arith.constant 416 : index
      %swap3A_1481 = tpu.vector_load %arg10[%swap3A_1480] {strides = array<i32>} : memref<640xi32, #tpu.memory_space<vmem>>, vector<16xi32>,
      %swap3A_1482 = vector.shape_cast %swap3A_1481 : vector<16xi32> to vector<16xi32>
      %swap3A_1483 = vector.shape_cast %select_n3A_1479 : vector<16xi32> to vector<16xi32>
      tpu.vector_store %arg10[%swap3A_1480], %swap3A_1483 {strides = array<i32>} : memref<640xi32, #tpu.memory_space<vmem>>, vector<16xi32>,
      %and3A_1484 = arith.constant 131071 : i32
      %and3A_1485 = vector.broadcast %and3A_1484 : i32 to vector<16xi32>
      %and3A_1486 = arith.andi %add3A_1472, %and3A_1485 : vector<16xi32>
      %ge3A_1487 = arith.constant 20000 : i32
      %ge3A_1488 = vector.broadcast %ge3A_1487 : i32 to vector<16xi32>
      %ge3A_1489 = arith.cmpi sge, %get3A_1465, %ge3A_1488 : vector<16xi32>
      %lt3A_1490 = arith.constant 200000 : i32
      %lt3A_1491 = vector.broadcast %lt3A_1490 : i32 to vector<16xi32>
      %lt3A_1492 = arith.cmpi slt, %get3A_1465, %lt3A_1491 : vector<16xi32>
      %sub3A_1493 = arith.constant 20000 : i32
      %sub3A_1494 = vector.broadcast %sub3A_1493 : i32 to vector<16xi32>
      %sub3A_1495 = arith.subi %get3A_1465, %sub3A_1494 : vector<16xi32>
      %select_n3A_1496 = arith.select %lt3A_1492, %sub3A_1495, %and3A_1486 : vector<16xi1>, vector<16xi32>
      %select_n3A_1497 = arith.select %ge3A_1489, %select_n3A_1496, %and3A_1486 : vector<16xi1>, vector<16xi32>
      %swap3A_1498 = arith.constant 416 : index
      %swap3A_1499 = tpu.vector_load %arg11[%swap3A_1498] {strides = array<i32>} : memref<640xi32, #tpu.memory_space<vmem>>, vector<16xi32>,
      %swap3A_1500 = vector.shape_cast %swap3A_1499 : vector<16xi32> to vector<16xi32>
      %swap3A_1501 = vector.shape_cast %select_n3A_1497 : vector<16xi32> to vector<16xi32>
      tpu.vector_store %arg11[%swap3A_1498], %swap3A_1501 {strides = array<i32>} : memref<640xi32, #tpu.memory_space<vmem>>, vector<16xi32>,
      %ge3A_1502 = arith.constant 200000 : i32
      %ge3A_1503 = vector.broadcast %ge3A_1502 : i32 to vector<16xi32>
      %ge3A_1504 = arith.cmpi sge, %get3A_1465, %ge3A_1503 : vector<16xi32>
      %sub3A_1505 = arith.constant 200000 : i32
      %sub3A_1506 = vector.broadcast %sub3A_1505 : i32 to vector<16xi32>
      %sub3A_1507 = arith.subi %get3A_1465, %sub3A_1506 : vector<16xi32>
      %and3A_1508 = arith.constant 524287 : i32
      %and3A_1509 = vector.broadcast %and3A_1508 : i32 to vector<16xi32>
      %and3A_1510 = arith.andi %add3A_1472, %and3A_1509 : vector<16xi32>
      %select_n3A_1511 = arith.select %ge3A_1504, %sub3A_1507, %and3A_1510 : vector<16xi1>, vector<16xi32>
      %swap3A_1512 = arith.constant 416 : index
      %swap3A_1513 = tpu.vector_load %arg12[%swap3A_1512] {strides = array<i32>} : memref<640xi32, #tpu.memory_space<vmem>>, vector<16xi32>,
      %swap3A_1514 = vector.shape_cast %swap3A_1513 : vector<16xi32> to vector<16xi32>
      %swap3A_1515 = vector.shape_cast %select_n3A_1511 : vector<16xi32> to vector<16xi32>
      tpu.vector_store %arg12[%swap3A_1512], %swap3A_1515 {strides = array<i32>} : memref<640xi32, #tpu.memory_space<vmem>>, vector<16xi32>,
      %get3A_1516 = arith.constant 432 : index
      %get3A_1517 = tpu.vector_load %arg9[%get3A_1516] {strides = array<i32>} : memref<640xi32, #tpu.memory_space<vmem>>, vector<16xi32>,
      %get3A_1518 = vector.shape_cast %get3A_1517 : vector<16xi32> to vector<16xi32>
      %broadcast_in_dim3A_1519 = arith.constant 0 : i32
      %broadcast_in_dim3A_1520 = vector.broadcast %broadcast_in_dim3A_1519 : i32 to vector<16xi32>
      %add3A_1521 = arith.constant 432 : i32
      %add3A_1522 = arith.addi %add3A_89, %add3A_1521 : i32
      %iota3A_1523 = tpu.iota {dimensions = array<i32: 0>} : vector<16xi32>
      %add3A_1524 = vector.broadcast %add3A_1522 : i32 to vector<16xi32>
      %add3A_1525 = arith.addi %add3A_1524, %iota3A_1523 : vector<16xi32>
      %lt3A_1526 = arith.constant 20000 : i32
      %lt3A_1527 = vector.broadcast %lt3A_1526 : i32 to vector<16xi32>
      %lt3A_1528 = arith.cmpi slt, %get3A_1518, %lt3A_1527 : vector<16xi32>
      %and3A_1529 = arith.constant 16383 : i32
      %and3A_1530 = vector.broadcast %and3A_1529 : i32 to vector<16xi32>
      %and3A_1531 = arith.andi %add3A_1525, %and3A_1530 : vector<16xi32>
      %select_n3A_1532 = arith.select %lt3A_1528, %get3A_1518, %and3A_1531 : vector<16xi1>, vector<16xi32>
      %swap3A_1533 = arith.constant 432 : index
      %swap3A_1534 = tpu.vector_load %arg10[%swap3A_1533] {strides = array<i32>} : memref<640xi32, #tpu.memory_space<vmem>>, vector<16xi32>,
      %swap3A_1535 = vector.shape_cast %swap3A_1534 : vector<16xi32> to vector<16xi32>
      %swap3A_1536 = vector.shape_cast %select_n3A_1532 : vector<16xi32> to vector<16xi32>
      tpu.vector_store %arg10[%swap3A_1533], %swap3A_1536 {strides = array<i32>} : memref<640xi32, #tpu.memory_space<vmem>>, vector<16xi32>,
      %and3A_1537 = arith.constant 131071 : i32
      %and3A_1538 = vector.broadcast %and3A_1537 : i32 to vector<16xi32>
      %and3A_1539 = arith.andi %add3A_1525, %and3A_1538 : vector<16xi32>
      %ge3A_1540 = arith.constant 20000 : i32
      %ge3A_1541 = vector.broadcast %ge3A_1540 : i32 to vector<16xi32>
      %ge3A_1542 = arith.cmpi sge, %get3A_1518, %ge3A_1541 : vector<16xi32>
      %lt3A_1543 = arith.constant 200000 : i32
      %lt3A_1544 = vector.broadcast %lt3A_1543 : i32 to vector<16xi32>
      %lt3A_1545 = arith.cmpi slt, %get3A_1518, %lt3A_1544 : vector<16xi32>
      %sub3A_1546 = arith.constant 20000 : i32
      %sub3A_1547 = vector.broadcast %sub3A_1546 : i32 to vector<16xi32>
      %sub3A_1548 = arith.subi %get3A_1518, %sub3A_1547 : vector<16xi32>
      %select_n3A_1549 = arith.select %lt3A_1545, %sub3A_1548, %and3A_1539 : vector<16xi1>, vector<16xi32>
      %select_n3A_1550 = arith.select %ge3A_1542, %select_n3A_1549, %and3A_1539 : vector<16xi1>, vector<16xi32>
      %swap3A_1551 = arith.constant 432 : index
      %swap3A_1552 = tpu.vector_load %arg11[%swap3A_1551] {strides = array<i32>} : memref<640xi32, #tpu.memory_space<vmem>>, vector<16xi32>,
      %swap3A_1553 = vector.shape_cast %swap3A_1552 : vector<16xi32> to vector<16xi32>
      %swap3A_1554 = vector.shape_cast %select_n3A_1550 : vector<16xi32> to vector<16xi32>
      tpu.vector_store %arg11[%swap3A_1551], %swap3A_1554 {strides = array<i32>} : memref<640xi32, #tpu.memory_space<vmem>>, vector<16xi32>,
      %ge3A_1555 = arith.constant 200000 : i32
      %ge3A_1556 = vector.broadcast %ge3A_1555 : i32 to vector<16xi32>
      %ge3A_1557 = arith.cmpi sge, %get3A_1518, %ge3A_1556 : vector<16xi32>
      %sub3A_1558 = arith.constant 200000 : i32
      %sub3A_1559 = vector.broadcast %sub3A_1558 : i32 to vector<16xi32>
      %sub3A_1560 = arith.subi %get3A_1518, %sub3A_1559 : vector<16xi32>
      %and3A_1561 = arith.constant 524287 : i32
      %and3A_1562 = vector.broadcast %and3A_1561 : i32 to vector<16xi32>
      %and3A_1563 = arith.andi %add3A_1525, %and3A_1562 : vector<16xi32>
      %select_n3A_1564 = arith.select %ge3A_1557, %sub3A_1560, %and3A_1563 : vector<16xi1>, vector<16xi32>
      %swap3A_1565 = arith.constant 432 : index
      %swap3A_1566 = tpu.vector_load %arg12[%swap3A_1565] {strides = array<i32>} : memref<640xi32, #tpu.memory_space<vmem>>, vector<16xi32>,
      %swap3A_1567 = vector.shape_cast %swap3A_1566 : vector<16xi32> to vector<16xi32>
      %swap3A_1568 = vector.shape_cast %select_n3A_1564 : vector<16xi32> to vector<16xi32>
      tpu.vector_store %arg12[%swap3A_1565], %swap3A_1568 {strides = array<i32>} : memref<640xi32, #tpu.memory_space<vmem>>, vector<16xi32>,
      %get3A_1569 = arith.constant 448 : index
      %get3A_1570 = tpu.vector_load %arg9[%get3A_1569] {strides = array<i32>} : memref<640xi32, #tpu.memory_space<vmem>>, vector<16xi32>,
      %get3A_1571 = vector.shape_cast %get3A_1570 : vector<16xi32> to vector<16xi32>
      %broadcast_in_dim3A_1572 = arith.constant 0 : i32
      %broadcast_in_dim3A_1573 = vector.broadcast %broadcast_in_dim3A_1572 : i32 to vector<16xi32>
      %add3A_1574 = arith.constant 448 : i32
      %add3A_1575 = arith.addi %add3A_89, %add3A_1574 : i32
      %iota3A_1576 = tpu.iota {dimensions = array<i32: 0>} : vector<16xi32>
      %add3A_1577 = vector.broadcast %add3A_1575 : i32 to vector<16xi32>
      %add3A_1578 = arith.addi %add3A_1577, %iota3A_1576 : vector<16xi32>
      %lt3A_1579 = arith.constant 20000 : i32
      %lt3A_1580 = vector.broadcast %lt3A_1579 : i32 to vector<16xi32>
      %lt3A_1581 = arith.cmpi slt, %get3A_1571, %lt3A_1580 : vector<16xi32>
      %and3A_1582 = arith.constant 16383 : i32
      %and3A_1583 = vector.broadcast %and3A_1582 : i32 to vector<16xi32>
      %and3A_1584 = arith.andi %add3A_1578, %and3A_1583 : vector<16xi32>
      %select_n3A_1585 = arith.select %lt3A_1581, %get3A_1571, %and3A_1584 : vector<16xi1>, vector<16xi32>
      %swap3A_1586 = arith.constant 448 : index
      %swap3A_1587 = tpu.vector_load %arg10[%swap3A_1586] {strides = array<i32>} : memref<640xi32, #tpu.memory_space<vmem>>, vector<16xi32>,
      %swap3A_1588 = vector.shape_cast %swap3A_1587 : vector<16xi32> to vector<16xi32>
      %swap3A_1589 = vector.shape_cast %select_n3A_1585 : vector<16xi32> to vector<16xi32>
      tpu.vector_store %arg10[%swap3A_1586], %swap3A_1589 {strides = array<i32>} : memref<640xi32, #tpu.memory_space<vmem>>, vector<16xi32>,
      %and3A_1590 = arith.constant 131071 : i32
      %and3A_1591 = vector.broadcast %and3A_1590 : i32 to vector<16xi32>
      %and3A_1592 = arith.andi %add3A_1578, %and3A_1591 : vector<16xi32>
      %ge3A_1593 = arith.constant 20000 : i32
      %ge3A_1594 = vector.broadcast %ge3A_1593 : i32 to vector<16xi32>
      %ge3A_1595 = arith.cmpi sge, %get3A_1571, %ge3A_1594 : vector<16xi32>
      %lt3A_1596 = arith.constant 200000 : i32
      %lt3A_1597 = vector.broadcast %lt3A_1596 : i32 to vector<16xi32>
      %lt3A_1598 = arith.cmpi slt, %get3A_1571, %lt3A_1597 : vector<16xi32>
      %sub3A_1599 = arith.constant 20000 : i32
      %sub3A_1600 = vector.broadcast %sub3A_1599 : i32 to vector<16xi32>
      %sub3A_1601 = arith.subi %get3A_1571, %sub3A_1600 : vector<16xi32>
      %select_n3A_1602 = arith.select %lt3A_1598, %sub3A_1601, %and3A_1592 : vector<16xi1>, vector<16xi32>
      %select_n3A_1603 = arith.select %ge3A_1595, %select_n3A_1602, %and3A_1592 : vector<16xi1>, vector<16xi32>
      %swap3A_1604 = arith.constant 448 : index
      %swap3A_1605 = tpu.vector_load %arg11[%swap3A_1604] {strides = array<i32>} : memref<640xi32, #tpu.memory_space<vmem>>, vector<16xi32>,
      %swap3A_1606 = vector.shape_cast %swap3A_1605 : vector<16xi32> to vector<16xi32>
      %swap3A_1607 = vector.shape_cast %select_n3A_1603 : vector<16xi32> to vector<16xi32>
      tpu.vector_store %arg11[%swap3A_1604], %swap3A_1607 {strides = array<i32>} : memref<640xi32, #tpu.memory_space<vmem>>, vector<16xi32>,
      %ge3A_1608 = arith.constant 200000 : i32
      %ge3A_1609 = vector.broadcast %ge3A_1608 : i32 to vector<16xi32>
      %ge3A_1610 = arith.cmpi sge, %get3A_1571, %ge3A_1609 : vector<16xi32>
      %sub3A_1611 = arith.constant 200000 : i32
      %sub3A_1612 = vector.broadcast %sub3A_1611 : i32 to vector<16xi32>
      %sub3A_1613 = arith.subi %get3A_1571, %sub3A_1612 : vector<16xi32>
      %and3A_1614 = arith.constant 524287 : i32
      %and3A_1615 = vector.broadcast %and3A_1614 : i32 to vector<16xi32>
      %and3A_1616 = arith.andi %add3A_1578, %and3A_1615 : vector<16xi32>
      %select_n3A_1617 = arith.select %ge3A_1610, %sub3A_1613, %and3A_1616 : vector<16xi1>, vector<16xi32>
      %swap3A_1618 = arith.constant 448 : index
      %swap3A_1619 = tpu.vector_load %arg12[%swap3A_1618] {strides = array<i32>} : memref<640xi32, #tpu.memory_space<vmem>>, vector<16xi32>,
      %swap3A_1620 = vector.shape_cast %swap3A_1619 : vector<16xi32> to vector<16xi32>
      %swap3A_1621 = vector.shape_cast %select_n3A_1617 : vector<16xi32> to vector<16xi32>
      tpu.vector_store %arg12[%swap3A_1618], %swap3A_1621 {strides = array<i32>} : memref<640xi32, #tpu.memory_space<vmem>>, vector<16xi32>,
      %get3A_1622 = arith.constant 464 : index
      %get3A_1623 = tpu.vector_load %arg9[%get3A_1622] {strides = array<i32>} : memref<640xi32, #tpu.memory_space<vmem>>, vector<16xi32>,
      %get3A_1624 = vector.shape_cast %get3A_1623 : vector<16xi32> to vector<16xi32>
      %broadcast_in_dim3A_1625 = arith.constant 0 : i32
      %broadcast_in_dim3A_1626 = vector.broadcast %broadcast_in_dim3A_1625 : i32 to vector<16xi32>
      %add3A_1627 = arith.constant 464 : i32
      %add3A_1628 = arith.addi %add3A_89, %add3A_1627 : i32
      %iota3A_1629 = tpu.iota {dimensions = array<i32: 0>} : vector<16xi32>
      %add3A_1630 = vector.broadcast %add3A_1628 : i32 to vector<16xi32>
      %add3A_1631 = arith.addi %add3A_1630, %iota3A_1629 : vector<16xi32>
      %lt3A_1632 = arith.constant 20000 : i32
      %lt3A_1633 = vector.broadcast %lt3A_1632 : i32 to vector<16xi32>
      %lt3A_1634 = arith.cmpi slt, %get3A_1624, %lt3A_1633 : vector<16xi32>
      %and3A_1635 = arith.constant 16383 : i32
      %and3A_1636 = vector.broadcast %and3A_1635 : i32 to vector<16xi32>
      %and3A_1637 = arith.andi %add3A_1631, %and3A_1636 : vector<16xi32>
      %select_n3A_1638 = arith.select %lt3A_1634, %get3A_1624, %and3A_1637 : vector<16xi1>, vector<16xi32>
      %swap3A_1639 = arith.constant 464 : index
      %swap3A_1640 = tpu.vector_load %arg10[%swap3A_1639] {strides = array<i32>} : memref<640xi32, #tpu.memory_space<vmem>>, vector<16xi32>,
      %swap3A_1641 = vector.shape_cast %swap3A_1640 : vector<16xi32> to vector<16xi32>
      %swap3A_1642 = vector.shape_cast %select_n3A_1638 : vector<16xi32> to vector<16xi32>
      tpu.vector_store %arg10[%swap3A_1639], %swap3A_1642 {strides = array<i32>} : memref<640xi32, #tpu.memory_space<vmem>>, vector<16xi32>,
      %and3A_1643 = arith.constant 131071 : i32
      %and3A_1644 = vector.broadcast %and3A_1643 : i32 to vector<16xi32>
      %and3A_1645 = arith.andi %add3A_1631, %and3A_1644 : vector<16xi32>
      %ge3A_1646 = arith.constant 20000 : i32
      %ge3A_1647 = vector.broadcast %ge3A_1646 : i32 to vector<16xi32>
      %ge3A_1648 = arith.cmpi sge, %get3A_1624, %ge3A_1647 : vector<16xi32>
      %lt3A_1649 = arith.constant 200000 : i32
      %lt3A_1650 = vector.broadcast %lt3A_1649 : i32 to vector<16xi32>
      %lt3A_1651 = arith.cmpi slt, %get3A_1624, %lt3A_1650 : vector<16xi32>
      %sub3A_1652 = arith.constant 20000 : i32
      %sub3A_1653 = vector.broadcast %sub3A_1652 : i32 to vector<16xi32>
      %sub3A_1654 = arith.subi %get3A_1624, %sub3A_1653 : vector<16xi32>
      %select_n3A_1655 = arith.select %lt3A_1651, %sub3A_1654, %and3A_1645 : vector<16xi1>, vector<16xi32>
      %select_n3A_1656 = arith.select %ge3A_1648, %select_n3A_1655, %and3A_1645 : vector<16xi1>, vector<16xi32>
      %swap3A_1657 = arith.constant 464 : index
      %swap3A_1658 = tpu.vector_load %arg11[%swap3A_1657] {strides = array<i32>} : memref<640xi32, #tpu.memory_space<vmem>>, vector<16xi32>,
      %swap3A_1659 = vector.shape_cast %swap3A_1658 : vector<16xi32> to vector<16xi32>
      %swap3A_1660 = vector.shape_cast %select_n3A_1656 : vector<16xi32> to vector<16xi32>
      tpu.vector_store %arg11[%swap3A_1657], %swap3A_1660 {strides = array<i32>} : memref<640xi32, #tpu.memory_space<vmem>>, vector<16xi32>,
      %ge3A_1661 = arith.constant 200000 : i32
      %ge3A_1662 = vector.broadcast %ge3A_1661 : i32 to vector<16xi32>
      %ge3A_1663 = arith.cmpi sge, %get3A_1624, %ge3A_1662 : vector<16xi32>
      %sub3A_1664 = arith.constant 200000 : i32
      %sub3A_1665 = vector.broadcast %sub3A_1664 : i32 to vector<16xi32>
      %sub3A_1666 = arith.subi %get3A_1624, %sub3A_1665 : vector<16xi32>
      %and3A_1667 = arith.constant 524287 : i32
      %and3A_1668 = vector.broadcast %and3A_1667 : i32 to vector<16xi32>
      %and3A_1669 = arith.andi %add3A_1631, %and3A_1668 : vector<16xi32>
      %select_n3A_1670 = arith.select %ge3A_1663, %sub3A_1666, %and3A_1669 : vector<16xi1>, vector<16xi32>
      %swap3A_1671 = arith.constant 464 : index
      %swap3A_1672 = tpu.vector_load %arg12[%swap3A_1671] {strides = array<i32>} : memref<640xi32, #tpu.memory_space<vmem>>, vector<16xi32>,
      %swap3A_1673 = vector.shape_cast %swap3A_1672 : vector<16xi32> to vector<16xi32>
      %swap3A_1674 = vector.shape_cast %select_n3A_1670 : vector<16xi32> to vector<16xi32>
      tpu.vector_store %arg12[%swap3A_1671], %swap3A_1674 {strides = array<i32>} : memref<640xi32, #tpu.memory_space<vmem>>, vector<16xi32>,
      %get3A_1675 = arith.constant 480 : index
      %get3A_1676 = tpu.vector_load %arg9[%get3A_1675] {strides = array<i32>} : memref<640xi32, #tpu.memory_space<vmem>>, vector<16xi32>,
      %get3A_1677 = vector.shape_cast %get3A_1676 : vector<16xi32> to vector<16xi32>
      %broadcast_in_dim3A_1678 = arith.constant 0 : i32
      %broadcast_in_dim3A_1679 = vector.broadcast %broadcast_in_dim3A_1678 : i32 to vector<16xi32>
      %add3A_1680 = arith.constant 480 : i32
      %add3A_1681 = arith.addi %add3A_89, %add3A_1680 : i32
      %iota3A_1682 = tpu.iota {dimensions = array<i32: 0>} : vector<16xi32>
      %add3A_1683 = vector.broadcast %add3A_1681 : i32 to vector<16xi32>
      %add3A_1684 = arith.addi %add3A_1683, %iota3A_1682 : vector<16xi32>
      %lt3A_1685 = arith.constant 20000 : i32
      %lt3A_1686 = vector.broadcast %lt3A_1685 : i32 to vector<16xi32>
      %lt3A_1687 = arith.cmpi slt, %get3A_1677, %lt3A_1686 : vector<16xi32>
      %and3A_1688 = arith.constant 16383 : i32
      %and3A_1689 = vector.broadcast %and3A_1688 : i32 to vector<16xi32>
      %and3A_1690 = arith.andi %add3A_1684, %and3A_1689 : vector<16xi32>
      %select_n3A_1691 = arith.select %lt3A_1687, %get3A_1677, %and3A_1690 : vector<16xi1>, vector<16xi32>
      %swap3A_1692 = arith.constant 480 : index
      %swap3A_1693 = tpu.vector_load %arg10[%swap3A_1692] {strides = array<i32>} : memref<640xi32, #tpu.memory_space<vmem>>, vector<16xi32>,
      %swap3A_1694 = vector.shape_cast %swap3A_1693 : vector<16xi32> to vector<16xi32>
      %swap3A_1695 = vector.shape_cast %select_n3A_1691 : vector<16xi32> to vector<16xi32>
      tpu.vector_store %arg10[%swap3A_1692], %swap3A_1695 {strides = array<i32>} : memref<640xi32, #tpu.memory_space<vmem>>, vector<16xi32>,
      %and3A_1696 = arith.constant 131071 : i32
      %and3A_1697 = vector.broadcast %and3A_1696 : i32 to vector<16xi32>
      %and3A_1698 = arith.andi %add3A_1684, %and3A_1697 : vector<16xi32>
      %ge3A_1699 = arith.constant 20000 : i32
      %ge3A_1700 = vector.broadcast %ge3A_1699 : i32 to vector<16xi32>
      %ge3A_1701 = arith.cmpi sge, %get3A_1677, %ge3A_1700 : vector<16xi32>
      %lt3A_1702 = arith.constant 200000 : i32
      %lt3A_1703 = vector.broadcast %lt3A_1702 : i32 to vector<16xi32>
      %lt3A_1704 = arith.cmpi slt, %get3A_1677, %lt3A_1703 : vector<16xi32>
      %sub3A_1705 = arith.constant 20000 : i32
      %sub3A_1706 = vector.broadcast %sub3A_1705 : i32 to vector<16xi32>
      %sub3A_1707 = arith.subi %get3A_1677, %sub3A_1706 : vector<16xi32>
      %select_n3A_1708 = arith.select %lt3A_1704, %sub3A_1707, %and3A_1698 : vector<16xi1>, vector<16xi32>
      %select_n3A_1709 = arith.select %ge3A_1701, %select_n3A_1708, %and3A_1698 : vector<16xi1>, vector<16xi32>
      %swap3A_1710 = arith.constant 480 : index
      %swap3A_1711 = tpu.vector_load %arg11[%swap3A_1710] {strides = array<i32>} : memref<640xi32, #tpu.memory_space<vmem>>, vector<16xi32>,
      %swap3A_1712 = vector.shape_cast %swap3A_1711 : vector<16xi32> to vector<16xi32>
      %swap3A_1713 = vector.shape_cast %select_n3A_1709 : vector<16xi32> to vector<16xi32>
      tpu.vector_store %arg11[%swap3A_1710], %swap3A_1713 {strides = array<i32>} : memref<640xi32, #tpu.memory_space<vmem>>, vector<16xi32>,
      %ge3A_1714 = arith.constant 200000 : i32
      %ge3A_1715 = vector.broadcast %ge3A_1714 : i32 to vector<16xi32>
      %ge3A_1716 = arith.cmpi sge, %get3A_1677, %ge3A_1715 : vector<16xi32>
      %sub3A_1717 = arith.constant 200000 : i32
      %sub3A_1718 = vector.broadcast %sub3A_1717 : i32 to vector<16xi32>
      %sub3A_1719 = arith.subi %get3A_1677, %sub3A_1718 : vector<16xi32>
      %and3A_1720 = arith.constant 524287 : i32
      %and3A_1721 = vector.broadcast %and3A_1720 : i32 to vector<16xi32>
      %and3A_1722 = arith.andi %add3A_1684, %and3A_1721 : vector<16xi32>
      %select_n3A_1723 = arith.select %ge3A_1716, %sub3A_1719, %and3A_1722 : vector<16xi1>, vector<16xi32>
      %swap3A_1724 = arith.constant 480 : index
      %swap3A_1725 = tpu.vector_load %arg12[%swap3A_1724] {strides = array<i32>} : memref<640xi32, #tpu.memory_space<vmem>>, vector<16xi32>,
      %swap3A_1726 = vector.shape_cast %swap3A_1725 : vector<16xi32> to vector<16xi32>
      %swap3A_1727 = vector.shape_cast %select_n3A_1723 : vector<16xi32> to vector<16xi32>
      tpu.vector_store %arg12[%swap3A_1724], %swap3A_1727 {strides = array<i32>} : memref<640xi32, #tpu.memory_space<vmem>>, vector<16xi32>,
      %get3A_1728 = arith.constant 496 : index
      %get3A_1729 = tpu.vector_load %arg9[%get3A_1728] {strides = array<i32>} : memref<640xi32, #tpu.memory_space<vmem>>, vector<16xi32>,
      %get3A_1730 = vector.shape_cast %get3A_1729 : vector<16xi32> to vector<16xi32>
      %broadcast_in_dim3A_1731 = arith.constant 0 : i32
      %broadcast_in_dim3A_1732 = vector.broadcast %broadcast_in_dim3A_1731 : i32 to vector<16xi32>
      %add3A_1733 = arith.constant 496 : i32
      %add3A_1734 = arith.addi %add3A_89, %add3A_1733 : i32
      %iota3A_1735 = tpu.iota {dimensions = array<i32: 0>} : vector<16xi32>
      %add3A_1736 = vector.broadcast %add3A_1734 : i32 to vector<16xi32>
      %add3A_1737 = arith.addi %add3A_1736, %iota3A_1735 : vector<16xi32>
      %lt3A_1738 = arith.constant 20000 : i32
      %lt3A_1739 = vector.broadcast %lt3A_1738 : i32 to vector<16xi32>
      %lt3A_1740 = arith.cmpi slt, %get3A_1730, %lt3A_1739 : vector<16xi32>
      %and3A_1741 = arith.constant 16383 : i32
      %and3A_1742 = vector.broadcast %and3A_1741 : i32 to vector<16xi32>
      %and3A_1743 = arith.andi %add3A_1737, %and3A_1742 : vector<16xi32>
      %select_n3A_1744 = arith.select %lt3A_1740, %get3A_1730, %and3A_1743 : vector<16xi1>, vector<16xi32>
      %swap3A_1745 = arith.constant 496 : index
      %swap3A_1746 = tpu.vector_load %arg10[%swap3A_1745] {strides = array<i32>} : memref<640xi32, #tpu.memory_space<vmem>>, vector<16xi32>,
      %swap3A_1747 = vector.shape_cast %swap3A_1746 : vector<16xi32> to vector<16xi32>
      %swap3A_1748 = vector.shape_cast %select_n3A_1744 : vector<16xi32> to vector<16xi32>
      tpu.vector_store %arg10[%swap3A_1745], %swap3A_1748 {strides = array<i32>} : memref<640xi32, #tpu.memory_space<vmem>>, vector<16xi32>,
      %and3A_1749 = arith.constant 131071 : i32
      %and3A_1750 = vector.broadcast %and3A_1749 : i32 to vector<16xi32>
      %and3A_1751 = arith.andi %add3A_1737, %and3A_1750 : vector<16xi32>
      %ge3A_1752 = arith.constant 20000 : i32
      %ge3A_1753 = vector.broadcast %ge3A_1752 : i32 to vector<16xi32>
      %ge3A_1754 = arith.cmpi sge, %get3A_1730, %ge3A_1753 : vector<16xi32>
      %lt3A_1755 = arith.constant 200000 : i32
      %lt3A_1756 = vector.broadcast %lt3A_1755 : i32 to vector<16xi32>
      %lt3A_1757 = arith.cmpi slt, %get3A_1730, %lt3A_1756 : vector<16xi32>
      %sub3A_1758 = arith.constant 20000 : i32
      %sub3A_1759 = vector.broadcast %sub3A_1758 : i32 to vector<16xi32>
      %sub3A_1760 = arith.subi %get3A_1730, %sub3A_1759 : vector<16xi32>
      %select_n3A_1761 = arith.select %lt3A_1757, %sub3A_1760, %and3A_1751 : vector<16xi1>, vector<16xi32>
      %select_n3A_1762 = arith.select %ge3A_1754, %select_n3A_1761, %and3A_1751 : vector<16xi1>, vector<16xi32>
      %swap3A_1763 = arith.constant 496 : index
      %swap3A_1764 = tpu.vector_load %arg11[%swap3A_1763] {strides = array<i32>} : memref<640xi32, #tpu.memory_space<vmem>>, vector<16xi32>,
      %swap3A_1765 = vector.shape_cast %swap3A_1764 : vector<16xi32> to vector<16xi32>
      %swap3A_1766 = vector.shape_cast %select_n3A_1762 : vector<16xi32> to vector<16xi32>
      tpu.vector_store %arg11[%swap3A_1763], %swap3A_1766 {strides = array<i32>} : memref<640xi32, #tpu.memory_space<vmem>>, vector<16xi32>,
      %ge3A_1767 = arith.constant 200000 : i32
      %ge3A_1768 = vector.broadcast %ge3A_1767 : i32 to vector<16xi32>
      %ge3A_1769 = arith.cmpi sge, %get3A_1730, %ge3A_1768 : vector<16xi32>
      %sub3A_1770 = arith.constant 200000 : i32
      %sub3A_1771 = vector.broadcast %sub3A_1770 : i32 to vector<16xi32>
      %sub3A_1772 = arith.subi %get3A_1730, %sub3A_1771 : vector<16xi32>
      %and3A_1773 = arith.constant 524287 : i32
      %and3A_1774 = vector.broadcast %and3A_1773 : i32 to vector<16xi32>
      %and3A_1775 = arith.andi %add3A_1737, %and3A_1774 : vector<16xi32>
      %select_n3A_1776 = arith.select %ge3A_1769, %sub3A_1772, %and3A_1775 : vector<16xi1>, vector<16xi32>
      %swap3A_1777 = arith.constant 496 : index
      %swap3A_1778 = tpu.vector_load %arg12[%swap3A_1777] {strides = array<i32>} : memref<640xi32, #tpu.memory_space<vmem>>, vector<16xi32>,
      %swap3A_1779 = vector.shape_cast %swap3A_1778 : vector<16xi32> to vector<16xi32>
      %swap3A_1780 = vector.shape_cast %select_n3A_1776 : vector<16xi32> to vector<16xi32>
      tpu.vector_store %arg12[%swap3A_1777], %swap3A_1780 {strides = array<i32>} : memref<640xi32, #tpu.memory_space<vmem>>, vector<16xi32>,
      %get3A_1781 = arith.constant 512 : index
      %get3A_1782 = tpu.vector_load %arg9[%get3A_1781] {strides = array<i32>} : memref<640xi32, #tpu.memory_space<vmem>>, vector<16xi32>,
      %get3A_1783 = vector.shape_cast %get3A_1782 : vector<16xi32> to vector<16xi32>
      %broadcast_in_dim3A_1784 = arith.constant 0 : i32
      %broadcast_in_dim3A_1785 = vector.broadcast %broadcast_in_dim3A_1784 : i32 to vector<16xi32>
      %add3A_1786 = arith.constant 512 : i32
      %add3A_1787 = arith.addi %add3A_89, %add3A_1786 : i32
      %iota3A_1788 = tpu.iota {dimensions = array<i32: 0>} : vector<16xi32>
      %add3A_1789 = vector.broadcast %add3A_1787 : i32 to vector<16xi32>
      %add3A_1790 = arith.addi %add3A_1789, %iota3A_1788 : vector<16xi32>
      %lt3A_1791 = arith.constant 20000 : i32
      %lt3A_1792 = vector.broadcast %lt3A_1791 : i32 to vector<16xi32>
      %lt3A_1793 = arith.cmpi slt, %get3A_1783, %lt3A_1792 : vector<16xi32>
      %and3A_1794 = arith.constant 16383 : i32
      %and3A_1795 = vector.broadcast %and3A_1794 : i32 to vector<16xi32>
      %and3A_1796 = arith.andi %add3A_1790, %and3A_1795 : vector<16xi32>
      %select_n3A_1797 = arith.select %lt3A_1793, %get3A_1783, %and3A_1796 : vector<16xi1>, vector<16xi32>
      %swap3A_1798 = arith.constant 512 : index
      %swap3A_1799 = tpu.vector_load %arg10[%swap3A_1798] {strides = array<i32>} : memref<640xi32, #tpu.memory_space<vmem>>, vector<16xi32>,
      %swap3A_1800 = vector.shape_cast %swap3A_1799 : vector<16xi32> to vector<16xi32>
      %swap3A_1801 = vector.shape_cast %select_n3A_1797 : vector<16xi32> to vector<16xi32>
      tpu.vector_store %arg10[%swap3A_1798], %swap3A_1801 {strides = array<i32>} : memref<640xi32, #tpu.memory_space<vmem>>, vector<16xi32>,
      %and3A_1802 = arith.constant 131071 : i32
      %and3A_1803 = vector.broadcast %and3A_1802 : i32 to vector<16xi32>
      %and3A_1804 = arith.andi %add3A_1790, %and3A_1803 : vector<16xi32>
      %ge3A_1805 = arith.constant 20000 : i32
      %ge3A_1806 = vector.broadcast %ge3A_1805 : i32 to vector<16xi32>
      %ge3A_1807 = arith.cmpi sge, %get3A_1783, %ge3A_1806 : vector<16xi32>
      %lt3A_1808 = arith.constant 200000 : i32
      %lt3A_1809 = vector.broadcast %lt3A_1808 : i32 to vector<16xi32>
      %lt3A_1810 = arith.cmpi slt, %get3A_1783, %lt3A_1809 : vector<16xi32>
      %sub3A_1811 = arith.constant 20000 : i32
      %sub3A_1812 = vector.broadcast %sub3A_1811 : i32 to vector<16xi32>
      %sub3A_1813 = arith.subi %get3A_1783, %sub3A_1812 : vector<16xi32>
      %select_n3A_1814 = arith.select %lt3A_1810, %sub3A_1813, %and3A_1804 : vector<16xi1>, vector<16xi32>
      %select_n3A_1815 = arith.select %ge3A_1807, %select_n3A_1814, %and3A_1804 : vector<16xi1>, vector<16xi32>
      %swap3A_1816 = arith.constant 512 : index
      %swap3A_1817 = tpu.vector_load %arg11[%swap3A_1816] {strides = array<i32>} : memref<640xi32, #tpu.memory_space<vmem>>, vector<16xi32>,
      %swap3A_1818 = vector.shape_cast %swap3A_1817 : vector<16xi32> to vector<16xi32>
      %swap3A_1819 = vector.shape_cast %select_n3A_1815 : vector<16xi32> to vector<16xi32>
      tpu.vector_store %arg11[%swap3A_1816], %swap3A_1819 {strides = array<i32>} : memref<640xi32, #tpu.memory_space<vmem>>, vector<16xi32>,
      %ge3A_1820 = arith.constant 200000 : i32
      %ge3A_1821 = vector.broadcast %ge3A_1820 : i32 to vector<16xi32>
      %ge3A_1822 = arith.cmpi sge, %get3A_1783, %ge3A_1821 : vector<16xi32>
      %sub3A_1823 = arith.constant 200000 : i32
      %sub3A_1824 = vector.broadcast %sub3A_1823 : i32 to vector<16xi32>
      %sub3A_1825 = arith.subi %get3A_1783, %sub3A_1824 : vector<16xi32>
      %and3A_1826 = arith.constant 524287 : i32
      %and3A_1827 = vector.broadcast %and3A_1826 : i32 to vector<16xi32>
      %and3A_1828 = arith.andi %add3A_1790, %and3A_1827 : vector<16xi32>
      %select_n3A_1829 = arith.select %ge3A_1822, %sub3A_1825, %and3A_1828 : vector<16xi1>, vector<16xi32>
      %swap3A_1830 = arith.constant 512 : index
      %swap3A_1831 = tpu.vector_load %arg12[%swap3A_1830] {strides = array<i32>} : memref<640xi32, #tpu.memory_space<vmem>>, vector<16xi32>,
      %swap3A_1832 = vector.shape_cast %swap3A_1831 : vector<16xi32> to vector<16xi32>
      %swap3A_1833 = vector.shape_cast %select_n3A_1829 : vector<16xi32> to vector<16xi32>
      tpu.vector_store %arg12[%swap3A_1830], %swap3A_1833 {strides = array<i32>} : memref<640xi32, #tpu.memory_space<vmem>>, vector<16xi32>,
      %get3A_1834 = arith.constant 528 : index
      %get3A_1835 = tpu.vector_load %arg9[%get3A_1834] {strides = array<i32>} : memref<640xi32, #tpu.memory_space<vmem>>, vector<16xi32>,
      %get3A_1836 = vector.shape_cast %get3A_1835 : vector<16xi32> to vector<16xi32>
      %broadcast_in_dim3A_1837 = arith.constant 0 : i32
      %broadcast_in_dim3A_1838 = vector.broadcast %broadcast_in_dim3A_1837 : i32 to vector<16xi32>
      %add3A_1839 = arith.constant 528 : i32
      %add3A_1840 = arith.addi %add3A_89, %add3A_1839 : i32
      %iota3A_1841 = tpu.iota {dimensions = array<i32: 0>} : vector<16xi32>
      %add3A_1842 = vector.broadcast %add3A_1840 : i32 to vector<16xi32>
      %add3A_1843 = arith.addi %add3A_1842, %iota3A_1841 : vector<16xi32>
      %lt3A_1844 = arith.constant 20000 : i32
      %lt3A_1845 = vector.broadcast %lt3A_1844 : i32 to vector<16xi32>
      %lt3A_1846 = arith.cmpi slt, %get3A_1836, %lt3A_1845 : vector<16xi32>
      %and3A_1847 = arith.constant 16383 : i32
      %and3A_1848 = vector.broadcast %and3A_1847 : i32 to vector<16xi32>
      %and3A_1849 = arith.andi %add3A_1843, %and3A_1848 : vector<16xi32>
      %select_n3A_1850 = arith.select %lt3A_1846, %get3A_1836, %and3A_1849 : vector<16xi1>, vector<16xi32>
      %swap3A_1851 = arith.constant 528 : index
      %swap3A_1852 = tpu.vector_load %arg10[%swap3A_1851] {strides = array<i32>} : memref<640xi32, #tpu.memory_space<vmem>>, vector<16xi32>,
      %swap3A_1853 = vector.shape_cast %swap3A_1852 : vector<16xi32> to vector<16xi32>
      %swap3A_1854 = vector.shape_cast %select_n3A_1850 : vector<16xi32> to vector<16xi32>
      tpu.vector_store %arg10[%swap3A_1851], %swap3A_1854 {strides = array<i32>} : memref<640xi32, #tpu.memory_space<vmem>>, vector<16xi32>,
      %and3A_1855 = arith.constant 131071 : i32
      %and3A_1856 = vector.broadcast %and3A_1855 : i32 to vector<16xi32>
      %and3A_1857 = arith.andi %add3A_1843, %and3A_1856 : vector<16xi32>
      %ge3A_1858 = arith.constant 20000 : i32
      %ge3A_1859 = vector.broadcast %ge3A_1858 : i32 to vector<16xi32>
      %ge3A_1860 = arith.cmpi sge, %get3A_1836, %ge3A_1859 : vector<16xi32>
      %lt3A_1861 = arith.constant 200000 : i32
      %lt3A_1862 = vector.broadcast %lt3A_1861 : i32 to vector<16xi32>
      %lt3A_1863 = arith.cmpi slt, %get3A_1836, %lt3A_1862 : vector<16xi32>
      %sub3A_1864 = arith.constant 20000 : i32
      %sub3A_1865 = vector.broadcast %sub3A_1864 : i32 to vector<16xi32>
      %sub3A_1866 = arith.subi %get3A_1836, %sub3A_1865 : vector<16xi32>
      %select_n3A_1867 = arith.select %lt3A_1863, %sub3A_1866, %and3A_1857 : vector<16xi1>, vector<16xi32>
      %select_n3A_1868 = arith.select %ge3A_1860, %select_n3A_1867, %and3A_1857 : vector<16xi1>, vector<16xi32>
      %swap3A_1869 = arith.constant 528 : index
      %swap3A_1870 = tpu.vector_load %arg11[%swap3A_1869] {strides = array<i32>} : memref<640xi32, #tpu.memory_space<vmem>>, vector<16xi32>,
      %swap3A_1871 = vector.shape_cast %swap3A_1870 : vector<16xi32> to vector<16xi32>
      %swap3A_1872 = vector.shape_cast %select_n3A_1868 : vector<16xi32> to vector<16xi32>
      tpu.vector_store %arg11[%swap3A_1869], %swap3A_1872 {strides = array<i32>} : memref<640xi32, #tpu.memory_space<vmem>>, vector<16xi32>,
      %ge3A_1873 = arith.constant 200000 : i32
      %ge3A_1874 = vector.broadcast %ge3A_1873 : i32 to vector<16xi32>
      %ge3A_1875 = arith.cmpi sge, %get3A_1836, %ge3A_1874 : vector<16xi32>
      %sub3A_1876 = arith.constant 200000 : i32
      %sub3A_1877 = vector.broadcast %sub3A_1876 : i32 to vector<16xi32>
      %sub3A_1878 = arith.subi %get3A_1836, %sub3A_1877 : vector<16xi32>
      %and3A_1879 = arith.constant 524287 : i32
      %and3A_1880 = vector.broadcast %and3A_1879 : i32 to vector<16xi32>
      %and3A_1881 = arith.andi %add3A_1843, %and3A_1880 : vector<16xi32>
      %select_n3A_1882 = arith.select %ge3A_1875, %sub3A_1878, %and3A_1881 : vector<16xi1>, vector<16xi32>
      %swap3A_1883 = arith.constant 528 : index
      %swap3A_1884 = tpu.vector_load %arg12[%swap3A_1883] {strides = array<i32>} : memref<640xi32, #tpu.memory_space<vmem>>, vector<16xi32>,
      %swap3A_1885 = vector.shape_cast %swap3A_1884 : vector<16xi32> to vector<16xi32>
      %swap3A_1886 = vector.shape_cast %select_n3A_1882 : vector<16xi32> to vector<16xi32>
      tpu.vector_store %arg12[%swap3A_1883], %swap3A_1886 {strides = array<i32>} : memref<640xi32, #tpu.memory_space<vmem>>, vector<16xi32>,
      %get3A_1887 = arith.constant 544 : index
      %get3A_1888 = tpu.vector_load %arg9[%get3A_1887] {strides = array<i32>} : memref<640xi32, #tpu.memory_space<vmem>>, vector<16xi32>,
      %get3A_1889 = vector.shape_cast %get3A_1888 : vector<16xi32> to vector<16xi32>
      %broadcast_in_dim3A_1890 = arith.constant 0 : i32
      %broadcast_in_dim3A_1891 = vector.broadcast %broadcast_in_dim3A_1890 : i32 to vector<16xi32>
      %add3A_1892 = arith.constant 544 : i32
      %add3A_1893 = arith.addi %add3A_89, %add3A_1892 : i32
      %iota3A_1894 = tpu.iota {dimensions = array<i32: 0>} : vector<16xi32>
      %add3A_1895 = vector.broadcast %add3A_1893 : i32 to vector<16xi32>
      %add3A_1896 = arith.addi %add3A_1895, %iota3A_1894 : vector<16xi32>
      %lt3A_1897 = arith.constant 20000 : i32
      %lt3A_1898 = vector.broadcast %lt3A_1897 : i32 to vector<16xi32>
      %lt3A_1899 = arith.cmpi slt, %get3A_1889, %lt3A_1898 : vector<16xi32>
      %and3A_1900 = arith.constant 16383 : i32
      %and3A_1901 = vector.broadcast %and3A_1900 : i32 to vector<16xi32>
      %and3A_1902 = arith.andi %add3A_1896, %and3A_1901 : vector<16xi32>
      %select_n3A_1903 = arith.select %lt3A_1899, %get3A_1889, %and3A_1902 : vector<16xi1>, vector<16xi32>
      %swap3A_1904 = arith.constant 544 : index
      %swap3A_1905 = tpu.vector_load %arg10[%swap3A_1904] {strides = array<i32>} : memref<640xi32, #tpu.memory_space<vmem>>, vector<16xi32>,
      %swap3A_1906 = vector.shape_cast %swap3A_1905 : vector<16xi32> to vector<16xi32>
      %swap3A_1907 = vector.shape_cast %select_n3A_1903 : vector<16xi32> to vector<16xi32>
      tpu.vector_store %arg10[%swap3A_1904], %swap3A_1907 {strides = array<i32>} : memref<640xi32, #tpu.memory_space<vmem>>, vector<16xi32>,
      %and3A_1908 = arith.constant 131071 : i32
      %and3A_1909 = vector.broadcast %and3A_1908 : i32 to vector<16xi32>
      %and3A_1910 = arith.andi %add3A_1896, %and3A_1909 : vector<16xi32>
      %ge3A_1911 = arith.constant 20000 : i32
      %ge3A_1912 = vector.broadcast %ge3A_1911 : i32 to vector<16xi32>
      %ge3A_1913 = arith.cmpi sge, %get3A_1889, %ge3A_1912 : vector<16xi32>
      %lt3A_1914 = arith.constant 200000 : i32
      %lt3A_1915 = vector.broadcast %lt3A_1914 : i32 to vector<16xi32>
      %lt3A_1916 = arith.cmpi slt, %get3A_1889, %lt3A_1915 : vector<16xi32>
      %sub3A_1917 = arith.constant 20000 : i32
      %sub3A_1918 = vector.broadcast %sub3A_1917 : i32 to vector<16xi32>
      %sub3A_1919 = arith.subi %get3A_1889, %sub3A_1918 : vector<16xi32>
      %select_n3A_1920 = arith.select %lt3A_1916, %sub3A_1919, %and3A_1910 : vector<16xi1>, vector<16xi32>
      %select_n3A_1921 = arith.select %ge3A_1913, %select_n3A_1920, %and3A_1910 : vector<16xi1>, vector<16xi32>
      %swap3A_1922 = arith.constant 544 : index
      %swap3A_1923 = tpu.vector_load %arg11[%swap3A_1922] {strides = array<i32>} : memref<640xi32, #tpu.memory_space<vmem>>, vector<16xi32>,
      %swap3A_1924 = vector.shape_cast %swap3A_1923 : vector<16xi32> to vector<16xi32>
      %swap3A_1925 = vector.shape_cast %select_n3A_1921 : vector<16xi32> to vector<16xi32>
      tpu.vector_store %arg11[%swap3A_1922], %swap3A_1925 {strides = array<i32>} : memref<640xi32, #tpu.memory_space<vmem>>, vector<16xi32>,
      %ge3A_1926 = arith.constant 200000 : i32
      %ge3A_1927 = vector.broadcast %ge3A_1926 : i32 to vector<16xi32>
      %ge3A_1928 = arith.cmpi sge, %get3A_1889, %ge3A_1927 : vector<16xi32>
      %sub3A_1929 = arith.constant 200000 : i32
      %sub3A_1930 = vector.broadcast %sub3A_1929 : i32 to vector<16xi32>
      %sub3A_1931 = arith.subi %get3A_1889, %sub3A_1930 : vector<16xi32>
      %and3A_1932 = arith.constant 524287 : i32
      %and3A_1933 = vector.broadcast %and3A_1932 : i32 to vector<16xi32>
      %and3A_1934 = arith.andi %add3A_1896, %and3A_1933 : vector<16xi32>
      %select_n3A_1935 = arith.select %ge3A_1928, %sub3A_1931, %and3A_1934 : vector<16xi1>, vector<16xi32>
      %swap3A_1936 = arith.constant 544 : index
      %swap3A_1937 = tpu.vector_load %arg12[%swap3A_1936] {strides = array<i32>} : memref<640xi32, #tpu.memory_space<vmem>>, vector<16xi32>,
      %swap3A_1938 = vector.shape_cast %swap3A_1937 : vector<16xi32> to vector<16xi32>
      %swap3A_1939 = vector.shape_cast %select_n3A_1935 : vector<16xi32> to vector<16xi32>
      tpu.vector_store %arg12[%swap3A_1936], %swap3A_1939 {strides = array<i32>} : memref<640xi32, #tpu.memory_space<vmem>>, vector<16xi32>,
      %get3A_1940 = arith.constant 560 : index
      %get3A_1941 = tpu.vector_load %arg9[%get3A_1940] {strides = array<i32>} : memref<640xi32, #tpu.memory_space<vmem>>, vector<16xi32>,
      %get3A_1942 = vector.shape_cast %get3A_1941 : vector<16xi32> to vector<16xi32>
      %broadcast_in_dim3A_1943 = arith.constant 0 : i32
      %broadcast_in_dim3A_1944 = vector.broadcast %broadcast_in_dim3A_1943 : i32 to vector<16xi32>
      %add3A_1945 = arith.constant 560 : i32
      %add3A_1946 = arith.addi %add3A_89, %add3A_1945 : i32
      %iota3A_1947 = tpu.iota {dimensions = array<i32: 0>} : vector<16xi32>
      %add3A_1948 = vector.broadcast %add3A_1946 : i32 to vector<16xi32>
      %add3A_1949 = arith.addi %add3A_1948, %iota3A_1947 : vector<16xi32>
      %lt3A_1950 = arith.constant 20000 : i32
      %lt3A_1951 = vector.broadcast %lt3A_1950 : i32 to vector<16xi32>
      %lt3A_1952 = arith.cmpi slt, %get3A_1942, %lt3A_1951 : vector<16xi32>
      %and3A_1953 = arith.constant 16383 : i32
      %and3A_1954 = vector.broadcast %and3A_1953 : i32 to vector<16xi32>
      %and3A_1955 = arith.andi %add3A_1949, %and3A_1954 : vector<16xi32>
      %select_n3A_1956 = arith.select %lt3A_1952, %get3A_1942, %and3A_1955 : vector<16xi1>, vector<16xi32>
      %swap3A_1957 = arith.constant 560 : index
      %swap3A_1958 = tpu.vector_load %arg10[%swap3A_1957] {strides = array<i32>} : memref<640xi32, #tpu.memory_space<vmem>>, vector<16xi32>,
      %swap3A_1959 = vector.shape_cast %swap3A_1958 : vector<16xi32> to vector<16xi32>
      %swap3A_1960 = vector.shape_cast %select_n3A_1956 : vector<16xi32> to vector<16xi32>
      tpu.vector_store %arg10[%swap3A_1957], %swap3A_1960 {strides = array<i32>} : memref<640xi32, #tpu.memory_space<vmem>>, vector<16xi32>,
      %and3A_1961 = arith.constant 131071 : i32
      %and3A_1962 = vector.broadcast %and3A_1961 : i32 to vector<16xi32>
      %and3A_1963 = arith.andi %add3A_1949, %and3A_1962 : vector<16xi32>
      %ge3A_1964 = arith.constant 20000 : i32
      %ge3A_1965 = vector.broadcast %ge3A_1964 : i32 to vector<16xi32>
      %ge3A_1966 = arith.cmpi sge, %get3A_1942, %ge3A_1965 : vector<16xi32>
      %lt3A_1967 = arith.constant 200000 : i32
      %lt3A_1968 = vector.broadcast %lt3A_1967 : i32 to vector<16xi32>
      %lt3A_1969 = arith.cmpi slt, %get3A_1942, %lt3A_1968 : vector<16xi32>
      %sub3A_1970 = arith.constant 20000 : i32
      %sub3A_1971 = vector.broadcast %sub3A_1970 : i32 to vector<16xi32>
      %sub3A_1972 = arith.subi %get3A_1942, %sub3A_1971 : vector<16xi32>
      %select_n3A_1973 = arith.select %lt3A_1969, %sub3A_1972, %and3A_1963 : vector<16xi1>, vector<16xi32>
      %select_n3A_1974 = arith.select %ge3A_1966, %select_n3A_1973, %and3A_1963 : vector<16xi1>, vector<16xi32>
      %swap3A_1975 = arith.constant 560 : index
      %swap3A_1976 = tpu.vector_load %arg11[%swap3A_1975] {strides = array<i32>} : memref<640xi32, #tpu.memory_space<vmem>>, vector<16xi32>,
      %swap3A_1977 = vector.shape_cast %swap3A_1976 : vector<16xi32> to vector<16xi32>
      %swap3A_1978 = vector.shape_cast %select_n3A_1974 : vector<16xi32> to vector<16xi32>
      tpu.vector_store %arg11[%swap3A_1975], %swap3A_1978 {strides = array<i32>} : memref<640xi32, #tpu.memory_space<vmem>>, vector<16xi32>,
      %ge3A_1979 = arith.constant 200000 : i32
      %ge3A_1980 = vector.broadcast %ge3A_1979 : i32 to vector<16xi32>
      %ge3A_1981 = arith.cmpi sge, %get3A_1942, %ge3A_1980 : vector<16xi32>
      %sub3A_1982 = arith.constant 200000 : i32
      %sub3A_1983 = vector.broadcast %sub3A_1982 : i32 to vector<16xi32>
      %sub3A_1984 = arith.subi %get3A_1942, %sub3A_1983 : vector<16xi32>
      %and3A_1985 = arith.constant 524287 : i32
      %and3A_1986 = vector.broadcast %and3A_1985 : i32 to vector<16xi32>
      %and3A_1987 = arith.andi %add3A_1949, %and3A_1986 : vector<16xi32>
      %select_n3A_1988 = arith.select %ge3A_1981, %sub3A_1984, %and3A_1987 : vector<16xi1>, vector<16xi32>
      %swap3A_1989 = arith.constant 560 : index
      %swap3A_1990 = tpu.vector_load %arg12[%swap3A_1989] {strides = array<i32>} : memref<640xi32, #tpu.memory_space<vmem>>, vector<16xi32>,
      %swap3A_1991 = vector.shape_cast %swap3A_1990 : vector<16xi32> to vector<16xi32>
      %swap3A_1992 = vector.shape_cast %select_n3A_1988 : vector<16xi32> to vector<16xi32>
      tpu.vector_store %arg12[%swap3A_1989], %swap3A_1992 {strides = array<i32>} : memref<640xi32, #tpu.memory_space<vmem>>, vector<16xi32>,
      %get3A_1993 = arith.constant 576 : index
      %get3A_1994 = tpu.vector_load %arg9[%get3A_1993] {strides = array<i32>} : memref<640xi32, #tpu.memory_space<vmem>>, vector<16xi32>,
      %get3A_1995 = vector.shape_cast %get3A_1994 : vector<16xi32> to vector<16xi32>
      %broadcast_in_dim3A_1996 = arith.constant 0 : i32
      %broadcast_in_dim3A_1997 = vector.broadcast %broadcast_in_dim3A_1996 : i32 to vector<16xi32>
      %add3A_1998 = arith.constant 576 : i32
      %add3A_1999 = arith.addi %add3A_89, %add3A_1998 : i32
      %iota3A_2000 = tpu.iota {dimensions = array<i32: 0>} : vector<16xi32>
      %add3A_2001 = vector.broadcast %add3A_1999 : i32 to vector<16xi32>
      %add3A_2002 = arith.addi %add3A_2001, %iota3A_2000 : vector<16xi32>
      %lt3A_2003 = arith.constant 20000 : i32
      %lt3A_2004 = vector.broadcast %lt3A_2003 : i32 to vector<16xi32>
      %lt3A_2005 = arith.cmpi slt, %get3A_1995, %lt3A_2004 : vector<16xi32>
      %and3A_2006 = arith.constant 16383 : i32
      %and3A_2007 = vector.broadcast %and3A_2006 : i32 to vector<16xi32>
      %and3A_2008 = arith.andi %add3A_2002, %and3A_2007 : vector<16xi32>
      %select_n3A_2009 = arith.select %lt3A_2005, %get3A_1995, %and3A_2008 : vector<16xi1>, vector<16xi32>
      %swap3A_2010 = arith.constant 576 : index
      %swap3A_2011 = tpu.vector_load %arg10[%swap3A_2010] {strides = array<i32>} : memref<640xi32, #tpu.memory_space<vmem>>, vector<16xi32>,
      %swap3A_2012 = vector.shape_cast %swap3A_2011 : vector<16xi32> to vector<16xi32>
      %swap3A_2013 = vector.shape_cast %select_n3A_2009 : vector<16xi32> to vector<16xi32>
      tpu.vector_store %arg10[%swap3A_2010], %swap3A_2013 {strides = array<i32>} : memref<640xi32, #tpu.memory_space<vmem>>, vector<16xi32>,
      %and3A_2014 = arith.constant 131071 : i32
      %and3A_2015 = vector.broadcast %and3A_2014 : i32 to vector<16xi32>
      %and3A_2016 = arith.andi %add3A_2002, %and3A_2015 : vector<16xi32>
      %ge3A_2017 = arith.constant 20000 : i32
      %ge3A_2018 = vector.broadcast %ge3A_2017 : i32 to vector<16xi32>
      %ge3A_2019 = arith.cmpi sge, %get3A_1995, %ge3A_2018 : vector<16xi32>
      %lt3A_2020 = arith.constant 200000 : i32
      %lt3A_2021 = vector.broadcast %lt3A_2020 : i32 to vector<16xi32>
      %lt3A_2022 = arith.cmpi slt, %get3A_1995, %lt3A_2021 : vector<16xi32>
      %sub3A_2023 = arith.constant 20000 : i32
      %sub3A_2024 = vector.broadcast %sub3A_2023 : i32 to vector<16xi32>
      %sub3A_2025 = arith.subi %get3A_1995, %sub3A_2024 : vector<16xi32>
      %select_n3A_2026 = arith.select %lt3A_2022, %sub3A_2025, %and3A_2016 : vector<16xi1>, vector<16xi32>
      %select_n3A_2027 = arith.select %ge3A_2019, %select_n3A_2026, %and3A_2016 : vector<16xi1>, vector<16xi32>
      %swap3A_2028 = arith.constant 576 : index
      %swap3A_2029 = tpu.vector_load %arg11[%swap3A_2028] {strides = array<i32>} : memref<640xi32, #tpu.memory_space<vmem>>, vector<16xi32>,
      %swap3A_2030 = vector.shape_cast %swap3A_2029 : vector<16xi32> to vector<16xi32>
      %swap3A_2031 = vector.shape_cast %select_n3A_2027 : vector<16xi32> to vector<16xi32>
      tpu.vector_store %arg11[%swap3A_2028], %swap3A_2031 {strides = array<i32>} : memref<640xi32, #tpu.memory_space<vmem>>, vector<16xi32>,
      %ge3A_2032 = arith.constant 200000 : i32
      %ge3A_2033 = vector.broadcast %ge3A_2032 : i32 to vector<16xi32>
      %ge3A_2034 = arith.cmpi sge, %get3A_1995, %ge3A_2033 : vector<16xi32>
      %sub3A_2035 = arith.constant 200000 : i32
      %sub3A_2036 = vector.broadcast %sub3A_2035 : i32 to vector<16xi32>
      %sub3A_2037 = arith.subi %get3A_1995, %sub3A_2036 : vector<16xi32>
      %and3A_2038 = arith.constant 524287 : i32
      %and3A_2039 = vector.broadcast %and3A_2038 : i32 to vector<16xi32>
      %and3A_2040 = arith.andi %add3A_2002, %and3A_2039 : vector<16xi32>
      %select_n3A_2041 = arith.select %ge3A_2034, %sub3A_2037, %and3A_2040 : vector<16xi1>, vector<16xi32>
      %swap3A_2042 = arith.constant 576 : index
      %swap3A_2043 = tpu.vector_load %arg12[%swap3A_2042] {strides = array<i32>} : memref<640xi32, #tpu.memory_space<vmem>>, vector<16xi32>,
      %swap3A_2044 = vector.shape_cast %swap3A_2043 : vector<16xi32> to vector<16xi32>
      %swap3A_2045 = vector.shape_cast %select_n3A_2041 : vector<16xi32> to vector<16xi32>
      tpu.vector_store %arg12[%swap3A_2042], %swap3A_2045 {strides = array<i32>} : memref<640xi32, #tpu.memory_space<vmem>>, vector<16xi32>,
      %get3A_2046 = arith.constant 592 : index
      %get3A_2047 = tpu.vector_load %arg9[%get3A_2046] {strides = array<i32>} : memref<640xi32, #tpu.memory_space<vmem>>, vector<16xi32>,
      %get3A_2048 = vector.shape_cast %get3A_2047 : vector<16xi32> to vector<16xi32>
      %broadcast_in_dim3A_2049 = arith.constant 0 : i32
      %broadcast_in_dim3A_2050 = vector.broadcast %broadcast_in_dim3A_2049 : i32 to vector<16xi32>
      %add3A_2051 = arith.constant 592 : i32
      %add3A_2052 = arith.addi %add3A_89, %add3A_2051 : i32
      %iota3A_2053 = tpu.iota {dimensions = array<i32: 0>} : vector<16xi32>
      %add3A_2054 = vector.broadcast %add3A_2052 : i32 to vector<16xi32>
      %add3A_2055 = arith.addi %add3A_2054, %iota3A_2053 : vector<16xi32>
      %lt3A_2056 = arith.constant 20000 : i32
      %lt3A_2057 = vector.broadcast %lt3A_2056 : i32 to vector<16xi32>
      %lt3A_2058 = arith.cmpi slt, %get3A_2048, %lt3A_2057 : vector<16xi32>
      %and3A_2059 = arith.constant 16383 : i32
      %and3A_2060 = vector.broadcast %and3A_2059 : i32 to vector<16xi32>
      %and3A_2061 = arith.andi %add3A_2055, %and3A_2060 : vector<16xi32>
      %select_n3A_2062 = arith.select %lt3A_2058, %get3A_2048, %and3A_2061 : vector<16xi1>, vector<16xi32>
      %swap3A_2063 = arith.constant 592 : index
      %swap3A_2064 = tpu.vector_load %arg10[%swap3A_2063] {strides = array<i32>} : memref<640xi32, #tpu.memory_space<vmem>>, vector<16xi32>,
      %swap3A_2065 = vector.shape_cast %swap3A_2064 : vector<16xi32> to vector<16xi32>
      %swap3A_2066 = vector.shape_cast %select_n3A_2062 : vector<16xi32> to vector<16xi32>
      tpu.vector_store %arg10[%swap3A_2063], %swap3A_2066 {strides = array<i32>} : memref<640xi32, #tpu.memory_space<vmem>>, vector<16xi32>,
      %and3A_2067 = arith.constant 131071 : i32
      %and3A_2068 = vector.broadcast %and3A_2067 : i32 to vector<16xi32>
      %and3A_2069 = arith.andi %add3A_2055, %and3A_2068 : vector<16xi32>
      %ge3A_2070 = arith.constant 20000 : i32
      %ge3A_2071 = vector.broadcast %ge3A_2070 : i32 to vector<16xi32>
      %ge3A_2072 = arith.cmpi sge, %get3A_2048, %ge3A_2071 : vector<16xi32>
      %lt3A_2073 = arith.constant 200000 : i32
      %lt3A_2074 = vector.broadcast %lt3A_2073 : i32 to vector<16xi32>
      %lt3A_2075 = arith.cmpi slt, %get3A_2048, %lt3A_2074 : vector<16xi32>
      %sub3A_2076 = arith.constant 20000 : i32
      %sub3A_2077 = vector.broadcast %sub3A_2076 : i32 to vector<16xi32>
      %sub3A_2078 = arith.subi %get3A_2048, %sub3A_2077 : vector<16xi32>
      %select_n3A_2079 = arith.select %lt3A_2075, %sub3A_2078, %and3A_2069 : vector<16xi1>, vector<16xi32>
      %select_n3A_2080 = arith.select %ge3A_2072, %select_n3A_2079, %and3A_2069 : vector<16xi1>, vector<16xi32>
      %swap3A_2081 = arith.constant 592 : index
      %swap3A_2082 = tpu.vector_load %arg11[%swap3A_2081] {strides = array<i32>} : memref<640xi32, #tpu.memory_space<vmem>>, vector<16xi32>,
      %swap3A_2083 = vector.shape_cast %swap3A_2082 : vector<16xi32> to vector<16xi32>
      %swap3A_2084 = vector.shape_cast %select_n3A_2080 : vector<16xi32> to vector<16xi32>
      tpu.vector_store %arg11[%swap3A_2081], %swap3A_2084 {strides = array<i32>} : memref<640xi32, #tpu.memory_space<vmem>>, vector<16xi32>,
      %ge3A_2085 = arith.constant 200000 : i32
      %ge3A_2086 = vector.broadcast %ge3A_2085 : i32 to vector<16xi32>
      %ge3A_2087 = arith.cmpi sge, %get3A_2048, %ge3A_2086 : vector<16xi32>
      %sub3A_2088 = arith.constant 200000 : i32
      %sub3A_2089 = vector.broadcast %sub3A_2088 : i32 to vector<16xi32>
      %sub3A_2090 = arith.subi %get3A_2048, %sub3A_2089 : vector<16xi32>
      %and3A_2091 = arith.constant 524287 : i32
      %and3A_2092 = vector.broadcast %and3A_2091 : i32 to vector<16xi32>
      %and3A_2093 = arith.andi %add3A_2055, %and3A_2092 : vector<16xi32>
      %select_n3A_2094 = arith.select %ge3A_2087, %sub3A_2090, %and3A_2093 : vector<16xi1>, vector<16xi32>
      %swap3A_2095 = arith.constant 592 : index
      %swap3A_2096 = tpu.vector_load %arg12[%swap3A_2095] {strides = array<i32>} : memref<640xi32, #tpu.memory_space<vmem>>, vector<16xi32>,
      %swap3A_2097 = vector.shape_cast %swap3A_2096 : vector<16xi32> to vector<16xi32>
      %swap3A_2098 = vector.shape_cast %select_n3A_2094 : vector<16xi32> to vector<16xi32>
      tpu.vector_store %arg12[%swap3A_2095], %swap3A_2098 {strides = array<i32>} : memref<640xi32, #tpu.memory_space<vmem>>, vector<16xi32>,
      %get3A_2099 = arith.constant 608 : index
      %get3A_2100 = tpu.vector_load %arg9[%get3A_2099] {strides = array<i32>} : memref<640xi32, #tpu.memory_space<vmem>>, vector<16xi32>,
      %get3A_2101 = vector.shape_cast %get3A_2100 : vector<16xi32> to vector<16xi32>
      %broadcast_in_dim3A_2102 = arith.constant 0 : i32
      %broadcast_in_dim3A_2103 = vector.broadcast %broadcast_in_dim3A_2102 : i32 to vector<16xi32>
      %add3A_2104 = arith.constant 608 : i32
      %add3A_2105 = arith.addi %add3A_89, %add3A_2104 : i32
      %iota3A_2106 = tpu.iota {dimensions = array<i32: 0>} : vector<16xi32>
      %add3A_2107 = vector.broadcast %add3A_2105 : i32 to vector<16xi32>
      %add3A_2108 = arith.addi %add3A_2107, %iota3A_2106 : vector<16xi32>
      %lt3A_2109 = arith.constant 20000 : i32
      %lt3A_2110 = vector.broadcast %lt3A_2109 : i32 to vector<16xi32>
      %lt3A_2111 = arith.cmpi slt, %get3A_2101, %lt3A_2110 : vector<16xi32>
      %and3A_2112 = arith.constant 16383 : i32
      %and3A_2113 = vector.broadcast %and3A_2112 : i32 to vector<16xi32>
      %and3A_2114 = arith.andi %add3A_2108, %and3A_2113 : vector<16xi32>
      %select_n3A_2115 = arith.select %lt3A_2111, %get3A_2101, %and3A_2114 : vector<16xi1>, vector<16xi32>
      %swap3A_2116 = arith.constant 608 : index
      %swap3A_2117 = tpu.vector_load %arg10[%swap3A_2116] {strides = array<i32>} : memref<640xi32, #tpu.memory_space<vmem>>, vector<16xi32>,
      %swap3A_2118 = vector.shape_cast %swap3A_2117 : vector<16xi32> to vector<16xi32>
      %swap3A_2119 = vector.shape_cast %select_n3A_2115 : vector<16xi32> to vector<16xi32>
      tpu.vector_store %arg10[%swap3A_2116], %swap3A_2119 {strides = array<i32>} : memref<640xi32, #tpu.memory_space<vmem>>, vector<16xi32>,
      %and3A_2120 = arith.constant 131071 : i32
      %and3A_2121 = vector.broadcast %and3A_2120 : i32 to vector<16xi32>
      %and3A_2122 = arith.andi %add3A_2108, %and3A_2121 : vector<16xi32>
      %ge3A_2123 = arith.constant 20000 : i32
      %ge3A_2124 = vector.broadcast %ge3A_2123 : i32 to vector<16xi32>
      %ge3A_2125 = arith.cmpi sge, %get3A_2101, %ge3A_2124 : vector<16xi32>
      %lt3A_2126 = arith.constant 200000 : i32
      %lt3A_2127 = vector.broadcast %lt3A_2126 : i32 to vector<16xi32>
      %lt3A_2128 = arith.cmpi slt, %get3A_2101, %lt3A_2127 : vector<16xi32>
      %sub3A_2129 = arith.constant 20000 : i32
      %sub3A_2130 = vector.broadcast %sub3A_2129 : i32 to vector<16xi32>
      %sub3A_2131 = arith.subi %get3A_2101, %sub3A_2130 : vector<16xi32>
      %select_n3A_2132 = arith.select %lt3A_2128, %sub3A_2131, %and3A_2122 : vector<16xi1>, vector<16xi32>
      %select_n3A_2133 = arith.select %ge3A_2125, %select_n3A_2132, %and3A_2122 : vector<16xi1>, vector<16xi32>
      %swap3A_2134 = arith.constant 608 : index
      %swap3A_2135 = tpu.vector_load %arg11[%swap3A_2134] {strides = array<i32>} : memref<640xi32, #tpu.memory_space<vmem>>, vector<16xi32>,
      %swap3A_2136 = vector.shape_cast %swap3A_2135 : vector<16xi32> to vector<16xi32>
      %swap3A_2137 = vector.shape_cast %select_n3A_2133 : vector<16xi32> to vector<16xi32>
      tpu.vector_store %arg11[%swap3A_2134], %swap3A_2137 {strides = array<i32>} : memref<640xi32, #tpu.memory_space<vmem>>, vector<16xi32>,
      %ge3A_2138 = arith.constant 200000 : i32
      %ge3A_2139 = vector.broadcast %ge3A_2138 : i32 to vector<16xi32>
      %ge3A_2140 = arith.cmpi sge, %get3A_2101, %ge3A_2139 : vector<16xi32>
      %sub3A_2141 = arith.constant 200000 : i32
      %sub3A_2142 = vector.broadcast %sub3A_2141 : i32 to vector<16xi32>
      %sub3A_2143 = arith.subi %get3A_2101, %sub3A_2142 : vector<16xi32>
      %and3A_2144 = arith.constant 524287 : i32
      %and3A_2145 = vector.broadcast %and3A_2144 : i32 to vector<16xi32>
      %and3A_2146 = arith.andi %add3A_2108, %and3A_2145 : vector<16xi32>
      %select_n3A_2147 = arith.select %ge3A_2140, %sub3A_2143, %and3A_2146 : vector<16xi1>, vector<16xi32>
      %swap3A_2148 = arith.constant 608 : index
      %swap3A_2149 = tpu.vector_load %arg12[%swap3A_2148] {strides = array<i32>} : memref<640xi32, #tpu.memory_space<vmem>>, vector<16xi32>,
      %swap3A_2150 = vector.shape_cast %swap3A_2149 : vector<16xi32> to vector<16xi32>
      %swap3A_2151 = vector.shape_cast %select_n3A_2147 : vector<16xi32> to vector<16xi32>
      tpu.vector_store %arg12[%swap3A_2148], %swap3A_2151 {strides = array<i32>} : memref<640xi32, #tpu.memory_space<vmem>>, vector<16xi32>,
      %get3A_2152 = arith.constant 624 : index
      %get3A_2153 = tpu.vector_load %arg9[%get3A_2152] {strides = array<i32>} : memref<640xi32, #tpu.memory_space<vmem>>, vector<16xi32>,
      %get3A_2154 = vector.shape_cast %get3A_2153 : vector<16xi32> to vector<16xi32>
      %broadcast_in_dim3A_2155 = arith.constant 0 : i32
      %broadcast_in_dim3A_2156 = vector.broadcast %broadcast_in_dim3A_2155 : i32 to vector<16xi32>
      %add3A_2157 = arith.constant 624 : i32
      %add3A_2158 = arith.addi %add3A_89, %add3A_2157 : i32
      %iota3A_2159 = tpu.iota {dimensions = array<i32: 0>} : vector<16xi32>
      %add3A_2160 = vector.broadcast %add3A_2158 : i32 to vector<16xi32>
      %add3A_2161 = arith.addi %add3A_2160, %iota3A_2159 : vector<16xi32>
      %lt3A_2162 = arith.constant 20000 : i32
      %lt3A_2163 = vector.broadcast %lt3A_2162 : i32 to vector<16xi32>
      %lt3A_2164 = arith.cmpi slt, %get3A_2154, %lt3A_2163 : vector<16xi32>
      %and3A_2165 = arith.constant 16383 : i32
      %and3A_2166 = vector.broadcast %and3A_2165 : i32 to vector<16xi32>
      %and3A_2167 = arith.andi %add3A_2161, %and3A_2166 : vector<16xi32>
      %select_n3A_2168 = arith.select %lt3A_2164, %get3A_2154, %and3A_2167 : vector<16xi1>, vector<16xi32>
      %swap3A_2169 = arith.constant 624 : index
      %swap3A_2170 = tpu.vector_load %arg10[%swap3A_2169] {strides = array<i32>} : memref<640xi32, #tpu.memory_space<vmem>>, vector<16xi32>,
      %swap3A_2171 = vector.shape_cast %swap3A_2170 : vector<16xi32> to vector<16xi32>
      %swap3A_2172 = vector.shape_cast %select_n3A_2168 : vector<16xi32> to vector<16xi32>
      tpu.vector_store %arg10[%swap3A_2169], %swap3A_2172 {strides = array<i32>} : memref<640xi32, #tpu.memory_space<vmem>>, vector<16xi32>,
      %and3A_2173 = arith.constant 131071 : i32
      %and3A_2174 = vector.broadcast %and3A_2173 : i32 to vector<16xi32>
      %and3A_2175 = arith.andi %add3A_2161, %and3A_2174 : vector<16xi32>
      %ge3A_2176 = arith.constant 20000 : i32
      %ge3A_2177 = vector.broadcast %ge3A_2176 : i32 to vector<16xi32>
      %ge3A_2178 = arith.cmpi sge, %get3A_2154, %ge3A_2177 : vector<16xi32>
      %lt3A_2179 = arith.constant 200000 : i32
      %lt3A_2180 = vector.broadcast %lt3A_2179 : i32 to vector<16xi32>
      %lt3A_2181 = arith.cmpi slt, %get3A_2154, %lt3A_2180 : vector<16xi32>
      %sub3A_2182 = arith.constant 20000 : i32
      %sub3A_2183 = vector.broadcast %sub3A_2182 : i32 to vector<16xi32>
      %sub3A_2184 = arith.subi %get3A_2154, %sub3A_2183 : vector<16xi32>
      %select_n3A_2185 = arith.select %lt3A_2181, %sub3A_2184, %and3A_2175 : vector<16xi1>, vector<16xi32>
      %select_n3A_2186 = arith.select %ge3A_2178, %select_n3A_2185, %and3A_2175 : vector<16xi1>, vector<16xi32>
      %swap3A_2187 = arith.constant 624 : index
      %swap3A_2188 = tpu.vector_load %arg11[%swap3A_2187] {strides = array<i32>} : memref<640xi32, #tpu.memory_space<vmem>>, vector<16xi32>,
      %swap3A_2189 = vector.shape_cast %swap3A_2188 : vector<16xi32> to vector<16xi32>
      %swap3A_2190 = vector.shape_cast %select_n3A_2186 : vector<16xi32> to vector<16xi32>
      tpu.vector_store %arg11[%swap3A_2187], %swap3A_2190 {strides = array<i32>} : memref<640xi32, #tpu.memory_space<vmem>>, vector<16xi32>,
      %ge3A_2191 = arith.constant 200000 : i32
      %ge3A_2192 = vector.broadcast %ge3A_2191 : i32 to vector<16xi32>
      %ge3A_2193 = arith.cmpi sge, %get3A_2154, %ge3A_2192 : vector<16xi32>
      %sub3A_2194 = arith.constant 200000 : i32
      %sub3A_2195 = vector.broadcast %sub3A_2194 : i32 to vector<16xi32>
      %sub3A_2196 = arith.subi %get3A_2154, %sub3A_2195 : vector<16xi32>
      %and3A_2197 = arith.constant 524287 : i32
      %and3A_2198 = vector.broadcast %and3A_2197 : i32 to vector<16xi32>
      %and3A_2199 = arith.andi %add3A_2161, %and3A_2198 : vector<16xi32>
      %select_n3A_2200 = arith.select %ge3A_2193, %sub3A_2196, %and3A_2199 : vector<16xi1>, vector<16xi32>
      %swap3A_2201 = arith.constant 624 : index
      %swap3A_2202 = tpu.vector_load %arg12[%swap3A_2201] {strides = array<i32>} : memref<640xi32, #tpu.memory_space<vmem>>, vector<16xi32>,
      %swap3A_2203 = vector.shape_cast %swap3A_2202 : vector<16xi32> to vector<16xi32>
      %swap3A_2204 = vector.shape_cast %select_n3A_2200 : vector<16xi32> to vector<16xi32>
      tpu.vector_store %arg12[%swap3A_2201], %swap3A_2204 {strides = array<i32>} : memref<640xi32, #tpu.memory_space<vmem>>, vector<16xi32>,
      %dma_start3A = arith.constant 0 : i32
      %dma_start3A_2205 = arith.constant 0 : i32
      %dma_start3A_2206 = tpu.memref_slice %arg3[%dma_start3A, %dma_start3A_2205] : memref<20000x128xf32, #tpu.memory_space<hbm>> -> memref<20000x128xf32, #tpu.memory_space<hbm>>
      tpu.enqueue_indirect_dma source(%dma_start3A_2206 : memref<20000x128xf32, #tpu.memory_space<hbm>>) target(%arg13 : memref<640x128xf32, #tpu.memory_space<vmem>>) offsets(%arg10 : memref<640xi32, #tpu.memory_space<vmem>>) semaphore(%arg16 : memref<!tpu.dma_semaphore, #tpu.memory_space<semaphore_mem>>)
      %dma_start3A_2207 = arith.constant 0 : i32
      %dma_start3A_2208 = arith.constant 0 : i32
      %dma_start3A_2209 = tpu.memref_slice %arg4[%dma_start3A_2207, %dma_start3A_2208] : memref<180000x32xf32, #tpu.memory_space<hbm>> -> memref<180000x32xf32, #tpu.memory_space<hbm>>
      tpu.enqueue_indirect_dma source(%dma_start3A_2209 : memref<180000x32xf32, #tpu.memory_space<hbm>>) target(%arg14 : memref<640x32xf32, #tpu.memory_space<vmem>>) offsets(%arg11 : memref<640xi32, #tpu.memory_space<vmem>>) semaphore(%arg17 : memref<!tpu.dma_semaphore, #tpu.memory_space<semaphore_mem>>)
      %dma_start3A_2210 = arith.constant 0 : i32
      %dma_start3A_2211 = arith.constant 0 : i32
      %dma_start3A_2212 = tpu.memref_slice %arg5[%dma_start3A_2210, %dma_start3A_2211] : memref<800000x8xf32, #tpu.memory_space<hbm>> -> memref<800000x8xf32, #tpu.memory_space<hbm>>
      tpu.enqueue_indirect_dma source(%dma_start3A_2212 : memref<800000x8xf32, #tpu.memory_space<hbm>>) target(%arg15 : memref<640x8xf32, #tpu.memory_space<vmem>>) offsets(%arg12 : memref<640xi32, #tpu.memory_space<vmem>>) semaphore(%arg18 : memref<!tpu.dma_semaphore, #tpu.memory_space<semaphore_mem>>)
      %dma_wait3A = arith.constant 0 : i32
      %dma_wait3A_2213 = arith.constant 0 : i32
      %dma_wait3A_2214 = tpu.memref_slice %arg3[%dma_wait3A, %dma_wait3A_2213] : memref<20000x128xf32, #tpu.memory_space<hbm>> -> memref<20000x128xf32, #tpu.memory_space<hbm>>
      tpu.wait_indirect_dma semaphore(%arg16 : memref<!tpu.dma_semaphore, #tpu.memory_space<semaphore_mem>>) src(%dma_wait3A_2214 : memref<20000x128xf32, #tpu.memory_space<hbm>>) dst(%arg13 : memref<640x128xf32, #tpu.memory_space<vmem>>)
      %dma_wait3A_2215 = arith.constant 0 : i32
      %dma_wait3A_2216 = arith.constant 0 : i32
      %dma_wait3A_2217 = tpu.memref_slice %arg4[%dma_wait3A_2215, %dma_wait3A_2216] : memref<180000x32xf32, #tpu.memory_space<hbm>> -> memref<180000x32xf32, #tpu.memory_space<hbm>>
      tpu.wait_indirect_dma semaphore(%arg17 : memref<!tpu.dma_semaphore, #tpu.memory_space<semaphore_mem>>) src(%dma_wait3A_2217 : memref<180000x32xf32, #tpu.memory_space<hbm>>) dst(%arg14 : memref<640x32xf32, #tpu.memory_space<vmem>>)
      %dma_wait3A_2218 = arith.constant 0 : i32
      %dma_wait3A_2219 = arith.constant 0 : i32
      %dma_wait3A_2220 = tpu.memref_slice %arg5[%dma_wait3A_2218, %dma_wait3A_2219] : memref<800000x8xf32, #tpu.memory_space<hbm>> -> memref<800000x8xf32, #tpu.memory_space<hbm>>
      tpu.wait_indirect_dma semaphore(%arg18 : memref<!tpu.dma_semaphore, #tpu.memory_space<semaphore_mem>>) src(%dma_wait3A_2220 : memref<800000x8xf32, #tpu.memory_space<hbm>>) dst(%arg15 : memref<640x8xf32, #tpu.memory_space<vmem>>)
      "tpu.region"() ({
        %run_scoped3A = tpu.sem_alloc : memref<!tpu.dma_semaphore, #tpu.memory_space<semaphore_mem>>
        %dma_start3A_2227 = arith.constant 0 : i32
        %dma_start3A_2228 = tpu.memref_slice %arg6[%add3A_89, %dma_start3A_2227] : memref<204800x128xf32, #tpu.memory_space<hbm>> -> memref<640x128xf32, #tpu.memory_space<hbm>>
        %dma_start3A_2229 = arith.constant 0 : i32
        %dma_start3A_2230 = tpu.memref_slice %arg6[%add3A_89, %dma_start3A_2229] : memref<204800x128xf32, #tpu.memory_space<hbm>> -> memref<640x128xf32, #tpu.memory_space<hbm>>
        tpu.enqueue_dma source(%arg13 : memref<640x128xf32, #tpu.memory_space<vmem>>) target(%dma_start3A_2230 : memref<640x128xf32, #tpu.memory_space<hbm>>) target_semaphore(%run_scoped3A : memref<!tpu.dma_semaphore, #tpu.memory_space<semaphore_mem>>)
        %dma_wait3A_2231 = arith.constant 0 : i32
        %dma_wait3A_2232 = tpu.memref_slice %arg6[%add3A_89, %dma_wait3A_2231] : memref<204800x128xf32, #tpu.memory_space<hbm>> -> memref<640x128xf32, #tpu.memory_space<hbm>>
        %dma_wait3A_2233 = arith.constant 0 : i32
        %dma_wait3A_2234 = tpu.memref_slice %arg6[%add3A_89, %dma_wait3A_2233] : memref<204800x128xf32, #tpu.memory_space<hbm>> -> memref<640x128xf32, #tpu.memory_space<hbm>>
        tpu.wait_dma2 semaphore(%run_scoped3A : memref<!tpu.dma_semaphore, #tpu.memory_space<semaphore_mem>>) src(%arg13 : memref<640x128xf32, #tpu.memory_space<vmem>>) dst(%dma_wait3A_2234 : memref<640x128xf32, #tpu.memory_space<hbm>>)
        tpu.yield
      }) : () -> ()
      %mul3A_2221 = arith.constant 640 : i32
      %mul3A_2222 = arith.muli %scan3A_86, %mul3A_2221 : i32
      %add3A_2223 = arith.addi %mul3A_58, %mul3A_2222 : i32
      "tpu.region"() ({
        %run_scoped3A = tpu.sem_alloc : memref<!tpu.dma_semaphore, #tpu.memory_space<semaphore_mem>>
        %dma_start3A_2227 = tpu.memref_slice %arg7[%add3A_2223, %mul3A_78] : memref<51200x128xf32, #tpu.memory_space<hbm>> -> memref<640x32xf32, #tpu.memory_space<hbm>>
        %dma_start3A_2228 = tpu.memref_slice %arg7[%add3A_2223, %mul3A_78] : memref<51200x128xf32, #tpu.memory_space<hbm>> -> memref<640x32xf32, #tpu.memory_space<hbm>>
        tpu.enqueue_dma source(%arg14 : memref<640x32xf32, #tpu.memory_space<vmem>>) target(%dma_start3A_2228 : memref<640x32xf32, #tpu.memory_space<hbm>>) target_semaphore(%run_scoped3A : memref<!tpu.dma_semaphore, #tpu.memory_space<semaphore_mem>>)
        %dma_wait3A_2229 = tpu.memref_slice %arg7[%add3A_2223, %mul3A_78] : memref<51200x128xf32, #tpu.memory_space<hbm>> -> memref<640x32xf32, #tpu.memory_space<hbm>>
        %dma_wait3A_2230 = tpu.memref_slice %arg7[%add3A_2223, %mul3A_78] : memref<51200x128xf32, #tpu.memory_space<hbm>> -> memref<640x32xf32, #tpu.memory_space<hbm>>
        tpu.wait_dma2 semaphore(%run_scoped3A : memref<!tpu.dma_semaphore, #tpu.memory_space<semaphore_mem>>) src(%arg14 : memref<640x32xf32, #tpu.memory_space<vmem>>) dst(%dma_wait3A_2230 : memref<640x32xf32, #tpu.memory_space<hbm>>)
        tpu.yield
      }) : () -> ()
      %mul3A_2224 = arith.constant 640 : i32
      %mul3A_2225 = arith.muli %scan3A_86, %mul3A_2224 : i32
      %add3A_2226 = arith.addi %mul3A_76, %mul3A_2225 : i32
      "tpu.region"() ({
        %run_scoped3A = tpu.sem_alloc : memref<!tpu.dma_semaphore, #tpu.memory_space<semaphore_mem>>
        %dma_start3A_2227 = tpu.memref_slice %arg8[%add3A_2226, %mul3A_80] : memref<12800x128xf32, #tpu.memory_space<hbm>> -> memref<640x8xf32, #tpu.memory_space<hbm>>
        %dma_start3A_2228 = tpu.memref_slice %arg8[%add3A_2226, %mul3A_80] : memref<12800x128xf32, #tpu.memory_space<hbm>> -> memref<640x8xf32, #tpu.memory_space<hbm>>
        tpu.enqueue_dma source(%arg15 : memref<640x8xf32, #tpu.memory_space<vmem>>) target(%dma_start3A_2228 : memref<640x8xf32, #tpu.memory_space<hbm>>) target_semaphore(%run_scoped3A : memref<!tpu.dma_semaphore, #tpu.memory_space<semaphore_mem>>)
        %dma_wait3A_2229 = tpu.memref_slice %arg8[%add3A_2226, %mul3A_80] : memref<12800x128xf32, #tpu.memory_space<hbm>> -> memref<640x8xf32, #tpu.memory_space<hbm>>
        %dma_wait3A_2230 = tpu.memref_slice %arg8[%add3A_2226, %mul3A_80] : memref<12800x128xf32, #tpu.memory_space<hbm>> -> memref<640x8xf32, #tpu.memory_space<hbm>>
        tpu.wait_dma2 semaphore(%run_scoped3A : memref<!tpu.dma_semaphore, #tpu.memory_space<semaphore_mem>>) src(%arg15 : memref<640x8xf32, #tpu.memory_space<vmem>>) dst(%dma_wait3A_2230 : memref<640x8xf32, #tpu.memory_space<hbm>>)
        tpu.yield
      }) : () -> ()
    }
    %scan3A_85 = arith.constant 10 : i32
    return
  }
}

module attributes {stable_mosaic.version = 14 : i64} {
  func.func @body(%arg0: i32, %arg1: i32, %arg2: memref<6400x1xi8, #tpu.memory_space<vmem>>, %arg3: memref<6400x128xf32, #tpu.memory_space<vmem>>, %arg4: memref<6400x128xf32, #tpu.memory_space<vmem>>, %arg5: memref<6400x128xf32, #tpu.memory_space<vmem>>, %arg6: memref<128x128xf32, #tpu.memory_space<vmem>>, %arg7: memref<128x128xf32, #tpu.memory_space<vmem>>, %arg8: memref<128x128xf32, #tpu.memory_space<vmem>>, %arg9: memref<6400x128xf32, #tpu.memory_space<vmem>>) attributes {dimension_semantics = [#tpu.dimension_semantics<arbitrary>, #tpu.dimension_semantics<arbitrary>], iteration_bounds = array<i64: 8, 4>, scalar_prefetch = 0 : i64, scratch_operands = 0 : i64, tpu.core_type = #tpu.core_type<tc>, window_params = [{transform_indices = @transform_0, window_bounds = array<i64: 6400, 1>}, {transform_indices = @transform_1, window_bounds = array<i64: 6400, 128>}, {transform_indices = @transform_2, window_bounds = array<i64: 6400, 128>}, {transform_indices = @transform_3, window_bounds = array<i64: 6400, 128>}, {pipeline_mode = #tpu.pipeline_mode<synchronous>, transform_indices = @transform_4, window_bounds = array<i64: 128, 128>}, {pipeline_mode = #tpu.pipeline_mode<synchronous>, transform_indices = @transform_5, window_bounds = array<i64: 128, 128>}, {pipeline_mode = #tpu.pipeline_mode<synchronous>, transform_indices = @transform_6, window_bounds = array<i64: 128, 128>}, {transform_indices = @transform_7, window_bounds = array<i64: 6400, 128>}]} {
    %mul3A = arith.constant 4 : i32
    %mul3A_0 = arith.muli %mul3A, %arg1 : i32
    %jit3A = arith.constant 2 : i32
    %div3A = arith.divsi %arg0, %jit3A : i32
    %sign3A = arith.constant 0 : i32
    %sign3A_1 = arith.cmpi sgt, %arg0, %sign3A : i32
    %sign3A_2 = arith.extui %sign3A_1 : i1 to i32
    %sign3A_3 = arith.constant 0 : i32
    %sign3A_4 = arith.cmpi slt, %arg0, %sign3A_3 : i32
    %sign3A_5 = arith.extui %sign3A_4 : i1 to i32
    %sign3A_6 = arith.subi %sign3A_2, %sign3A_5 : i32
    %sign3A_7 = arith.constant 0 : i32
    %sign3A_8 = arith.cmpi sgt, %jit3A, %sign3A_7 : i32
    %sign3A_9 = arith.extui %sign3A_8 : i1 to i32
    %sign3A_10 = arith.constant 0 : i32
    %sign3A_11 = arith.cmpi slt, %jit3A, %sign3A_10 : i32
    %sign3A_12 = arith.extui %sign3A_11 : i1 to i32
    %sign3A_13 = arith.subi %sign3A_9, %sign3A_12 : i32
    %ne3A = arith.cmpi ne, %sign3A_6, %sign3A_13 : i32
    %rem3A = arith.remsi %arg0, %jit3A : i32
    %ne3A_14 = arith.constant 0 : i32
    %ne3A_15 = arith.cmpi ne, %rem3A, %ne3A_14 : i32
    %and3A = arith.andi %ne3A, %ne3A_15 : i1
    %sub3A = arith.constant 1 : i32
    %sub3A_16 = arith.subi %div3A, %sub3A : i32
    %select_n3A = arith.select %and3A, %sub3A_16, %div3A : i32
    %add3A = arith.addi %mul3A_0, %select_n3A : i32
    %iota3A = tpu.iota {dimensions = array<i32: 0>} : vector<128x1xi32>
    %mul3A_17 = arith.constant 32 : i32
    %mul3A_18 = arith.muli %mul3A_17, %arg1 : i32
    %ge3A = vector.broadcast %mul3A_18 : i32 to vector<128x1xi32>
    %ge3A_19 = arith.cmpi sge, %iota3A, %ge3A : vector<128x1xi32>
    %mul3A_20 = arith.constant 32 : i32
    %mul3A_21 = arith.muli %mul3A_20, %arg1 : i32
    %add3A_22 = arith.constant 32 : i32
    %add3A_23 = arith.addi %mul3A_21, %add3A_22 : i32
    %lt3A = vector.broadcast %add3A_23 : i32 to vector<128x1xi32>
    %lt3A_24 = arith.cmpi slt, %iota3A, %lt3A : vector<128x1xi32>
    %and3A_25 = arith.andi %ge3A_19, %lt3A_24 : vector<128x1xi1>
    %get3A = arith.constant 0 : index
    %get3A_26 = arith.constant 0 : index
    %get3A_27 = vector.load %arg7[%get3A, %get3A_26] : memref<128x128xf32, #tpu.memory_space<vmem>>, vector<128x128xf32>
    %jit3A_28 = arith.constant 0.000000e+00 : f32
    %broadcast_in_dim3A = vector.shape_cast %and3A_25 : vector<128x1xi1> to vector<128x1xi1>
    %broadcast_in_dim3A_29 = vector.broadcast %broadcast_in_dim3A : vector<128x1xi1> to vector<128x128xi1>
    %broadcast_in_dim3A_30 = vector.broadcast %jit3A_28 : f32 to vector<128x128xf32>
    %select_n3A_31 = arith.select %broadcast_in_dim3A_29, %get3A_27, %broadcast_in_dim3A_30 : vector<128x128xi1>, vector<128x128xf32>
    %mul3A_32 = arith.constant 8 : i32
    %mul3A_33 = arith.muli %mul3A_32, %add3A : i32
    %ge3A_34 = vector.broadcast %mul3A_33 : i32 to vector<128x1xi32>
    %ge3A_35 = arith.cmpi sge, %iota3A, %ge3A_34 : vector<128x1xi32>
    %mul3A_36 = arith.constant 8 : i32
    %mul3A_37 = arith.muli %mul3A_36, %add3A : i32
    %add3A_38 = arith.constant 8 : i32
    %add3A_39 = arith.addi %mul3A_37, %add3A_38 : i32
    %lt3A_40 = vector.broadcast %add3A_39 : i32 to vector<128x1xi32>
    %lt3A_41 = arith.cmpi slt, %iota3A, %lt3A_40 : vector<128x1xi32>
    %and3A_42 = arith.andi %ge3A_35, %lt3A_41 : vector<128x1xi1>
    %get3A_43 = arith.constant 0 : index
    %get3A_44 = arith.constant 0 : index
    %get3A_45 = vector.load %arg8[%get3A_43, %get3A_44] : memref<128x128xf32, #tpu.memory_space<vmem>>, vector<128x128xf32>
    %jit3A_46 = arith.constant 0.000000e+00 : f32
    %broadcast_in_dim3A_47 = vector.shape_cast %and3A_42 : vector<128x1xi1> to vector<128x1xi1>
    %broadcast_in_dim3A_48 = vector.broadcast %broadcast_in_dim3A_47 : vector<128x1xi1> to vector<128x128xi1>
    %broadcast_in_dim3A_49 = vector.broadcast %jit3A_46 : f32 to vector<128x128xf32>
    %select_n3A_50 = arith.select %broadcast_in_dim3A_48, %get3A_45, %broadcast_in_dim3A_49 : vector<128x128xi1>, vector<128x128xf32>
    %get3A_51 = arith.constant 0 : index
    %get3A_52 = arith.constant 0 : index
    %get3A_53 = vector.load %arg3[%get3A_51, %get3A_52] : memref<6400x128xf32, #tpu.memory_space<vmem>>, vector<6400x128xf32>
    %get3A_54 = arith.constant 0 : index
    %get3A_55 = arith.constant 0 : index
    %get3A_56 = vector.load %arg6[%get3A_54, %get3A_55] : memref<128x128xf32, #tpu.memory_space<vmem>>, vector<128x128xf32>
    %dot_general3A = arith.constant dense<0.000000e+00> : vector<6400x128xf32>
    %dot_general3A_57 = tpu.matmul %get3A_53, %get3A_56, %dot_general3A {dimension_numbers = #tpu.dot_dimension_numbers<[1], [0], [0], [1], [0, 0, 1, 1], [], []>, transpose_lhs_hint = false} : vector<6400x128xf32>, vector<128x128xf32>, vector<6400x128xf32> -> vector<6400x128xf32>
    %get3A_58 = arith.constant 0 : index
    %get3A_59 = arith.constant 0 : index
    %get3A_60 = vector.load %arg4[%get3A_58, %get3A_59] : memref<6400x128xf32, #tpu.memory_space<vmem>>, vector<6400x128xf32>
    %dot_general3A_61 = arith.constant dense<0.000000e+00> : vector<6400x128xf32>
    %dot_general3A_62 = tpu.matmul %get3A_60, %select_n3A_31, %dot_general3A_61 {dimension_numbers = #tpu.dot_dimension_numbers<[1], [0], [0], [1], [0, 0, 1, 1], [], []>, transpose_lhs_hint = false} : vector<6400x128xf32>, vector<128x128xf32>, vector<6400x128xf32> -> vector<6400x128xf32>
    %get3A_63 = arith.constant 0 : index
    %get3A_64 = arith.constant 0 : index
    %get3A_65 = vector.load %arg5[%get3A_63, %get3A_64] : memref<6400x128xf32, #tpu.memory_space<vmem>>, vector<6400x128xf32>
    %dot_general3A_66 = arith.constant dense<0.000000e+00> : vector<6400x128xf32>
    %dot_general3A_67 = tpu.matmul %get3A_65, %select_n3A_50, %dot_general3A_66 {dimension_numbers = #tpu.dot_dimension_numbers<[1], [0], [0], [1], [0, 0, 1, 1], [], []>, transpose_lhs_hint = false} : vector<6400x128xf32>, vector<128x128xf32>, vector<6400x128xf32> -> vector<6400x128xf32>
    %get3A_68 = arith.constant 0 : index
    %get3A_69 = arith.constant 0 : index
    %get3A_70 = vector.load %arg2[%get3A_68, %get3A_69] : memref<6400x1xi8, #tpu.memory_space<vmem>>, vector<6400x1xi8>
    %convert_element_type3A = arith.extsi %get3A_70 : vector<6400x1xi8> to vector<6400x1xi32>
    %eq3A = arith.constant 0 : i32
    %eq3A_71 = vector.broadcast %eq3A : i32 to vector<6400x1xi32>
    %eq3A_72 = arith.cmpi eq, %convert_element_type3A, %eq3A_71 : vector<6400x1xi32>
    %eq3A_73 = arith.constant 1 : i32
    %eq3A_74 = vector.broadcast %eq3A_73 : i32 to vector<6400x1xi32>
    %eq3A_75 = arith.cmpi eq, %convert_element_type3A, %eq3A_74 : vector<6400x1xi32>
    %broadcast_in_dim3A_76 = vector.shape_cast %eq3A_75 : vector<6400x1xi1> to vector<6400x1xi1>
    %broadcast_in_dim3A_77 = vector.broadcast %broadcast_in_dim3A_76 : vector<6400x1xi1> to vector<6400x128xi1>
    %select_n3A_78 = arith.select %broadcast_in_dim3A_77, %dot_general3A_62, %dot_general3A_67 : vector<6400x128xi1>, vector<6400x128xf32>
    %broadcast_in_dim3A_79 = vector.shape_cast %eq3A_72 : vector<6400x1xi1> to vector<6400x1xi1>
    %broadcast_in_dim3A_80 = vector.broadcast %broadcast_in_dim3A_79 : vector<6400x1xi1> to vector<6400x128xi1>
    %select_n3A_81 = arith.select %broadcast_in_dim3A_80, %dot_general3A_57, %select_n3A_78 : vector<6400x128xi1>, vector<6400x128xf32>
    %swap3A = arith.constant 0 : index
    %swap3A_82 = arith.constant 0 : index
    %swap3A_83 = vector.load %arg9[%swap3A, %swap3A_82] : memref<6400x128xf32, #tpu.memory_space<vmem>>, vector<6400x128xf32>
    tpu.vector_store %arg9[%swap3A, %swap3A_82], %select_n3A_81 {strides = array<i32>} : memref<6400x128xf32, #tpu.memory_space<vmem>>, vector<6400x128xf32>,
    return
  }
  func.func @transform_0(%arg0: i32, %arg1: i32) -> (i32, i32) {
    %mul3A = arith.constant 8 : i32
    %mul3A_0 = arith.muli %arg1, %mul3A : i32
    %add3A = arith.addi %mul3A_0, %arg0 : i32
    %c0_i32 = arith.constant 0 : i32
    %c0_i32_1 = arith.constant 0 : i32
    return %add3A, %c0_i32 : i32, i32
  }
  func.func @transform_1(%arg0: i32, %arg1: i32) -> (i32, i32) {
    %mul3A = arith.constant 8 : i32
    %mul3A_0 = arith.muli %arg1, %mul3A : i32
    %add3A = arith.addi %mul3A_0, %arg0 : i32
    %c0_i32 = arith.constant 0 : i32
    %c0_i32_1 = arith.constant 0 : i32
    return %add3A, %c0_i32 : i32, i32
  }
  func.func @transform_2(%arg0: i32, %arg1: i32) -> (i32, i32) {
    %c0_i32 = arith.constant 0 : i32
    %c0_i32_0 = arith.constant 0 : i32
    return %arg0, %c0_i32 : i32, i32
  }
  func.func @transform_3(%arg0: i32, %arg1: i32) -> (i32, i32) {
    %jit3A = arith.constant 2 : i32
    %eq3A = arith.constant 0 : i32
    %eq3A_0 = arith.cmpi eq, %jit3A, %eq3A : i32
    %jit3A_1 = arith.constant 1 : i32
    %select_n3A = arith.select %eq3A_0, %jit3A_1, %jit3A : i32
    %rem3A = arith.remsi %arg0, %select_n3A : i32
    %ne3A = arith.constant 0 : i32
    %ne3A_2 = arith.cmpi ne, %rem3A, %ne3A : i32
    %lt3A = arith.constant 0 : i32
    %lt3A_3 = arith.cmpi slt, %rem3A, %lt3A : i32
    %lt3A_4 = arith.constant 0 : i32
    %lt3A_5 = arith.cmpi slt, %select_n3A, %lt3A_4 : i32
    %ne3A_6 = arith.xori %lt3A_3, %lt3A_5 : i1
    %and3A = arith.andi %ne3A_6, %ne3A_2 : i1
    %add3A = arith.addi %rem3A, %select_n3A : i32
    %select_n3A_7 = arith.select %and3A, %add3A, %rem3A : i32
    %c0_i32 = arith.constant 0 : i32
    %c0_i32_8 = arith.constant 0 : i32
    return %select_n3A_7, %c0_i32 : i32, i32
  }
  func.func @transform_4(%arg0: i32, %arg1: i32) -> (i32, i32) {
    %c0_i32 = arith.constant 0 : i32
    %c0_i32_0 = arith.constant 0 : i32
    %c0_i32_1 = arith.constant 0 : i32
    return %c0_i32, %c0_i32_0 : i32, i32
  }
  func.func @transform_5(%arg0: i32, %arg1: i32) -> (i32, i32) {
    %c0_i32 = arith.constant 0 : i32
    %c0_i32_0 = arith.constant 0 : i32
    %c0_i32_1 = arith.constant 0 : i32
    return %c0_i32, %c0_i32_0 : i32, i32
  }
  func.func @transform_6(%arg0: i32, %arg1: i32) -> (i32, i32) {
    %c0_i32 = arith.constant 0 : i32
    %c0_i32_0 = arith.constant 0 : i32
    %c0_i32_1 = arith.constant 0 : i32
    return %c0_i32, %c0_i32_0 : i32, i32
  }
  func.func @transform_7(%arg0: i32, %arg1: i32) -> (i32, i32) {
    %mul3A = arith.constant 8 : i32
    %mul3A_0 = arith.muli %arg1, %mul3A : i32
    %add3A = arith.addi %mul3A_0, %arg0 : i32
    %c0_i32 = arith.constant 0 : i32
    %c0_i32_1 = arith.constant 0 : i32
    return %add3A, %c0_i32 : i32, i32
  }
}

</mosaic_0001>

<sc_bundles>
// kernel: kernel.4.cloned.1.call-start
scs
__scs_entry_jumppad:
0x0: {  	(pc) =	sbr.rel $0x88, $3  }
0x1: {  	(tag) =	ssettag $0x0;
	lr =	simm.s32 $0x1  }
0x2: {  	[smem:$0x3F9A] =	sst lr;
	_ =	strace $0xD0000000  }
0x3: {  	_ = 	snop  }
0x4: {  	_ = 	snop  }
0x5: {  	_ = 	snop  }
0x6: {  	_ = 	snop  }
0x7: {  	_ = 	snop  }
__scs_overlays_trampoline_lowered:
0x8: {  	[smem:$0x3FA9] =	sst s0  }
0x9: {  	[smem:$0x3FAA] =	sst s1  }
0xa: {  	[smem:$0x3FAB] =	sst s2  }
0xb: {  	[smem:$0x3FAC] =	sst s3  }
0xc: {  	[smem:$0x3FAD] =	sst s4  }
0xd: {  	[smem:$0x3FAE] =	sst s5  }
0xe: {  	[smem:$0x3FAF] =	sst s6  }
0xf: {  	[smem:$0x3FB0] =	sst s7  }
0x10: {  	[smem:$0x3FB1] =	sst s8  }
0x11: {  	[smem:$0x3FB2] =	sst s9;
	s0 =	simm.s32 @!p0 $0x0  }
0x12: {  	s1 =	sld [smem:$0x3F98];
	s0 =	simm.s32 @p0 $0x1  }
0x13: {  	[smem:$0x3FB3] =	sst s0;
	s0 =	simm.s32 @!p1 $0x0  }
0x14: {  	s2 =	sld [smem:$0x3F97];
	s0 =	simm.s32 @p1 $0x1  }
0x15: {  	[smem:$0x3FB4] =	sst s0;
	s0 =	simm.s32 @!p2 $0x0  }
0x16: {  	s3 =	sld [smem:$0x3FDB];
	s0 =	simm.s32 @p2 $0x1  }
0x17: {  	s4 =	simm.s32 $0x1BF5;
	[smem:$0x3FB6] =	sst s0  }
0x18: {  	s0 =	sld [smem:$0x3F99];
	_ =	swait.ge [sflag:s4], $0x0  }
0x19: {  	s7 =	sld [smem:$0x3F9A]  }
0x1a: {  	s8 =	sadd.s32 $0xFFFFE003, lr  }
0x1b: {  	s9 =	sadd.s32 $0xFFFFFEF7, lr;
	s5 =	simm.s32 $0xFFFFFFFF;
	p2 =	slt.u32 s8, $0xFFFFF086  }
0x1c: {  	p1 =	slt.u32 s9, $0xF7A;
	s5 =	simm.s32 @!p2 $0x0  }
0x1d: {  	s5 =	simm.s32 @p1 $0x1;
	p0 =	seq.s32 s7, s2  }
0x1e: {  	s7 =	smul.u32 @!p0 $0xF7A, s2;
	p2 =	seq.s32 @!p0 s5, $0x0  }
0x1f: {  	s9 =	smul.u32 $0xF7A, s1;
	s8 =	simm.s32 @!p0 $0x1BF5;
	p2 =	por !p2, p0  }
0x20: {  	[sflag:s8] =	ssyncset.s32 @!p0 $0xFFFFF086;
	s6 =	sadd.s32 @!p0 s3, s7;
	s7 =	simm.s32 @!p0 $0x108  }
0x21: {  	s3 =	sadd.s32 s3, s9;
	s6 =	sadd.s32 @!p0 $0x88, s6;
	s7 =	simm.s32 @p2 $0x1082  }
0x22: {  	[simem:s7], [sflag:s8] =	dma.local @!p0 [hbm:s6], $0xF7A  }
0x23: {  	s9 =	sor.u32 $0xD0000000, s2;
	s6 =	simm.s32 $0x108;
	_ =	swait.ge @!p0 [sflag:s8], $0x0  }
0x24: {  	s3 =	sadd.s32 $0x88, s3;
	s6 =	simm.s32 @!p1 $0x1082;
	[sflag:s4] =	ssyncset.s32 $0xFFFFF086  }
0x25: {  	[simem:s6], [sflag:s4] =	dma.local [hbm:s3], $0xF7A  }
0x26: {  	[smem:$0x3F9A] =	sst s1;
	(tag) =	ssettag s2;
	_ =	strace s9  }
0x27: {  	s1 =	sld [smem:$0x3FAA]  }
0x28: {  	s2 =	sld [smem:$0x3FAB]  }
0x29: {  	s4 =	sld [smem:$0x3FAD]  }
0x2a: {  	p0 =	seq.s32 s5, $0x0;
	s5 =	sld [smem:$0x3FAE]  }
0x2b: {  	s6 =	sld [smem:$0x3FAF]  }
0x2c: {  	s7 =	sld [smem:$0x3FB0]  }
0x2d: {  	s3 =	simm.s32 $0x108;
	s8 =	sld [smem:$0x3FB1]  }
0x2e: {  	s3 =	simm.s32 @!p0 $0x1082;
	s9 =	sld [smem:$0x3FB2]  }
0x2f: {  	lr =	sadd.s32 s0, s3;
	s0 =	sld [smem:$0x3FA9]  }
0x30: {  	s3 =	sld [smem:$0x3FAC]  }
0x31: {  	[smem:$0x3FB5] =	sst s10  }
0x32: {  	s10 =	sld [smem:$0x3FB3];
	_ =	sdelay $0x3  }
0x33: {  	p0 =	seq.s32 s10, $0x1;
	s10 =	sld [smem:$0x3FB5];
	_ =	sdelay $0x3  }
0x34: {  	[smem:$0x3FB5] =	sst s10  }
0x35: {  	s10 =	sld [smem:$0x3FB4];
	_ =	sdelay $0x3  }
0x36: {  	p1 =	seq.s32 s10, $0x1;
	s10 =	sld [smem:$0x3FB5];
	_ =	sdelay $0x3  }
0x37: {  	[smem:$0x3FB5] =	sst s10  }
0x38: {  	s10 =	sld [smem:$0x3FB6]  }
0x39: {  	_ = 	snop;
	(pc) =	sbr.ind lr, $3  }
0x3a: {  	_ = 	snop  }
0x3b: {  	_ = 	snop  }
0x3c: {  	p2 =	seq.s32 s10, $0x1;
	s10 =	sld [smem:$0x3FB5]  }
0x3d: {  	_ =	shalt  }
0x3e: {  	_ =	shalt  }
0x3f: {  	_ =	shalt  }
0x40: {  	_ =	shalt  }
0x41: {  	_ =	shalt  }
0x42: {  	_ =	shalt  }
0x43: {  	_ =	shalt  }
0x44: {  	_ =	shalt  }
0x45: {  	_ =	shalt  }
0x46: {  	_ =	shalt  }
0x47: {  	_ =	shalt  }
0x48: {  	_ =	shalt  }
0x49: {  	_ =	shalt  }
0x4a: {  	_ =	shalt  }
0x4b: {  	_ =	shalt  }
0x4c: {  	_ =	shalt  }
0x4d: {  	_ =	shalt  }
0x4e: {  	_ =	shalt  }
0x4f: {  	_ =	shalt  }
0x50: {  	_ =	shalt  }
0x51: {  	_ =	shalt  }
0x52: {  	_ =	shalt  }
0x53: {  	_ =	shalt  }
0x54: {  	_ =	shalt  }
0x55: {  	_ =	shalt  }
0x56: {  	_ =	shalt  }
0x57: {  	_ =	shalt  }
0x58: {  	_ =	shalt  }
0x59: {  	_ =	shalt  }
0x5a: {  	_ =	shalt  }
0x5b: {  	_ =	shalt  }
0x5c: {  	_ =	shalt  }
0x5d: {  	_ =	shalt  }
0x5e: {  	_ =	shalt  }
0x5f: {  	_ =	shalt  }
0x60: {  	_ =	shalt  }
0x61: {  	_ =	shalt  }
0x62: {  	_ =	shalt  }
0x63: {  	_ =	shalt  }
0x64: {  	_ =	shalt  }
0x65: {  	_ =	shalt  }
0x66: {  	_ =	shalt  }
0x67: {  	_ =	shalt  }
0x68: {  	_ =	shalt  }
0x69: {  	_ =	shalt  }
0x6a: {  	_ =	shalt  }
0x6b: {  	_ =	shalt  }
0x6c: {  	_ =	shalt  }
0x6d: {  	_ =	shalt  }
0x6e: {  	_ =	shalt  }
0x6f: {  	_ =	shalt  }
0x70: {  	_ =	shalt  }
0x71: {  	_ =	shalt  }
0x72: {  	_ =	shalt  }
0x73: {  	_ =	shalt  }
0x74: {  	_ =	shalt  }
0x75: {  	_ =	shalt  }
0x76: {  	_ =	shalt  }
0x77: {  	_ =	shalt  }
0x78: {  	_ =	shalt  }
0x79: {  	_ =	shalt  }
0x7a: {  	_ =	shalt  }
0x7b: {  	_ =	shalt  }
0x7c: {  	_ =	shalt  }
0x7d: {  	_ =	shalt  }
0x7e: {  	_ =	shalt  }
0x7f: {  	_ =	shalt  }
0x80: {  	_ =	shalt  }
0x81: {  	_ =	shalt  }
0x82: {  	_ =	shalt  }
0x83: {  	_ =	shalt  }
0x84: {  	_ =	shalt  }
0x85: {  	_ =	shalt  }
0x86: {  	_ =	shalt  }
0x87: {  	_ =	shalt  }
.Lfunc_end0:
.L_simem_size_0:
called_computation_lowered:
.L_overlay_start_0:
0x88: {  	s2 =	sld [smem:$0x3FD9]  }
0x89: {  	s3 =	sld [smem:$0x3FFE];
	_ =	sdelay $0x1  }
0x8a: {  	s1 =	srdreg.scid  }
0x8b: {  	s0 =	sand.u32 $0x1, s1  }
0x8c: {  	s17 =	sshll.u32 s0, $0xA;
	s2 =	sadd.s32 s3, s2  }
0x8d: {  	s2 =	sadd.s32 s2, s17  }
0x8e: {  	[smem:$0x3FC1] =	sst s2  }
0x8f: {  	_ = 	snop  }
0x90: {  	s2 =	sld [smem:$0x3FC8]  }
0x91: {  	s18 =	sld [smem:$0x3FD0];
	(tm) =	ssettm $0x1  }
0x92: {  	s4 =	sld [smem:$0x3FFB];
	_ =	sdelay $0x3  }
0x93: {  	_ =	strace s4  }
0x94: {  	s4 =	sld [smem:$0x3FFC];
	_ =	sdelay $0x3  }
0x95: {  	_ =	strace s4  }
0x96: {  	s4 =	sld [smem:$0x3FFD];
	_ =	sdelay $0x3  }
0x97: {  	_ =	strace s4  }
0x98: {  	_ =	strace $0x8FFFFFFF  }
0x99: {  	s19 =	sld [smem:$0x3FDB];
	_ =	sdelay $0x1  }
0x9a: {  	s5 =	simm.s32 $_scs_section_size  }
0x9b: {  	s6 =	simm.s32 $_size__tile_overlayer_lowered;
	s7 =	simm.s32 $_tile_overlayer_lowered  }
0x9c: {  	s22 =	simm.s32 $0x1BFF;
	s21 =	sshll.u32 s7, $0x1;
	s4 =	sadd.s32 s5, s19  }
0x9d: {  	s8 =	simm.s32 $0x0;
	s20 =	sshll.u32 s6, $0x1;
	s6 =	sadd.s32 s21, s4  }
0x9e: {  	[timem:s8], [sflag:s22] =	dma.local [hbm:s6], s20  }
0x9f: {  	_ =	swait.ge [sflag:s22], s20  }
0xa0: {  	s5 =	ssub.s32 $0x0, s20;
	[sflag:s22] =	ssyncset.done $0x0  }
0xa1: {  	[sflag:s22] =	ssyncadd.s32 s5;
	_ =	sdelay $0x1  }
0xa2: {  	s23 =	simm.s32 $0x1B8B  }
0xa3: {  	_ =	swait.ge [sflag:s23], $0x1  }
0xa4: {  	[sflag:s23] =	ssyncset.done $0x0  }
0xa5: {  	s25 =	simm.s32 $0x1B8E;
	s24 =	sld [smem:$0x3FFE];
	[sflag:s23] =	ssyncadd.s32 $0xFFFFFFFF  }
0xa6: {  	s26 =	simm.s32 $execute0_lowered;
	[smem:$0x3FD2] =	sst s25  }
0xa7: {  	s6 =	sshll.u32 s26, $0x1;
	_ =	strace $0x80000046;
	[dreg:$0x1] =	wrdreg $0xFFFFFFFF  }
0xa8: {  	s28 =	simm.s32 $_size_execute0_lowered;
	s4 =	sadd.s32 s4, s6;
	[dreg:$0x0] =	wrdreg $0x0  }
0xa9: {  	s6 =	sshll.u32 s28, $0x1;
	[dreg:$0x2] =	wrdreg s4  }
0xaa: {  	[dreg:$0x3] =	wrdreg s6  }
0xab: {  	[dreg:$0x4] =	wrdreg $0xC0  }
0xac: {  	_ =	task [dreg:s8], $0x5FFFF  }
0xad: {  	[dreg:$0x1] =	wrdreg $0xFFFFFFFF  }
0xae: {  	[dreg:$0x0] =	wrdreg $0x60  }
0xaf: {  	[dreg:$0x2] =	wrdreg s24  }
0xb0: {  	[dreg:$0x3] =	wrdreg s2  }
0xb1: {  	[dreg:$0x4] =	wrdreg s18  }
0xb2: {  	[dreg:$0x5] =	wrdreg $0x9  }
0xb3: {  	_ =	task.clear_ibuf [dreg:s8], $0x6FFFF;
	_ =	strace $0x90000046  }
0xb4: {  	s29 =	simm.s32 $0x9;
	_ =	strace $0x80000048  }
0xb5: {  	_ =	swait.ge [sflag:s29], $0x1  }
0xb6: {  	[sflag:s29] =	ssyncadd.s32 $0xFFFFFFFF  }
0xb7: {  	_ =	strace $0x90000048  }
0xb8: {  	_ =	sfence  }
0xb9: {  	s30 =	sld [smem:$0x0];
	_ =	sdelay $0x2  }
0xba: {  	s31 =	sshll.u32 s1, $0xD;
	s1 =	sshrl.u32 s1, $0x2  }
0xbb: {  	s3 =	sand.u32 $0x4000, s31;
	s1 =	sadd.s32 s1, s30  }
0xbc: {  	s0 =	sor.u32 s3, s0;
	s1 =	sshll.u32 s1, $0x11  }
0xbd: {  	s0 =	sor.u32 s1, s0  }
0xbe: {  	s0 =	sadd.s32 $0x8F2B, s0  }
0xbf: {  	[sflag:s0] =	ssyncadd.remote.s32 $0x1  }
0xc0: {  	_ =	sfence.sel $0xFFFF  }
0xc1: {  	[dreg:$0x0] =	wrdreg $0xFFFFFFFF;
	(pc) =	sbr.abs _section_cstart, $3  }
0xc2: {  	[dreg:$0x1] =	wrdreg $0xFFFFFFFF  }
0xc3: {  	_ =	task.clear_ibuf [dreg:s8], $0x2FFFF;
	_ =	strace $0x9FFFFFFF  }
0xc4: {  	(tm) =	ssettm $0x7FFFFFFF  }
0xc5: {  	_ =	shalt  }
tec
execute0_lowered:
.L_overlay_start_1:
0x0: {  	(tag) =	ssettag $0x1  }
0x1: {  	s4 =	rddreg [dreg:$0x0]  }
0x2: {  	s0 =	rddreg [dreg:$0x1]  }
0x3: {  	s22 =	rddreg [dreg:$0x2];
	s3 =	srdreg.scid  }
0x4: {  	s1 =	stileid.u32;
	s2 =	simm.s32 $0x0;
	s12 =	simm.s32 $0x1  }
0x5: {  	s31 =	simm.s32 $0x500;
	s14 =	simm.s32 $0x780;
	s13 =	simm.s32 $0x14A00  }
0x6: {  	s15 =	simm.s32 $0x2;
	s17 =	simm.s32 $0x20;
	[dreg:$0x4] =	wrdreg s0  }
0x7: {  	s16 =	simm.s32 $0x3;
	s18 =	simm.s32 $0x8;
	[dreg:$0x7] =	wrdreg s22  }
0x8: {  	s0 =	rddreg [dreg:$0x3];
	s5 =	sand.u32 $0x1, s3;
	s23 =	smul.u32 $0x3200, s1  }
0x9: {  	[smem:$0x7FF] =	sst s2;
	s7 =	sshll.u32 s1, $0x1;
	s24 =	smul.u32 $0x32000, s1  }
0xa: {  	s10 =	sadd.s32 $0x1400, s4;
	s25 =	sadd.s32 $0xC36400, s4;
	s29 =	sand.u32 $0xC, s1  }
0xb: {  	s6 =	smul.u32 $0x1900, s5;
	_ =	strace $0x80000047;
	[dreg:$0x5] =	wrdreg s10  }
0xc: {  	s7 =	sor.u32 s5, s7;
	[dreg:$0x6] =	wrdreg s25;
	s26 =	ssub.s32 $0x2, s5  }
0xd: {  	p1 =	seq.s32 s5, $0x1;
	s10 =	simm.s32 $0x19000;
	[dreg:$0x8] =	wrdreg s31  }
0xe: {  	s11 =	smul.u32 $0x19000, s5;
	s5 =	simm.s32 $0x1;
	[dreg:$0x9] =	wrdreg s14  }
0xf: {  	s14 =	simm.s32 $0x19A00;
	[dreg:$0xa] =	wrdreg s17;
	s17 =	simm.s32 $0x80  }
0x10: {  	[dreg:$0xb] =	wrdreg s18;
	s18 =	simm.s32 $0x0;
	s8 =	sand.u32 $0x7, s7  }
0x11: {  	p0 =	seq.s32 s7, $0x0;
	s28 =	sshrl.u32 s26, $0x1;
	s10 =	simm.s32 @!p1 $0x0  }
0x12: {  	s3 =	sadd.s32 s6, s23;
	s8 =	smul.u32 $0x19000, s8;
	s6 =	sadd.s32 s24, s4  }
0x13: {  	p0 =	por !p0, !p1;
	s10 =	sor.u32 s10, s1;
	s9 =	sshrl.u32 s3, $0x3  }
0x14: {  	p0 =	por !p0, !p0;
	s30 =	sadd.s32 s11, s6;
	s11 =	simm.s32 $0x280  }
0x15: {  	s9 =	sadd.s32 s9, s4;
	s8 =	sadd.s32 s8, s4;
	s4 =	ssub.s32 s26, s28  }
0x16: {  	s12 =	simm.s32 @!p0 $0x0;
	s4 =	smax.u32 s4, $0x1;
	s7 =	sadd.s32 s29, s8  }
0x17: {  	s6 =	ssub.s32 s10, s12;
	s8 =	sadd.s32 $0xB7600, s30;
	s9 =	sadd.s32 $0xB1200, s9  }
0x18: {  	v0 =	vlaneseq.u32;
	s10 =	simm.s32 $0x4;
	s12 =	simm.s32 $0xA00;
	s7 =	sadd.s32 $0x3D7600, s7  }
.LBB2_1:
0x19: {  	s19 =	smov.u32 s9;
	s20 =	smov.u32 s8  }
0x1a: {  	s21 =	smov.u32 s7;
	s22 =	smov.u32 s6;
	s23 =	simm.s32 $0x0  }
.LBB2_2:
0x1b: {  	s24 =	sadd.s32 s23, s3  }
0x1c: {  	[tilespmem:s2], [sflag:$0x4] =	stream.linear.gather [hbm4b:s19+s2], $0x280, $0x38;
	v3 =	vor.u32 s24, v0;
	[tilespmem:$0x1AE00] =	vst v63  }
0x1d: {  	_ =	swait.ge [sflag:s10], $0x280;
	s25 =	sadd.s32 $0x10, s24;
	v5 =	vand.u32 $0x3F8F, v3  }
0x1e: {  	s26 =	sadd.s32 $0x20, s24;
	s28 =	sadd.s32 $0x30, s24;
	s29 =	sadd.s32 $0x40, s24;
	v6 =	vand.u32 $0x1FF8F, v3;
	v3 =	vand.u32 $0x7FF8F, v3;
	v23 =	vor.u32 s25, v0  }
0x1f: {  	s30 =	sadd.s32 $0x50, s24;
	s31 =	sadd.s32 $0x60, s24;
	[sflag:s10] =	ssyncset.done $0x0;
	v28 =	vor.u32 s26, v0;
	v33 =	vor.u32 s28, v0;
	v38 =	vor.u32 s29, v0  }
0x20: {  	v43 =	vor.u32 s30, v0;
	v48 =	vor.u32 s31, v0;
	[sflag:s10] =	ssyncadd.s32 $0xFFFFFD80;
	v25 =	vand.u32 $0x3F9F, v23  }
0x21: {  	v26 =	vand.u32 $0x1FF9F, v23;
	v30 =	vand.u32 $0x3FAF, v28;
	v31 =	vand.u32 $0x1FFAF, v28;
	v1 =	vld [tilespmem:$0x0]  }
0x22: {  	v35 =	vand.u32 $0x3FBF, v33;
	v36 =	vand.u32 $0x1FFBF, v33;
	v40 =	vand.u32 $0x3FCF, v38;
	v2 =	vld [tilespmem:$0x10]  }
0x23: {  	s26 =	sadd.s32 $0x70, s24;
	v41 =	vand.u32 $0x1FFCF, v38;
	v45 =	vand.u32 $0x3FDF, v43;
	v46 =	vand.u32 $0x1FFDF, v43;
	v27 =	vld [tilespmem:$0x30]  }
0x24: {  	s28 =	sadd.s32 $0x80, s24;
	s29 =	sadd.s32 $0x90, s24;
	v50 =	vand.u32 $0x3FEF, v48;
	v18 =	vand.u32 $0x1FFEF, v48;
	v52 =	vor.u32 s26, v0;
	v32 =	vld [tilespmem:$0x40]  }
0x25: {  	v56 =	vor.u32 s28, v0;
	v60 =	vor.u32 s29, v0;
	v37 =	vld [tilespmem:$0x50];
	v54 =	vand.u32 $0x3FFF, v52  }
0x26: {  	v42 =	vld [tilespmem:$0x60];
	v58 =	vand.u32 $0x3F8F, v56;
	v62 =	vand.u32 $0x3F9F, v60;
	vm0 =	vlt.s32 v1, $0x4E20  }
0x27: {  	v47 =	vld [tilespmem:$0x70];
	v4 =	vadd.s32 $0xFFFFB1E0, v1;
	vm2 =	vgt.s32 v1, $0x30D3F;
	v7 =	vadd.s32 $0xFFFCF2C0, v1  }
0x28: {  	v51 =	vld [tilespmem:$0x80];
	vm7 =	vlt.s32 v2, $0x4E20;
	v24 =	vadd.s32 $0xFFFFB1E0, v2;
	vm9 =	vgt.s32 v2, $0x30D3F  }
0x29: {  	v55 =	vld [tilespmem:$0x90];
	v8 =	vadd.s32 $0xFFFCF2C0, v2;
	vm13 =	vlt.s32 v27, $0x4E20;
	v34 =	vadd.s32 $0xFFFFB1E0, v27  }
0x2a: {  	vm15 =	vgt.s32 v27, $0x30D3F;
	v14 =	vadd.s32 $0xFFFCF2C0, v27;
	vm4 =	vlt.s32 v32, $0x4E20  }
0x2b: {  	v39 =	vadd.s32 $0xFFFFB1E0, v32;
	vm6 =	vgt.s32 v32, $0x30D3F;
	v16 =	vadd.s32 $0xFFFCF2C0, v32  }
0x2c: {  	v44 =	vadd.s32 $0xFFFFB1E0, v37;
	v17 =	vadd.s32 $0xFFFCF2C0, v37;
	v49 =	vadd.s32 $0xFFFFB1E0, v42  }
0x2d: {  	v22 =	vadd.s32 $0xFFFCF2C0, v42;
	v53 =	vadd.s32 $0xFFFFB1E0, v47;
	v57 =	vadd.s32 $0xFFFFB1E0, v51  }
0x2e: {  	v61 =	vadd.s32 $0xFFFFB1E0, v55;
	vm1 =	vlt.u32 v4, $0x2BF20;
	v19 =	vsel vm0, v1, v5  }
0x2f: {  	v1 =	vsel vm2, v7, v3;
	vm8 =	vlt.u32 v24, $0x2BF20;
	v20 =	vsel vm7, v2, v25  }
0x30: {  	v5 =	vand.u32 $0x7FFAF, v28;
	vm14 =	vlt.u32 v34, $0x2BF20;
	vm5 =	vlt.u32 v39, $0x2BF20  }
0x31: {  	s30 =	sadd.s32 $0xA0, s24;
	v7 =	vand.u32 $0x7FFCF, v38;
	v25 =	vsel vm4, v32, v40;
	vm7 =	vlt.s32 v37, $0x4E20  }
0x32: {  	vm4 =	vlt.s32 v51, $0x4E20;
	v32 =	vand.u32 $0x7FF8F, v56;
	v40 =	vor.u32 s30, v0  }
0x33: {  	v59 =	vld [tilespmem:$0xA0];
	v10 =	vsel vm1, v4, v6;
	v4 =	vand.u32 $0x7FF9F, v23;
	v11 =	vsel vm8, v24, v26  }
0x34: {  	v6 =	vand.u32 $0x7FFBF, v33;
	v24 =	vsel vm13, v27, v35;
	v13 =	vsel vm14, v34, v36  }
0x35: {  	v15 =	vsel vm5, v39, v41;
	vm8 =	vlt.u32 v44, $0x2BF20;
	v26 =	vsel vm7, v37, v45  }
0x36: {  	vm13 =	vlt.s32 v47, $0x4E20;
	v23 =	vand.u32 $0x1FFFF, v52;
	vm14 =	vlt.u32 v53, $0x2BF20  }
0x37: {  	v63 =	vld [tilespmem:$0xB0];
	vm5 =	vlt.u32 v57, $0x2BF20;
	vm7 =	vlt.s32 v55, $0x4E20;
	v33 =	vand.u32 $0x1FF9F, v60  }
0x38: {  	s31 =	sadd.s32 $0xB0, s24;
	s29 =	sadd.s32 $0xE0, s24;
	v34 =	vadd.s32 $0xFFFCF2C0, v55;
	v35 =	vand.u32 $0x7FF9F, v60;
	v41 =	vadd.s32 $0xFFFFB1E0, v59  }
0x39: {  	v36 =	vand.u32 $0x1FFAF, v40;
	[tilespmem:$0x780] =	vst v1;
	v1 =	vor.u32 s31, v0;
	v60 =	vor.u32 s29, v0  }
0x3a: {  	v3 =	vld [tilespmem:$0x20];
	v2 =	vsel vm9, v8, v4;
	v4 =	vsel vm15, v14, v6;
	vm9 =	vgt.s32 v37, $0x30D3F  }
0x3b: {  	v8 =	vand.u32 $0x7FFDF, v43;
	vm15 =	vgt.s32 v47, $0x30D3F;
	v14 =	vand.u32 $0x7FFFF, v52  }
0x3c: {  	s28 =	sadd.s32 $0xD0, s24;
	v28 =	vsel vm13, v47, v54;
	v37 =	vadd.s32 $0xFFFCF2C0, v59;
	vm13 =	vlt.s32 v63, $0x4E20  }
0x3d: {  	[tilespmem:$0x290] =	vst v20;
	v45 =	vand.u32 $0x3FBF, v1;
	v54 =	vor.u32 s28, v0;
	v6 =	vsel vm9, v17, v8  }
0x3e: {  	[tilespmem:$0x530] =	vst v13;
	vm9 =	vgt.s32 v55, $0x30D3F;
	v20 =	vsel vm13, v63, v45;
	v13 =	vand.u32 $0x7FFDF, v54  }
0x3f: {  	vm10 =	vlt.s32 v3, $0x4E20;
	v29 =	vadd.s32 $0xFFFFB1E0, v3;
	vm12 =	vgt.s32 v3, $0x30D3F  }
0x40: {  	v9 =	vadd.s32 $0xFFFCF2C0, v3;
	vm11 =	vlt.u32 v29, $0x2BF20;
	v21 =	vsel vm10, v3, v30  }
0x41: {  	v3 =	vsel vm12, v9, v5;
	v5 =	vsel vm6, v16, v7;
	v16 =	vsel vm8, v44, v46  }
0x42: {  	vm10 =	vlt.s32 v42, $0x4E20;
	vm12 =	vgt.s32 v42, $0x30D3F;
	v9 =	vand.u32 $0x7FFEF, v48  }
0x43: {  	v30 =	vand.u32 $0x1FF8F, v56;
	vm6 =	vgt.s32 v51, $0x30D3F;
	vm8 =	vlt.u32 v61, $0x2BF20  }
0x44: {  	v43 =	vld [tilespmem:$0xC0];
	v44 =	vadd.s32 $0xFFFFB1E0, v63;
	v46 =	vand.u32 $0x1FFBF, v1;
	v1 =	vand.u32 $0x7FFBF, v1  }
0x45: {  	v56 =	vand.u32 $0x3FDF, v54;
	v12 =	vsel vm11, v29, v31;
	vm11 =	vlt.u32 v49, $0x2BF20  }
0x46: {  	v27 =	vsel vm10, v42, v50;
	v7 =	vsel vm12, v22, v9;
	v29 =	vadd.s32 $0xFFFCF2C0, v47  }
0x47: {  	v31 =	vadd.s32 $0xFFFCF2C0, v51;
	v22 =	vsel vm5, v57, v30;
	v30 =	vsel vm7, v55, v62  }
0x48: {  	vm10 =	vlt.s32 v59, $0x4E20;
	v42 =	vand.u32 $0x3FAF, v40;
	vm12 =	vgt.s32 v59, $0x30D3F  }
0x49: {  	v47 =	vadd.s32 $0xFFFCF2C0, v63;
	v50 =	vadd.s32 $0xFFFFB1E0, v43;
	[tilespmem:$0x7A0] =	vst v3;
	v3 =	vadd.s32 $0xFFFCF2C0, v43  }
0x4a: {  	v57 =	vand.u32 $0x1FFDF, v54;
	[tilespmem:$0x7C0] =	vst v5;
	v62 =	vand.u32 $0x3FEF, v60;
	v5 =	vand.u32 $0x7FFEF, v60  }
0x4b: {  	v17 =	vsel vm11, v49, v18;
	v18 =	vsel vm14, v53, v23;
	v8 =	vsel vm15, v29, v14  }
0x4c: {  	[tilespmem:$0x280] =	vst v19;
	v29 =	vsel vm4, v51, v58;
	v9 =	vsel vm6, v31, v32;
	v23 =	vsel vm8, v61, v33  }
0x4d: {  	[tilespmem:$0x2C0] =	vst v25;
	v14 =	vsel vm9, v34, v35;
	vm11 =	vlt.u32 v41, $0x2BF20;
	v33 =	vand.u32 $0x7FFAF, v40  }
0x4e: {  	s26 =	sadd.s32 $0xC0, s24;
	[tilespmem:$0x500] =	vst v10;
	v31 =	vsel vm10, v59, v42;
	vm14 =	vlt.u32 v44, $0x2BF20;
	vm15 =	vgt.s32 v63, $0x30D3F  }
0x4f: {  	s31 =	sadd.s32 $0x100, s24;
	[tilespmem:$0x510] =	vst v11;
	v49 =	vor.u32 s26, v0;
	vm4 =	vlt.s32 v43, $0x4E20;
	vm5 =	vlt.u32 v50, $0x2BF20  }
0x50: {  	[tilespmem:$0x2B0] =	vst v24;
	vm6 =	vgt.s32 v43, $0x30D3F;
	v63 =	vand.u32 $0x1FFEF, v60;
	v42 =	vor.u32 s31, v0  }
0x51: {  	[tilespmem:$0x790] =	vst v2;
	v19 =	vsel vm11, v41, v36;
	v10 =	vsel vm12, v37, v33;
	v2 =	vsel vm14, v44, v46  }
0x52: {  	s30 =	sadd.s32 $0xF0, s24;
	v48 =	vld [tilespmem:$0xD0];
	[tilespmem:$0x2A0] =	vst v21;
	v1 =	vsel vm15, v47, v1;
	v51 =	vand.u32 $0x3FCF, v49;
	v52 =	vand.u32 $0x1FFCF, v49  }
0x53: {  	[tilespmem:$0x520] =	vst v12;
	v21 =	vand.u32 $0x7FFCF, v49;
	v36 =	vor.u32 s30, v0;
	v44 =	vand.u32 $0x3F8F, v42  }
0x54: {  	[tilespmem:$0x570] =	vst v18;
	v45 =	vand.u32 $0x1FF8F, v42;
	v18 =	vand.u32 $0x7FF8F, v42;
	v12 =	vsel vm4, v43, v51  }
0x55: {  	s29 =	sadd.s32 $0x130, s24;
	[tilespmem:$0x540] =	vst v15;
	v24 =	vsel vm5, v50, v52;
	v3 =	vsel vm6, v3, v21;
	v38 =	vand.u32 $0x3FFF, v36  }
0x56: {  	s31 =	sadd.s32 $0x150, s24;
	v39 =	vand.u32 $0x1FFFF, v36;
	v25 =	vand.u32 $0x7FFFF, v36;
	[tilespmem:$0x5B0] =	vst v2;
	v2 =	vor.u32 s29, v0  }
0x57: {  	[tilespmem:$0x7B0] =	vst v4;
	v53 =	vld [tilespmem:$0xE0];
	v36 =	vor.u32 s31, v0;
	vm7 =	vlt.s32 v48, $0x4E20;
	v55 =	vadd.s32 $0xFFFFB1E0, v48  }
0x58: {  	v59 =	vld [tilespmem:$0xF0];
	s30 =	sadd.s32 $0x140, s24;
	[tilespmem:$0x830] =	vst v1;
	vm9 =	vgt.s32 v48, $0x30D3F;
	v58 =	vadd.s32 $0xFFFCF2C0, v48;
	v1 =	vand.u32 $0x3FBF, v2  }
0x59: {  	v35 =	vld [tilespmem:$0x100];
	s26 =	sadd.s32 $0x110, s24;
	[tilespmem:$0x840] =	vst v3;
	v3 =	vor.u32 s30, v0;
	vm8 =	vlt.u32 v55, $0x2BF20;
	v4 =	vsel vm7, v48, v56  }
0x5a: {  	[tilespmem:$0x320] =	vst v31;
	v13 =	vsel vm9, v58, v13;
	v48 =	vor.u32 s26, v0;
	v31 =	vand.u32 $0x3FCF, v3  }
0x5b: {  	[tilespmem:$0x2D0] =	vst v26;
	v32 =	vand.u32 $0x1FFCF, v3;
	v3 =	vand.u32 $0x7FFCF, v3;
	v11 =	vsel vm8, v55, v57  }
0x5c: {  	[tilespmem:$0x2F0] =	vst v28;
	v60 =	vld [tilespmem:$0x140];
	vm10 =	vlt.s32 v53, $0x4E20;
	v61 =	vadd.s32 $0xFFFFB1E0, v53;
	vm12 =	vgt.s32 v53, $0x30D3F  }
0x5d: {  	[tilespmem:$0x7D0] =	vst v6;
	v34 =	vadd.s32 $0xFFFCF2C0, v53;
	vm13 =	vlt.s32 v59, $0x4E20;
	v37 =	vadd.s32 $0xFFFFB1E0, v59  }
0x5e: {  	[tilespmem:$0x330] =	vst v20;
	vm15 =	vgt.s32 v59, $0x30D3F;
	v40 =	vadd.s32 $0xFFFCF2C0, v59;
	vm4 =	vlt.s32 v35, $0x4E20  }
0x5f: {  	[tilespmem:$0x550] =	vst v16;
	v43 =	vadd.s32 $0xFFFFB1E0, v35;
	vm6 =	vgt.s32 v35, $0x30D3F;
	v46 =	vadd.s32 $0xFFFCF2C0, v35  }
0x60: {  	s28 =	sadd.s32 $0x120, s24;
	v41 =	vld [tilespmem:$0x110];
	[tilespmem:$0x800] =	vst v9;
	v50 =	vand.u32 $0x3F9F, v48;
	v51 =	vand.u32 $0x1FF9F, v48;
	v9 =	vand.u32 $0x7FF9F, v48  }
0x61: {  	[tilespmem:$0x310] =	vst v30;
	v47 =	vld [tilespmem:$0x120];
	v55 =	vor.u32 s28, v0;
	v30 =	vadd.s32 $0xFFFFB1E0, v60;
	v33 =	vadd.s32 $0xFFFCF2C0, v60  }
0x62: {  	[tilespmem:$0x2E0] =	vst v27;
	vm11 =	vlt.u32 v61, $0x2BF20;
	v6 =	vsel vm10, v53, v62;
	v5 =	vsel vm12, v34, v5  }
0x63: {  	v54 =	vld [tilespmem:$0x130];
	[tilespmem:$0x7E0] =	vst v7;
	vm14 =	vlt.u32 v37, $0x2BF20;
	v15 =	vsel vm13, v59, v38;
	v7 =	vsel vm15, v40, v25  }
0x64: {  	[tilespmem:$0x7F0] =	vst v8;
	vm5 =	vlt.u32 v43, $0x2BF20;
	v8 =	vsel vm4, v35, v44;
	v18 =	vsel vm6, v46, v18  }
0x65: {  	[tilespmem:$0x580] =	vst v22;
	vm7 =	vlt.s32 v41, $0x4E20;
	v49 =	vadd.s32 $0xFFFFB1E0, v41;
	vm9 =	vgt.s32 v41, $0x30D3F  }
0x66: {  	[tilespmem:$0x300] =	vst v29;
	v29 =	vld [tilespmem:$0x150];
	v52 =	vadd.s32 $0xFFFCF2C0, v41;
	vm10 =	vlt.s32 v47, $0x4E20;
	v56 =	vadd.s32 $0xFFFFB1E0, v47  }
0x67: {  	[tilespmem:$0x560] =	vst v17;
	v57 =	vand.u32 $0x3FAF, v55;
	v58 =	vand.u32 $0x1FFAF, v55;
	vm12 =	vgt.s32 v47, $0x30D3F  }
0x68: {  	[tilespmem:$0x590] =	vst v23;
	v59 =	vadd.s32 $0xFFFCF2C0, v47;
	v26 =	vand.u32 $0x7FFAF, v55;
	vm13 =	vlt.s32 v54, $0x4E20  }
0x69: {  	[tilespmem:$0x810] =	vst v14;
	v62 =	vand.u32 $0x1FFBF, v2;
	vm15 =	vgt.s32 v54, $0x30D3F;
	v2 =	vand.u32 $0x7FFBF, v2  }
0x6a: {  	[tilespmem:$0x5A0] =	vst v19;
	vm4 =	vlt.s32 v60, $0x4E20;
	vm6 =	vgt.s32 v60, $0x30D3F;
	v38 =	vand.u32 $0x3FDF, v36  }
0x6b: {  	[tilespmem:$0x820] =	vst v10;
	v40 =	vadd.s32 $0xFFFCF2C0, v29;
	v21 =	vsel vm11, v61, v63;
	v17 =	vsel vm14, v37, v39  }
0x6c: {  	[tilespmem:$0x340] =	vst v12;
	v16 =	vsel vm5, v43, v45;
	vm8 =	vlt.u32 v49, $0x2BF20;
	v53 =	vsel vm7, v41, v50  }
0x6d: {  	v42 =	vld [tilespmem:$0x170];
	[tilespmem:$0x5C0] =	vst v24;
	v9 =	vsel vm9, v52, v9;
	vm11 =	vlt.u32 v56, $0x2BF20;
	v19 =	vsel vm10, v47, v57  }
0x6e: {  	[tilespmem:$0x350] =	vst v4;
	v10 =	vsel vm12, v59, v26;
	v61 =	vadd.s32 $0xFFFFB1E0, v54;
	v63 =	vadd.s32 $0xFFFCF2C0, v54  }
0x6f: {  	[tilespmem:$0x850] =	vst v13;
	v1 =	vsel vm13, v54, v1;
	vm5 =	vlt.u32 v30, $0x2BF20;
	v4 =	vsel vm4, v60, v31  }
0x70: {  	[tilespmem:$0x5D0] =	vst v11;
	v3 =	vsel vm6, v33, v3;
	vm7 =	vlt.s32 v29, $0x4E20;
	v37 =	vadd.s32 $0xFFFFB1E0, v29  }
0x71: {  	s26 =	sadd.s32 $0x160, s24;
	s28 =	sadd.s32 $0x170, s24;
	[tilespmem:$0x360] =	vst v6;
	v39 =	vand.u32 $0x1FFDF, v36;
	vm9 =	vgt.s32 v29, $0x30D3F;
	v6 =	vand.u32 $0x7FFDF, v36  }
0x72: {  	[tilespmem:$0x860] =	vst v5;
	v43 =	vor.u32 s26, v0;
	v50 =	vor.u32 s28, v0;
	vm13 =	vlt.s32 v42, $0x4E20  }
0x73: {  	[tilespmem:$0x370] =	vst v15;
	v54 =	vadd.s32 $0xFFFCF2C0, v42;
	v25 =	vsel vm8, v49, v51;
	v20 =	vsel vm11, v56, v58  }
0x74: {  	v24 =	vld [tilespmem:$0x1A0];
	[tilespmem:$0x870] =	vst v7;
	vm14 =	vlt.u32 v61, $0x2BF20;
	v2 =	vsel vm15, v63, v2;
	v34 =	vsel vm5, v30, v32  }
0x75: {  	[tilespmem:$0x380] =	vst v8;
	vm8 =	vlt.u32 v37, $0x2BF20;
	v12 =	vsel vm7, v29, v38;
	v5 =	vsel vm9, v40, v6  }
0x76: {  	[tilespmem:$0x5F0] =	vst v17;
	v45 =	vand.u32 $0x3FEF, v43;
	v46 =	vand.u32 $0x1FFEF, v43;
	v17 =	vand.u32 $0x7FFEF, v43  }
0x77: {  	s29 =	sadd.s32 $0x180, s24;
	s31 =	sadd.s32 $0x1A0, s24;
	v51 =	vadd.s32 $0xFFFFB1E0, v42;
	[tilespmem:$0x390] =	vst v53;
	v52 =	vand.u32 $0x3FFF, v50;
	v53 =	vand.u32 $0x1FFFF, v50  }
0x78: {  	s26 =	sadd.s32 $0x1B0, s24;
	vm15 =	vgt.s32 v42, $0x30D3F;
	v58 =	vor.u32 s29, v0;
	[tilespmem:$0x8C0] =	vst v3;
	v3 =	vor.u32 s31, v0  }
0x79: {  	[tilespmem:$0x880] =	vst v18;
	v31 =	vadd.s32 $0xFFFFB1E0, v24;
	v38 =	vor.u32 s26, v0;
	v28 =	vsel vm14, v61, v62  }
0x7a: {  	[tilespmem:$0x5E0] =	vst v21;
	v41 =	vsel vm8, v37, v39;
	vm14 =	vlt.u32 v51, $0x2BF20;
	v6 =	vsel vm13, v42, v52  }
0x7b: {  	s30 =	sadd.s32 $0x190, s24;
	v35 =	vld [tilespmem:$0x160];
	[tilespmem:$0x3A0] =	vst v19;
	v60 =	vand.u32 $0x3F8F, v58;
	v61 =	vand.u32 $0x1FF8F, v58;
	v18 =	vand.u32 $0x7FF8F, v58  }
0x7c: {  	[tilespmem:$0x610] =	vst v25;
	v25 =	vor.u32 s30, v0;
	v32 =	vand.u32 $0x3FAF, v3;
	v33 =	vand.u32 $0x1FFAF, v3  }
0x7d: {  	v57 =	vld [tilespmem:$0x190];
	s29 =	sadd.s32 $0x1D0, s24;
	[tilespmem:$0x640] =	vst v34;
	v34 =	vadd.s32 $0xFFFCF2C0, v24;
	v3 =	vand.u32 $0x7FFAF, v3;
	v40 =	vand.u32 $0x3FBF, v38  }
0x7e: {  	[tilespmem:$0x8B0] =	vst v2;
	v52 =	vor.u32 s29, v0;
	v55 =	vsel vm14, v51, v53;
	v2 =	vand.u32 $0x3F9F, v25  }
0x7f: {  	v27 =	vand.u32 $0x1FF9F, v25;
	v19 =	vand.u32 $0x7FF9F, v25;
	[tilespmem:$0x650] =	vst v41;
	v41 =	vand.u32 $0x1FFBF, v38  }
0x80: {  	[tilespmem:$0x600] =	vst v16;
	v49 =	vld [tilespmem:$0x180];
	vm10 =	vlt.s32 v35, $0x4E20;
	v44 =	vadd.s32 $0xFFFFB1E0, v35;
	vm12 =	vgt.s32 v35, $0x30D3F  }
0x81: {  	[tilespmem:$0x890] =	vst v9;
	v47 =	vadd.s32 $0xFFFCF2C0, v35;
	vm11 =	vlt.u32 v44, $0x2BF20;
	v7 =	vsel vm10, v35, v45  }
0x82: {  	[tilespmem:$0x8A0] =	vst v10;
	v8 =	vsel vm12, v47, v17;
	v17 =	vand.u32 $0x7FFFF, v50;
	vm7 =	vlt.s32 v57, $0x4E20  }
0x83: {  	v30 =	vld [tilespmem:$0x1B0];
	[tilespmem:$0x630] =	vst v28;
	v26 =	vadd.s32 $0xFFFFB1E0, v57;
	vm9 =	vgt.s32 v57, $0x30D3F;
	v28 =	vadd.s32 $0xFFFCF2C0, v57  }
0x84: {  	[tilespmem:$0x3B0] =	vst v1;
	vm10 =	vlt.s32 v24, $0x4E20;
	vm12 =	vgt.s32 v24, $0x30D3F;
	v48 =	vsel vm11, v44, v46  }
0x85: {  	[tilespmem:$0x3C0] =	vst v4;
	v56 =	vsel vm15, v54, v17;
	vm4 =	vlt.s32 v49, $0x4E20;
	v59 =	vadd.s32 $0xFFFFB1E0, v49  }
0x86: {  	[tilespmem:$0x620] =	vst v20;
	vm6 =	vgt.s32 v49, $0x30D3F;
	v62 =	vadd.s32 $0xFFFCF2C0, v49;
	vm8 =	vlt.u32 v26, $0x2BF20  }
0x87: {  	[tilespmem:$0x3D0] =	vst v12;
	v2 =	vsel vm7, v57, v2;
	v4 =	vsel vm9, v28, v19;
	vm11 =	vlt.u32 v31, $0x2BF20  }
0x88: {  	[tilespmem:$0x8D0] =	vst v5;
	v37 =	vld [tilespmem:$0x1C0];
	v35 =	vsel vm10, v24, v32;
	v3 =	vsel vm12, v34, v3;
	vm13 =	vlt.s32 v30, $0x4E20  }
0x89: {  	s28 =	sadd.s32 $0x1C0, s24;
	[tilespmem:$0x3F0] =	vst v6;
	v39 =	vadd.s32 $0xFFFFB1E0, v30;
	vm15 =	vgt.s32 v30, $0x30D3F;
	v42 =	vadd.s32 $0xFFFCF2C0, v30  }
0x8a: {  	[tilespmem:$0x3E0] =	vst v7;
	v7 =	vand.u32 $0x7FFBF, v38;
	v46 =	vor.u32 s28, v0;
	v54 =	vand.u32 $0x1FFDF, v52  }
0x8b: {  	v58 =	vld [tilespmem:$0x1F0];
	[tilespmem:$0x670] =	vst v55;
	vm5 =	vlt.u32 v59, $0x2BF20;
	v1 =	vsel vm4, v49, v60;
	v10 =	vsel vm6, v62, v18  }
0x8c: {  	[tilespmem:$0x8E0] =	vst v8;
	v29 =	vsel vm8, v26, v27;
	v36 =	vsel vm11, v31, v33;
	vm14 =	vlt.u32 v39, $0x2BF20  }
0x8d: {  	[tilespmem:$0x660] =	vst v48;
	v43 =	vsel vm13, v30, v40;
	v7 =	vsel vm15, v42, v7;
	vm4 =	vlt.s32 v37, $0x4E20  }
0x8e: {  	v47 =	vadd.s32 $0xFFFFB1E0, v37;
	[tilespmem:$0x8F0] =	vst v56;
	v48 =	vand.u32 $0x3FCF, v46;
	v49 =	vand.u32 $0x1FFCF, v46  }
0x8f: {  	s31 =	sadd.s32 $0x1F0, s24;
	v51 =	vld [tilespmem:$0x1E0];
	vm6 =	vgt.s32 v37, $0x30D3F;
	v9 =	vand.u32 $0x7FFCF, v46;
	[tilespmem:$0x410] =	vst v2;
	v2 =	vand.u32 $0x3FDF, v52  }
0x90: {  	s28 =	sadd.s32 $0x210, s24;
	[tilespmem:$0x910] =	vst v4;
	v18 =	vor.u32 s31, v0;
	vm13 =	vlt.s32 v58, $0x4E20;
	v19 =	vadd.s32 $0xFFFFB1E0, v58  }
0x91: {  	[tilespmem:$0x420] =	vst v35;
	vm15 =	vgt.s32 v58, $0x30D3F;
	v22 =	vadd.s32 $0xFFFCF2C0, v58;
	v30 =	vor.u32 s28, v0  }
0x92: {  	v63 =	vsel vm5, v59, v61;
	v44 =	vsel vm14, v39, v41;
	vm5 =	vlt.u32 v47, $0x2BF20;
	[tilespmem:$0x400] =	vst v1  }
0x93: {  	s30 =	sadd.s32 $0x1E0, s24;
	v1 =	vadd.s32 $0xFFFCF2C0, v37;
	v14 =	vsel vm4, v37, v48;
	[tilespmem:$0x900] =	vst v10;
	v10 =	vand.u32 $0x7FFDF, v52  }
0x94: {  	[tilespmem:$0x920] =	vst v3;
	v59 =	vor.u32 s30, v0;
	vm10 =	vlt.s32 v51, $0x4E20;
	v60 =	vadd.s32 $0xFFFFB1E0, v51  }
0x95: {  	[tilespmem:$0x690] =	vst v29;
	vm12 =	vgt.s32 v51, $0x30D3F;
	v3 =	vadd.s32 $0xFFFCF2C0, v51;
	v20 =	vand.u32 $0x3FFF, v18  }
0x96: {  	s29 =	sadd.s32 $0x220, s24;
	[tilespmem:$0x6A0] =	vst v36;
	v21 =	vand.u32 $0x1FFFF, v18;
	vm14 =	vlt.u32 v19, $0x2BF20;
	v11 =	vand.u32 $0x7FFFF, v18  }
0x97: {  	v45 =	vld [tilespmem:$0x1D0];
	s31 =	sadd.s32 $0x240, s24;
	[tilespmem:$0x430] =	vst v43;
	v32 =	vand.u32 $0x3F9F, v30;
	v33 =	vand.u32 $0x1FF9F, v30;
	v6 =	vand.u32 $0x7FF9F, v30  }
0x98: {  	[tilespmem:$0x930] =	vst v7;
	v36 =	vor.u32 s29, v0;
	v48 =	vor.u32 s31, v0;
	v50 =	vsel vm5, v47, v49  }
0x99: {  	[tilespmem:$0x680] =	vst v63;
	v1 =	vsel vm6, v1, v9;
	v61 =	vand.u32 $0x3FEF, v59;
	v62 =	vand.u32 $0x1FFEF, v59  }
0x9a: {  	vm11 =	vlt.u32 v60, $0x2BF20;
	v5 =	vand.u32 $0x7FFEF, v59;
	[tilespmem:$0x6B0] =	vst v44;
	v7 =	vsel vm13, v58, v20  }
0x9b: {  	[tilespmem:$0x440] =	vst v14;
	v23 =	vsel vm14, v19, v21;
	v11 =	vsel vm15, v22, v11;
	v38 =	vand.u32 $0x3FAF, v36  }
0x9c: {  	v17 =	vld [tilespmem:$0x200];
	v39 =	vand.u32 $0x1FFAF, v36;
	v9 =	vand.u32 $0x7FFAF, v36;
	vm7 =	vlt.s32 v45, $0x4E20;
	[tilespmem:$0x6C0] =	vst v50  }
0x9d: {  	v24 =	vld [tilespmem:$0x210];
	v53 =	vadd.s32 $0xFFFFB1E0, v45;
	vm9 =	vgt.s32 v45, $0x30D3F;
	v55 =	vadd.s32 $0xFFFCF2C0, v45;
	[tilespmem:$0x940] =	vst v1  }
0x9e: {  	s26 =	sadd.s32 $0x200, s24;
	v63 =	vsel vm10, v51, v61;
	v16 =	vsel vm11, v60, v62;
	v3 =	vsel vm12, v3, v5;
	[tilespmem:$0x470] =	vst v7  }
0x9f: {  	v1 =	vor.u32 s26, v0;
	[tilespmem:$0x6F0] =	vst v23;
	v50 =	vand.u32 $0x3FCF, v48;
	v51 =	vand.u32 $0x1FFCF, v48  }
0xa0: {  	[tilespmem:$0x970] =	vst v11;
	vm8 =	vlt.u32 v53, $0x2BF20;
	v2 =	vsel vm7, v45, v2;
	v57 =	vsel vm9, v55, v10  }
0xa1: {  	v35 =	vld [tilespmem:$0x230];
	vm4 =	vlt.s32 v17, $0x4E20;
	v25 =	vadd.s32 $0xFFFFB1E0, v17;
	v26 =	vand.u32 $0x1FF8F, v1;
	[tilespmem:$0x460] =	vst v63  }
0xa2: {  	vm6 =	vgt.s32 v17, $0x30D3F;
	v27 =	vadd.s32 $0xFFFCF2C0, v17;
	vm7 =	vlt.s32 v24, $0x4E20;
	[tilespmem:$0x6E0] =	vst v16  }
0xa3: {  	v31 =	vadd.s32 $0xFFFFB1E0, v24;
	[tilespmem:$0x960] =	vst v3;
	vm9 =	vgt.s32 v24, $0x30D3F;
	v3 =	vadd.s32 $0xFFFCF2C0, v24  }
0xa4: {  	v29 =	vld [tilespmem:$0x220];
	v56 =	vsel vm8, v53, v54;
	[tilespmem:$0x450] =	vst v2;
	v2 =	vand.u32 $0x3F8F, v1;
	vm5 =	vlt.u32 v25, $0x2BF20  }
0xa5: {  	v41 =	vld [tilespmem:$0x240];
	v1 =	vand.u32 $0x7FF8F, v1;
	[tilespmem:$0x950] =	vst v57;
	vm8 =	vlt.u32 v31, $0x2BF20;
	v34 =	vsel vm7, v24, v32  }
0xa6: {  	s26 =	sadd.s32 $0x250, s24;
	v3 =	vsel vm9, v3, v6;
	vm13 =	vlt.s32 v35, $0x4E20;
	v42 =	vadd.s32 $0xFFFFB1E0, v35;
	[tilespmem:$0x6D0] =	vst v56  }
0xa7: {  	vm15 =	vgt.s32 v35, $0x30D3F;
	v45 =	vadd.s32 $0xFFFCF2C0, v35;
	v54 =	vor.u32 s26, v0;
	[tilespmem:$0x490] =	vst v34  }
0xa8: {  	v2 =	vsel vm4, v17, v2;
	v28 =	vsel vm5, v25, v26;
	v1 =	vsel vm6, v27, v1;
	[tilespmem:$0x990] =	vst v3  }
0xa9: {  	v47 =	vld [tilespmem:$0x250];
	v8 =	vsel vm8, v31, v33;
	vm10 =	vlt.s32 v29, $0x4E20;
	v37 =	vadd.s32 $0xFFFFB1E0, v29;
	[tilespmem:$0x480] =	vst v2  }
0xaa: {  	vm12 =	vgt.s32 v29, $0x30D3F;
	vm14 =	vlt.u32 v42, $0x2BF20;
	vm4 =	vlt.s32 v41, $0x4E20;
	[tilespmem:$0x700] =	vst v28  }
0xab: {  	v49 =	vadd.s32 $0xFFFFB1E0, v41;
	vm6 =	vgt.s32 v41, $0x30D3F;
	v56 =	vand.u32 $0x1FFDF, v54;
	[tilespmem:$0x980] =	vst v1  }
0xac: {  	s30 =	sadd.s32 $0x230, s24;
	v58 =	vld [tilespmem:$0x270];
	v6 =	vand.u32 $0x7FFDF, v54;
	vm11 =	vlt.u32 v37, $0x2BF20;
	v4 =	vsel vm10, v29, v38;
	[tilespmem:$0x710] =	vst v8  }
0xad: {  	v2 =	vadd.s32 $0xFFFCF2C0, v29;
	v1 =	vor.u32 s30, v0;
	v40 =	vsel vm11, v37, v39;
	[tilespmem:$0x4A0] =	vst v4  }
0xae: {  	vm5 =	vlt.u32 v49, $0x2BF20;
	vm7 =	vlt.s32 v47, $0x4E20;
	v2 =	vsel vm12, v2, v9;
	[tilespmem:$0x720] =	vst v40  }
0xaf: {  	v55 =	vadd.s32 $0xFFFFB1E0, v47;
	v43 =	vand.u32 $0x3FBF, v1;
	v52 =	vsel vm5, v49, v51;
	[tilespmem:$0x9A0] =	vst v2  }
0xb0: {  	v53 =	vld [tilespmem:$0x260];
	vm9 =	vgt.s32 v47, $0x30D3F;
	v44 =	vand.u32 $0x1FFBF, v1;
	v3 =	vsel vm13, v35, v43;
	[tilespmem:$0x740] =	vst v52  }
0xb1: {  	v62 =	vadd.s32 $0xFFFFB1E0, v58;
	v1 =	vand.u32 $0x7FFBF, v1;
	v46 =	vsel vm14, v42, v44;
	[tilespmem:$0x4B0] =	vst v3  }
0xb2: {  	v4 =	vand.u32 $0x7FFCF, v48;
	vm8 =	vlt.u32 v55, $0x2BF20;
	v1 =	vsel vm15, v45, v1;
	[tilespmem:$0x730] =	vst v46  }
0xb3: {  	v2 =	vadd.s32 $0xFFFCF2C0, v41;
	v57 =	vsel vm8, v55, v56;
	vm13 =	vlt.s32 v58, $0x4E20;
	[tilespmem:$0x9B0] =	vst v1  }
0xb4: {  	v3 =	vsel vm4, v41, v50;
	v2 =	vsel vm6, v2, v4;
	v1 =	vand.u32 $0x3FDF, v54;
	[tilespmem:$0x750] =	vst v57  }
0xb5: {  	s28 =	sadd.s32 $0x260, s24;
	vm10 =	vlt.s32 v53, $0x4E20;
	v59 =	vadd.s32 $0xFFFFB1E0, v53;
	vm12 =	vgt.s32 v53, $0x30D3F;
	[tilespmem:$0x4C0] =	vst v3  }
0xb6: {  	v3 =	vadd.s32 $0xFFFCF2C0, v47;
	v1 =	vsel vm7, v47, v1;
	[tilespmem:$0x9C0] =	vst v2;
	v2 =	vor.u32 s28, v0  }
0xb7: {  	v61 =	vadd.s32 $0xFFFCF2C0, v53;
	v3 =	vsel vm9, v3, v6;
	[tilespmem:$0x4D0] =	vst v1;
	v1 =	vand.u32 $0x3FEF, v2  }
0xb8: {  	s24 =	sadd.s32 $0x270, s24;
	vm11 =	vlt.u32 v59, $0x2BF20;
	v60 =	vand.u32 $0x1FFEF, v2;
	v1 =	vsel vm10, v53, v1;
	[tilespmem:$0x9D0] =	vst v3  }
0xb9: {  	v2 =	vand.u32 $0x7FFEF, v2;
	v3 =	vsel vm11, v59, v60;
	[tilespmem:$0x4E0] =	vst v1;
	v1 =	vor.u32 s24, v0  }
0xba: {  	vm14 =	vlt.u32 v62, $0x2BF20;
	v2 =	vsel vm12, v61, v2;
	[tilespmem:$0x760] =	vst v3;
	v3 =	vand.u32 $0x3FFF, v1  }
0xbb: {  	vm15 =	vgt.s32 v58, $0x30D3F;
	[tilespmem:$0x9E0] =	vst v2;
	v63 =	vand.u32 $0x1FFFF, v1;
	v2 =	vsel vm13, v58, v3  }
0xbc: {  	s29 =	rddreg [dreg:$0x4];
	v1 =	vand.u32 $0x7FFFF, v1;
	v4 =	vsel vm14, v62, v63;
	[tilespmem:$0x4F0] =	vst v2;
	v2 =	vadd.s32 $0xFFFCF2C0, v58  }
0xbd: {  	s31 =	rddreg [dreg:$0x8];
	[tilespmem:$0x770] =	vst v4;
	v1 =	vsel vm15, v2, v1  }
0xbe: {  	s26 =	rddreg [dreg:$0x6];
	[tilespmem:$0x9F0] =	vst v1  }
0xbf: {  	[tilespmem:s12], [sflag:$0x1] =	stream.indirect.gather [hbm4b:s29+s11], $0x80, s11, s11, $0xb8;
	[tilespmem:$0x1AE00] =	vst v63  }
0xc0: {  	s30 =	rddreg [dreg:$0x5]  }
0xc1: {  	[tilespmem:s13], [sflag:$0x2] =	stream.indirect.gather [hbm4b:s30+s11], $0x20, s31, s11, $0xb8;
	[tilespmem:$0x1AE00] =	vst v63  }
0xc2: {  	s28 =	rddreg [dreg:$0x9]  }
0xc3: {  	[tilespmem:s14], [sflag:$0x3] =	stream.indirect.gather [hbm4b:s26+s11], $0x8, s28, s11, $0xb8;
	[tilespmem:$0x1AE00] =	vst v63  }
0xc4: {  	_ =	swait.ge [sflag:s5], $0x14000  }
0xc5: {  	[sflag:s5] =	ssyncset.done $0x0  }
0xc6: {  	[sflag:s5] =	ssyncadd.s32 $0xFFFEC000  }
0xc7: {  	_ =	swait.ge [sflag:s15], $0x5000  }
0xc8: {  	[sflag:s15] =	ssyncset.done $0x0  }
0xc9: {  	[sflag:s15] =	ssyncadd.s32 $0xFFFFB000  }
0xca: {  	_ =	swait.ge [sflag:s16], $0x1400  }
0xcb: {  	[sflag:s16] =	ssyncset.done $0x0  }
0xcc: {  	[sflag:s16] =	ssyncadd.s32 $0xFFFFEC00  }
0xcd: {  	[hbm4b:s20+s2] =	stream.linear.scatter [tilespmem:s12], [sflag:$0x4], $0x14000, $0x38;
	[tilespmem:$0x1AE00] =	vst v63  }
0xce: {  	_ =	swait.ge [sflag:s10], $0x14000  }
0xcf: {  	[sflag:s10] =	ssyncset.done $0x0  }
0xd0: {  	s28 =	rddreg [dreg:$0xa];
	[sflag:s10] =	ssyncadd.s32 $0xFFFEC000  }
0xd1: {  	[hbm4b:s21+s28] =	stream.strided.scatter [tilespmem:s13], [sflag:$0x4], $0x5000, s17, s28, $0x38;
	[tilespmem:$0x1AE00] =	vst v63  }
0xd2: {  	_ =	swait.ge [sflag:s10], $0x5000  }
0xd3: {  	p0 =	sne.s32 s23, $0x1680;
	s29 =	rddreg [dreg:$0x7]  }
0xd4: {  	s31 =	sand.u32 $0x1FFFFFFF, s22;
	s30 =	rddreg [dreg:$0xb];
	[sflag:s10] =	ssyncset.done $0x0  }
.Ltmp0:
0xd5: {  	s24 =	sadd.s32 s29, s31;
	[sflag:s10] =	ssyncadd.s32 $0xFFFFB000;
	(pc) =	sbr.rel @p0 .LBB2_2-.Ltmp0, $4  }
0xd6: {  	[hbm4b:s24+s30] =	stream.strided.scatter [tilespmem:s14], [sflag:$0x4], $0x1400, s17, s30, $0x38;
	[tilespmem:$0x1AE00] =	vst v63  }
0xd7: {  	s19 =	sadd.s32 $0x50, s19;
	_ =	swait.ge [sflag:s10], $0x1400  }
0xd8: {  	s23 =	sadd.s32 $0x280, s23;
	s22 =	sadd.s32 $0x2800, s22;
	[sflag:s10] =	ssyncset.done $0x0  }
0xd9: {  	s20 =	sadd.s32 $0x2800, s20;
	s21 =	sadd.s32 $0x2800, s21;
	[sflag:s10] =	ssyncadd.s32 $0xFFFFEC00  }
0xda: {  	s18 =	sadd.s32 $0x1, s18  }
0xdb: {  	p0 =	sne.s32 s18, s4  }
.Ltmp1:
0xdc: {  	_ = 	snop;
	(pc) =	sbr.rel @p0 .LBB2_1-.Ltmp1, $1  }
0xdd: {  	_ =	sdelay $0x3  }
0xde: {  	_ =	sfence.sel $0x180000  }
0xdf: {  	[bflag:$0x0] =	sbarrier.arrive $0xFFFF  }
0xe0: {  	p0 =	sne.s32 s1, $0x0;
	_ =	strace $0x90000047  }
0xe1: {  	s0 =	sadd.s32 @!p0 $0x100000, s0;
	[bflag:$0x2] =	sbarrier.arrive $0xFFFF  }
0xe2: {  	[sflag:s0] =	ssyncadd.tile.s32 @!p0 $0x1;
	_ =	shalt  }
.Lfunc_end2:
_tile_overlayer_lowered:
.L_overlay_start_2:
0xe3: {  	(tag) =	ssettag $0x2  }
0xe4: {  	s0 =	rddreg [dreg:$0x0];
	s2 =	stileid.u32  }
0xe5: {  	s1 =	rddreg [dreg:$0x1];
	p0 =	sne.s32 s2, $0x0  }
0xe6: {  	s3 =	rddreg [dreg:$0x2];
	[bflag:$0x3] =	sbarrier.arrive $0xFFFF;
	s2 =	simm.s32 @!p0 $0x1C04  }
0xe7: {  	[timem:s3], [sflag:s2] =	dma.local @!p0 [hbm:s0], s1  }
0xe8: {  	s0 =	simm.s32 @!p0 $0x4  }
0xe9: {  	_ =	swait.ge @!p0 [sflag:s0], s1  }
0xea: {  	s1 =	ssub.s32 @!p0 $0x0, s1;
	[sflag:s0] =	ssyncset.done @!p0 $0x0  }
0xeb: {  	[sflag:s0] =	ssyncadd.s32 @!p0 s1  }
0xec: {  	[bflag:$0x3] =	sbarrier.arrive $0xFFFF  }
0xed: {  	_ =	shalt  }

</sc_bundles>
